<compile_context>
chip_gen: v7x
topology: tpu7x:2x2x1
jax: 0.10.2.dev20260603
libtpu: 0.0.44.dev20260713+nightly
codegen_flags: <defaults>
</compile_context>

<pallas_src>
import functools

import jax
import jax.numpy as jnp
from jax import lax
from jax.experimental import pallas as pl
from jax.experimental.pallas import tpu as pltpu
from jax.experimental.pallas import tpu_sc as plsc

B, N, F = 64, 8192, 128
L = 16
NT = N // (L * L)
K_HARD, K_CONF = 10, 5
PAD = 16
ROWS_PER_TILE = 2


def _key_hard(s):
    return jnp.abs(s - 0.5)


def _key_id(s):
    return s


def _phase1(score_v, roff, iota, sh_val, sh_u, sn_val, sn_u, sa_val, sa_u,
            l2h, l2n, l2a):

    def merge_min(a, b):
        (va, ua), (vb, ub) = a, b
        m = vb < va
        return jnp.where(m, vb, va), jnp.where(m, ub, ua)

    def merge_max(a, b):
        (va, ua), (vb, ub) = a, b
        m = vb > va
        return jnp.where(m, vb, va), jnp.where(m, ub, ua)

    def tree(leaves, merge):
        while len(leaves) > 1:
            leaves = [merge(leaves[i], leaves[i + 1])
                      for i in range(0, len(leaves), 2)]
        return leaves[0]

    def tt_body(tt, _):
        def body(t2, carry):
            ch, cn, ca = carry
            t = tt * L + t2
            base = t * (L * L)
            ss = [score_v[pl.ds(roff + base + u * L, L)] for u in range(L)]
            us = [jnp.full((L,), u, jnp.int32) for u in range(L)]
            run_h, run_hu = tree([(_key_hard(s), u) for s, u in zip(ss, us)],
                                 merge_min)
            run_n, run_nu = tree(list(zip(ss, us)), merge_min)
            run_a, run_au = tree(list(zip(ss, us)), merge_max)
            sh_val[t] = run_h
            sh_u[t] = run_hu
            sn_val[t] = run_n
            sn_u[t] = run_nu
            sa_val[t] = run_a
            sa_u[t] = run_au
            lm = iota == t2
            ch = jnp.where(lm, jnp.min(run_h), ch)
            cn = jnp.where(lm, jnp.min(run_n), cn)
            ca = jnp.where(lm, jnp.max(run_a), ca)
            return ch, cn, ca

        z = jnp.zeros((L,), jnp.float32)
        ch, cn, ca = lax.fori_loop(0, L, body, (z, z, z))
        l2h[tt] = ch
        l2n[tt] = cn
        l2a[tt] = ca
        return 0

    lax.fori_loop(0, NT // L, tt_body, 0)


def _topk_pass(score_v, roff, sval, su, l2, excl, iota, is_min, key_fn,
               p, sel_vec):
    sentinel = jnp.int32(1 << 30)
    bad = jnp.float32(jnp.inf if is_min else -jnp.inf)
    one = jnp.int32(1)
    v0 = l2[0]
    v1 = l2[1]
    m01 = (v1 < v0) if is_min else (v1 > v0)
    vbest = jnp.where(m01, v1, v0)
    tbase = jnp.where(m01, L, 0)
    mval = jnp.min(vbest) if is_min else jnp.max(vbest)
    tcand = jnp.where(vbest == mval, tbase + iota, sentinel)
    t_best = jnp.min(tcand)
    sv = sval[t_best]
    uu = su[t_best]
    icand = jnp.where(sv == mval, t_best * (L * L) + uu * L + iota,
                      sentinel)
    g = jnp.min(icand)
    sel_vec = jnp.where(iota == p, g, sel_vec)
    l_sel = lax.bitwise_and(g, L - 1)
    u_sel = lax.bitwise_and(lax.shift_right_logical(g, 4), L - 1)
    lanem = iota == l_sel
    erow = excl[t_best]
    e_new = jnp.bitwise_or(jnp.max(jnp.where(lanem, erow, 0)),
                           lax.shift_left(one, u_sel))
    excl[t_best] = jnp.where(lanem, e_new, erow)
    bidx = t_best * (L * L) + iota * L + l_sel
    key = key_fn(plsc.load_gather(score_v, [bidx + roff]))
    em = lax.bitwise_and(lax.shift_right_logical(e_new, iota), one) == one
    keym = jnp.where(em, bad, key)
    vnew = jnp.min(keym) if is_min else jnp.max(keym)
    ufirst = jnp.min(jnp.where(keym == vnew, iota, jnp.int32(L)))
    newsv = jnp.where(lanem, vnew, sv)
    sval[t_best] = newsv
    su[t_best] = jnp.where(lanem, ufirst, uu)
    l2row = lax.shift_right_logical(t_best, 4)
    l2new = jnp.min(newsv) if is_min else jnp.max(newsv)
    l2lane = lax.bitwise_and(t_best, L - 1)
    l2[l2row] = jnp.where(iota == l2lane, l2new, l2[l2row])
    return sel_vec


def _scrub(excl, sel_vec):
    plsc.store_scatter(
        excl,
        [lax.shift_right_logical(sel_vec, 8), lax.bitwise_and(sel_vec, L - 1)],
        jnp.zeros((L,), jnp.int32))


def _body(feat_hbm, score_hbm,
          o_fp, o_vp, o_ip,
          score_v, sh_val, sh_u, sn_val, sn_u, sa_val, sa_u,
          l2h, l2n, l2a, exh, exn, exa,
          idx_v, gidx_v, vals_v, rows_v, sem_in, sem_g, sem_out):
    cid = lax.axis_index("c")
    sid = lax.axis_index("s")
    wid = sid * 2 + cid
    iota = lax.iota(jnp.int32, L)
    zf = jnp.zeros((L,), jnp.float32)
    zi = jnp.zeros((L,), jnp.int32)
    for q in range(2 * F // L):
        vals_v[pl.ds(q * L, L)] = zf
        idx_v[pl.ds(q * L, L)] = zi

    def zero_body(t, _):
        exh[t] = zi
        exn[t] = zi
        exa[t] = zi
        return 0

    lax.fori_loop(0, NT, zero_body, 0)

    def score_copy(r, start):
        b = wid * ROWS_PER_TILE + r
        h = pltpu.make_async_copy(score_hbm.at[b],
                                  score_v.at[pl.ds((r & 1) * N, N)], sem_in)
        if start:
            h.start()
        else:
            h.wait()

    score_copy(0, True)

    def row_body(r, _):
        rb = r & 1
        roff = rb * N
        b = wid * ROWS_PER_TILE + r
        with jax.named_scope("dma_in"):
            score_copy(r, False)

            @pl.when(r + 1 < ROWS_PER_TILE)
            def _():
                score_copy(r + 1, True)

        with jax.named_scope("phase1"):
            _phase1(score_v, roff, iota, sh_val, sh_u, sn_val, sn_u,
                    sa_val, sa_u, l2h, l2n, l2a)
        nor_args = (score_v, roff, sn_val, sn_u, l2n, exn, iota, True,
                    _key_id)
        abn_args = (score_v, roff, sa_val, sa_u, l2a, exa, iota, False,
                    _key_id)
        hard_args = (score_v, roff, sh_val, sh_u, l2h, exh, iota, True,
                     _key_hard)

        def emit(slot, sel):
            idx_v[pl.ds(r * F + slot * L, L)] = sel
            vals_v[pl.ds(r * F + slot * L, L)] = plsc.load_gather(
                score_v, [sel + roff])
            gs = pl.ds(rb * 3 * L + slot * L, L)
            gidx_v[gs] = sel + b * N
            pltpu.make_async_copy(feat_hbm.at[gidx_v.at[gs]],
                                  rows_v.at[gs], sem_g).start()

        with jax.named_scope("select"):
            z = jnp.zeros((L,), jnp.int32)
            for slot, args, k, exc in ((0, nor_args, K_CONF, exn),
                                       (1, abn_args, K_CONF, exa),
                                       (2, hard_args, K_HARD, exh)):
                sel = lax.fori_loop(
                    0, k, lambda p, s, a=args: _topk_pass(*a, p, s), z)
                _scrub(exc, sel)
                emit(slot, sel)
        with jax.named_scope("dma_out"):
            pltpu.make_async_copy(vals_v.at[pl.ds(r * F, F)], o_vp.at[b],
                                  sem_out).start()
            pltpu.make_async_copy(idx_v.at[pl.ds(r * F, F)], o_ip.at[b],
                                  sem_out).start()
        return 0

    lax.fori_loop(0, ROWS_PER_TILE, row_body, 0)
    with jax.named_scope("drain"):
        for r in range(ROWS_PER_TILE):
            for slot in range(3):
                gs = pl.ds((r & 1) * 3 * L + slot * L, L)
                pltpu.make_async_copy(feat_hbm.at[gidx_v.at[gs]],
                                      rows_v.at[gs], sem_g).wait()
        for r in range(ROWS_PER_TILE):
            b = wid * ROWS_PER_TILE + r
            pltpu.make_async_copy(rows_v.at[pl.ds((r & 1) * 3 * L, 3 * L)],
                                  o_fp.at[b], sem_out).start()
        for r in range(ROWS_PER_TILE):
            b = wid * ROWS_PER_TILE + r
            pltpu.make_async_copy(vals_v.at[pl.ds(r * F, F)], o_vp.at[b],
                                  sem_out).wait()
            pltpu.make_async_copy(idx_v.at[pl.ds(r * F, F)], o_ip.at[b],
                                  sem_out).wait()
            pltpu.make_async_copy(rows_v.at[pl.ds((r & 1) * 3 * L, 3 * L)],
                                  o_fp.at[b], sem_out).wait()


_mesh = plsc.VectorSubcoreMesh(core_axis_name="c", subcore_axis_name="s")

_sc_call = pl.kernel(
    _body,
    out_type=[
        jax.ShapeDtypeStruct((B, 3 * L, F), jnp.float32),
        jax.ShapeDtypeStruct((B, F), jnp.float32),
        jax.ShapeDtypeStruct((B, F), jnp.int32),
    ],
    mesh=_mesh,
    compiler_params=pltpu.CompilerParams(needs_layout_passes=False),
    scratch_types=[
        pltpu.VMEM((2 * N,), jnp.float32),
        pltpu.VMEM((NT, L), jnp.float32),
        pltpu.VMEM((NT, L), jnp.int32),
        pltpu.VMEM((NT, L), jnp.float32),
        pltpu.VMEM((NT, L), jnp.int32),
        pltpu.VMEM((NT, L), jnp.float32),
        pltpu.VMEM((NT, L), jnp.int32),
        pltpu.VMEM((NT // L, L), jnp.float32),
        pltpu.VMEM((NT // L, L), jnp.float32),
        pltpu.VMEM((NT // L, L), jnp.float32),
        pltpu.VMEM((NT, L), jnp.int32),
        pltpu.VMEM((NT, L), jnp.int32),
        pltpu.VMEM((NT, L), jnp.int32),
        pltpu.VMEM((2 * F,), jnp.int32),
        pltpu.VMEM((2 * 3 * L,), jnp.int32),
        pltpu.VMEM((2 * F,), jnp.float32),
        pltpu.VMEM((2 * 3 * L, F), jnp.float32),
        pltpu.SemaphoreType.DMA,
        pltpu.SemaphoreType.DMA,
        pltpu.SemaphoreType.DMA,
    ],
)


def _tc_post_body(fp_ref, vp_ref, ip_ref,
                  o_fn, o_sn, o_in, o_fa, o_sa, o_ia, o_fh, o_sh, o_ih):
    fp = fp_ref[...]
    for k in range(K_CONF):
        o_fn[k] = fp[:, k, :]
        o_fa[k] = fp[:, L + k, :]
    for k in range(K_HARD):
        o_fh[k] = fp[:, 2 * L + k, :]
    vpt = jnp.swapaxes(vp_ref[...], 0, 1)
    o_sn[...] = vpt[0:K_CONF, :]
    o_sa[...] = vpt[L:L + K_CONF, :]
    o_sh[...] = vpt[2 * L:2 * L + K_HARD, :]
    ipt = jnp.swapaxes(ip_ref[...], 0, 1)
    o_in[...] = ipt[0:K_CONF, :]
    o_ia[...] = ipt[L:L + K_CONF, :]
    o_ih[...] = ipt[2 * L:2 * L + K_HARD, :]


_tc_post = pl.pallas_call(
    _tc_post_body,
    out_shape=[
        jax.ShapeDtypeStruct((K_CONF, B, F), jnp.float32),
        jax.ShapeDtypeStruct((K_CONF, B), jnp.float32),
        jax.ShapeDtypeStruct((K_CONF, B), jnp.int32),
        jax.ShapeDtypeStruct((K_CONF, B, F), jnp.float32),
        jax.ShapeDtypeStruct((K_CONF, B), jnp.float32),
        jax.ShapeDtypeStruct((K_CONF, B), jnp.int32),
        jax.ShapeDtypeStruct((K_HARD, B, F), jnp.float32),
        jax.ShapeDtypeStruct((K_HARD, B), jnp.float32),
        jax.ShapeDtypeStruct((K_HARD, B), jnp.int32),
    ],
)


@jax.jit
def kernel(feat, score):
    feat_flat = feat.reshape(B * N, F)
    fp, vp, ip = _sc_call(feat_flat, score)
    fn, sn, i_n, fa, sa, i_a, fh, sh, i_h = _tc_post(fp, vp, ip)
    return (jnp.swapaxes(fn, 0, 1), sn.T, i_n.T,
            jnp.swapaxes(fa, 0, 1), sa.T, i_a.T,
            jnp.swapaxes(fh, 0, 1), sh.T, i_h.T)

# --- scband reference (transcript-rebuilt; emitter-appended) ---
"""Pipeline reference for scband-sample-generator-48017734369826 (READ-ONLY COPY).

The authoritative reference and input builder live on the scoring server;
editing this copy changes nothing except your own understanding.
"""

import jax, jax.numpy as jnp
import numpy as np


def setup_inputs(seed: int = 0) -> dict:
    key = jax.random.key(seed)
    k1, k2 = jax.random.split(key)
    feat = jax.random.normal(k1, (64, 8192, 128), dtype=jnp.float32)
    score = jax.random.uniform(k2, (64, 8192), dtype=jnp.float32)
    return {"feat": feat, "score": score}


def reference(feat, score):
    # type='Abnormal' branch (default)
    F_len = feat.shape[2]
    mean_score_abn = jnp.mean(score, axis=1)
    alpha = 1.0
    pl_abn = alpha * jnp.exp(score - mean_score_abn[:, None]) + score - 1.0
    pl_abn = jnp.clip(pl_abn, 0.0, 1.0)  # F.hardtanh(pl_abn, 0, 1)
    pl_abn = score  # original code overwrites pl_abn with score

    # idx_ano_generate(score, type='Abnormal')
    hard_topK = 10
    _, idx_hard = jax.lax.top_k(-jnp.abs(score - 0.5), hard_topK)  # largest=False
    conf_nor_topK = 5
    _, idx_conf_nor = jax.lax.top_k(-score, conf_nor_topK)  # largest=False
    conf_abn_topK = 5
    _, idx_conf_abn = jax.lax.top_k(score, conf_abn_topK)  # largest=True

    feat_conf_nor = jnp.take_along_axis(feat, idx_conf_nor[:, :, None], axis=1)
    score_conf_nor = jnp.take_along_axis(pl_abn, idx_conf_nor, axis=1)
    feat_conf_abn = jnp.take_along_axis(feat, idx_conf_abn[:, :, None], axis=1)
    score_conf_abn = jnp.take_along_axis(pl_abn, idx_conf_abn, axis=1)
    feat_hard = jnp.take_along_axis(feat, idx_hard[:, :, None], axis=1)
    score_hard = jnp.take_along_axis(pl_abn, idx_hard, axis=1)

    return (feat_conf_nor, score_conf_nor, idx_conf_nor,
            feat_conf_abn, score_conf_abn, idx_conf_abn,
            feat_hard, score_hard, idx_hard)

if __name__ == "__main__":
    import jax
    _d = setup_inputs()
    print(jax.jit(kernel)(*tuple(_d.values())))

</pallas_src>

<mosaic_0001>
#map = affine_map<(d0, d1) -> (0, 0)>
#map1 = affine_map<(d0, d1) -> (0, 0, 0)>
module attributes {stable_mosaic.version = 14 : i64} {
  func.func @_body(%arg0: i32, %arg1: i32, %arg2: memref<524288x128xf32, #tpu.memory_space<hbm>>, %arg3: memref<64x8192xf32, #tpu.memory_space<hbm>>, %arg4: memref<64x48x128xf32, #tpu.memory_space<hbm>>, %arg5: memref<64x128xf32, #tpu.memory_space<hbm>>, %arg6: memref<64x128xi32, #tpu.memory_space<hbm>>, %arg7: memref<16384xf32, #tpu.memory_space<vmem>>, %arg8: memref<32x16xf32, #tpu.memory_space<vmem>>, %arg9: memref<32x16xi32, #tpu.memory_space<vmem>>, %arg10: memref<32x16xf32, #tpu.memory_space<vmem>>, %arg11: memref<32x16xi32, #tpu.memory_space<vmem>>, %arg12: memref<32x16xf32, #tpu.memory_space<vmem>>, %arg13: memref<32x16xi32, #tpu.memory_space<vmem>>, %arg14: memref<2x16xf32, #tpu.memory_space<vmem>>, %arg15: memref<2x16xf32, #tpu.memory_space<vmem>>, %arg16: memref<2x16xf32, #tpu.memory_space<vmem>>, %arg17: memref<32x16xi32, #tpu.memory_space<vmem>>, %arg18: memref<32x16xi32, #tpu.memory_space<vmem>>, %arg19: memref<32x16xi32, #tpu.memory_space<vmem>>, %arg20: memref<256xi32, #tpu.memory_space<vmem>>, %arg21: memref<96xi32, #tpu.memory_space<vmem>>, %arg22: memref<256xf32, #tpu.memory_space<vmem>>, %arg23: memref<96x128xf32, #tpu.memory_space<vmem>>, %arg24: memref<!tpu.dma_semaphore, #tpu.memory_space<semaphore_mem>>, %arg25: memref<!tpu.dma_semaphore, #tpu.memory_space<semaphore_mem>>, %arg26: memref<!tpu.dma_semaphore, #tpu.memory_space<semaphore_mem>>) attributes {dimension_semantics = [#tpu.dimension_semantics<core_parallel>, #tpu.dimension_semantics<subcore_parallel>], iteration_bounds = array<i64: 2, 16>, scalar_prefetch = 0 : i64, scratch_operands = 20 : i64, tpu.core_type = #tpu.core_type<sc_vector_subcore>, window_params = [{transform_indices = #map}, {transform_indices = #map}, {transform_indices = #map1}, {transform_indices = #map}, {transform_indices = #map}]} {
    %mul3A = arith.constant 2 : i32
    %mul3A_0 = arith.muli %arg1, %mul3A : i32
    %add3A = arith.addi %mul3A_0, %arg0 : i32
    %iota3A = tpu.iota {dimensions = array<i32: 0>} : vector<16xi32>
    %broadcast_in_dim3A = arith.constant 0.000000e+00 : f32
    %broadcast_in_dim3A_1 = vector.broadcast %broadcast_in_dim3A : f32 to vector<16xf32>
    %broadcast_in_dim3A_2 = arith.constant 0 : i32
    %broadcast_in_dim3A_3 = vector.broadcast %broadcast_in_dim3A_2 : i32 to vector<16xi32>
    %swap3A = arith.constant 0 : index
    %swap3A_4 = tpu.vector_load %arg22[%swap3A] {strides = array<i32>} : memref<256xf32, #tpu.memory_space<vmem>>, vector<16xf32>,
    tpu.vector_store %arg22[%swap3A], %broadcast_in_dim3A_1 {strides = array<i32>} : memref<256xf32, #tpu.memory_space<vmem>>, vector<16xf32>,
    %swap3A_5 = arith.constant 0 : index
    %swap3A_6 = tpu.vector_load %arg20[%swap3A_5] {strides = array<i32>} : memref<256xi32, #tpu.memory_space<vmem>>, vector<16xi32>,
    tpu.vector_store %arg20[%swap3A_5], %broadcast_in_dim3A_3 {strides = array<i32>} : memref<256xi32, #tpu.memory_space<vmem>>, vector<16xi32>,
    %swap3A_7 = arith.constant 16 : index
    %swap3A_8 = tpu.vector_load %arg22[%swap3A_7] {strides = array<i32>} : memref<256xf32, #tpu.memory_space<vmem>>, vector<16xf32>,
    tpu.vector_store %arg22[%swap3A_7], %broadcast_in_dim3A_1 {strides = array<i32>} : memref<256xf32, #tpu.memory_space<vmem>>, vector<16xf32>,
    %swap3A_9 = arith.constant 16 : index
    %swap3A_10 = tpu.vector_load %arg20[%swap3A_9] {strides = array<i32>} : memref<256xi32, #tpu.memory_space<vmem>>, vector<16xi32>,
    tpu.vector_store %arg20[%swap3A_9], %broadcast_in_dim3A_3 {strides = array<i32>} : memref<256xi32, #tpu.memory_space<vmem>>, vector<16xi32>,
    %swap3A_11 = arith.constant 32 : index
    %swap3A_12 = tpu.vector_load %arg22[%swap3A_11] {strides = array<i32>} : memref<256xf32, #tpu.memory_space<vmem>>, vector<16xf32>,
    tpu.vector_store %arg22[%swap3A_11], %broadcast_in_dim3A_1 {strides = array<i32>} : memref<256xf32, #tpu.memory_space<vmem>>, vector<16xf32>,
    %swap3A_13 = arith.constant 32 : index
    %swap3A_14 = tpu.vector_load %arg20[%swap3A_13] {strides = array<i32>} : memref<256xi32, #tpu.memory_space<vmem>>, vector<16xi32>,
    tpu.vector_store %arg20[%swap3A_13], %broadcast_in_dim3A_3 {strides = array<i32>} : memref<256xi32, #tpu.memory_space<vmem>>, vector<16xi32>,
    %swap3A_15 = arith.constant 48 : index
    %swap3A_16 = tpu.vector_load %arg22[%swap3A_15] {strides = array<i32>} : memref<256xf32, #tpu.memory_space<vmem>>, vector<16xf32>,
    tpu.vector_store %arg22[%swap3A_15], %broadcast_in_dim3A_1 {strides = array<i32>} : memref<256xf32, #tpu.memory_space<vmem>>, vector<16xf32>,
    %swap3A_17 = arith.constant 48 : index
    %swap3A_18 = tpu.vector_load %arg20[%swap3A_17] {strides = array<i32>} : memref<256xi32, #tpu.memory_space<vmem>>, vector<16xi32>,
    tpu.vector_store %arg20[%swap3A_17], %broadcast_in_dim3A_3 {strides = array<i32>} : memref<256xi32, #tpu.memory_space<vmem>>, vector<16xi32>,
    %swap3A_19 = arith.constant 64 : index
    %swap3A_20 = tpu.vector_load %arg22[%swap3A_19] {strides = array<i32>} : memref<256xf32, #tpu.memory_space<vmem>>, vector<16xf32>,
    tpu.vector_store %arg22[%swap3A_19], %broadcast_in_dim3A_1 {strides = array<i32>} : memref<256xf32, #tpu.memory_space<vmem>>, vector<16xf32>,
    %swap3A_21 = arith.constant 64 : index
    %swap3A_22 = tpu.vector_load %arg20[%swap3A_21] {strides = array<i32>} : memref<256xi32, #tpu.memory_space<vmem>>, vector<16xi32>,
    tpu.vector_store %arg20[%swap3A_21], %broadcast_in_dim3A_3 {strides = array<i32>} : memref<256xi32, #tpu.memory_space<vmem>>, vector<16xi32>,
    %swap3A_23 = arith.constant 80 : index
    %swap3A_24 = tpu.vector_load %arg22[%swap3A_23] {strides = array<i32>} : memref<256xf32, #tpu.memory_space<vmem>>, vector<16xf32>,
    tpu.vector_store %arg22[%swap3A_23], %broadcast_in_dim3A_1 {strides = array<i32>} : memref<256xf32, #tpu.memory_space<vmem>>, vector<16xf32>,
    %swap3A_25 = arith.constant 80 : index
    %swap3A_26 = tpu.vector_load %arg20[%swap3A_25] {strides = array<i32>} : memref<256xi32, #tpu.memory_space<vmem>>, vector<16xi32>,
    tpu.vector_store %arg20[%swap3A_25], %broadcast_in_dim3A_3 {strides = array<i32>} : memref<256xi32, #tpu.memory_space<vmem>>, vector<16xi32>,
    %swap3A_27 = arith.constant 96 : index
    %swap3A_28 = tpu.vector_load %arg22[%swap3A_27] {strides = array<i32>} : memref<256xf32, #tpu.memory_space<vmem>>, vector<16xf32>,
    tpu.vector_store %arg22[%swap3A_27], %broadcast_in_dim3A_1 {strides = array<i32>} : memref<256xf32, #tpu.memory_space<vmem>>, vector<16xf32>,
    %swap3A_29 = arith.constant 96 : index
    %swap3A_30 = tpu.vector_load %arg20[%swap3A_29] {strides = array<i32>} : memref<256xi32, #tpu.memory_space<vmem>>, vector<16xi32>,
    tpu.vector_store %arg20[%swap3A_29], %broadcast_in_dim3A_3 {strides = array<i32>} : memref<256xi32, #tpu.memory_space<vmem>>, vector<16xi32>,
    %swap3A_31 = arith.constant 112 : index
    %swap3A_32 = tpu.vector_load %arg22[%swap3A_31] {strides = array<i32>} : memref<256xf32, #tpu.memory_space<vmem>>, vector<16xf32>,
    tpu.vector_store %arg22[%swap3A_31], %broadcast_in_dim3A_1 {strides = array<i32>} : memref<256xf32, #tpu.memory_space<vmem>>, vector<16xf32>,
    %swap3A_33 = arith.constant 112 : index
    %swap3A_34 = tpu.vector_load %arg20[%swap3A_33] {strides = array<i32>} : memref<256xi32, #tpu.memory_space<vmem>>, vector<16xi32>,
    tpu.vector_store %arg20[%swap3A_33], %broadcast_in_dim3A_3 {strides = array<i32>} : memref<256xi32, #tpu.memory_space<vmem>>, vector<16xi32>,
    %swap3A_35 = arith.constant 128 : index
    %swap3A_36 = tpu.vector_load %arg22[%swap3A_35] {strides = array<i32>} : memref<256xf32, #tpu.memory_space<vmem>>, vector<16xf32>,
    tpu.vector_store %arg22[%swap3A_35], %broadcast_in_dim3A_1 {strides = array<i32>} : memref<256xf32, #tpu.memory_space<vmem>>, vector<16xf32>,
    %swap3A_37 = arith.constant 128 : index
    %swap3A_38 = tpu.vector_load %arg20[%swap3A_37] {strides = array<i32>} : memref<256xi32, #tpu.memory_space<vmem>>, vector<16xi32>,
    tpu.vector_store %arg20[%swap3A_37], %broadcast_in_dim3A_3 {strides = array<i32>} : memref<256xi32, #tpu.memory_space<vmem>>, vector<16xi32>,
    %swap3A_39 = arith.constant 144 : index
    %swap3A_40 = tpu.vector_load %arg22[%swap3A_39] {strides = array<i32>} : memref<256xf32, #tpu.memory_space<vmem>>, vector<16xf32>,
    tpu.vector_store %arg22[%swap3A_39], %broadcast_in_dim3A_1 {strides = array<i32>} : memref<256xf32, #tpu.memory_space<vmem>>, vector<16xf32>,
    %swap3A_41 = arith.constant 144 : index
    %swap3A_42 = tpu.vector_load %arg20[%swap3A_41] {strides = array<i32>} : memref<256xi32, #tpu.memory_space<vmem>>, vector<16xi32>,
    tpu.vector_store %arg20[%swap3A_41], %broadcast_in_dim3A_3 {strides = array<i32>} : memref<256xi32, #tpu.memory_space<vmem>>, vector<16xi32>,
    %swap3A_43 = arith.constant 160 : index
    %swap3A_44 = tpu.vector_load %arg22[%swap3A_43] {strides = array<i32>} : memref<256xf32, #tpu.memory_space<vmem>>, vector<16xf32>,
    tpu.vector_store %arg22[%swap3A_43], %broadcast_in_dim3A_1 {strides = array<i32>} : memref<256xf32, #tpu.memory_space<vmem>>, vector<16xf32>,
    %swap3A_45 = arith.constant 160 : index
    %swap3A_46 = tpu.vector_load %arg20[%swap3A_45] {strides = array<i32>} : memref<256xi32, #tpu.memory_space<vmem>>, vector<16xi32>,
    tpu.vector_store %arg20[%swap3A_45], %broadcast_in_dim3A_3 {strides = array<i32>} : memref<256xi32, #tpu.memory_space<vmem>>, vector<16xi32>,
    %swap3A_47 = arith.constant 176 : index
    %swap3A_48 = tpu.vector_load %arg22[%swap3A_47] {strides = array<i32>} : memref<256xf32, #tpu.memory_space<vmem>>, vector<16xf32>,
    tpu.vector_store %arg22[%swap3A_47], %broadcast_in_dim3A_1 {strides = array<i32>} : memref<256xf32, #tpu.memory_space<vmem>>, vector<16xf32>,
    %swap3A_49 = arith.constant 176 : index
    %swap3A_50 = tpu.vector_load %arg20[%swap3A_49] {strides = array<i32>} : memref<256xi32, #tpu.memory_space<vmem>>, vector<16xi32>,
    tpu.vector_store %arg20[%swap3A_49], %broadcast_in_dim3A_3 {strides = array<i32>} : memref<256xi32, #tpu.memory_space<vmem>>, vector<16xi32>,
    %swap3A_51 = arith.constant 192 : index
    %swap3A_52 = tpu.vector_load %arg22[%swap3A_51] {strides = array<i32>} : memref<256xf32, #tpu.memory_space<vmem>>, vector<16xf32>,
    tpu.vector_store %arg22[%swap3A_51], %broadcast_in_dim3A_1 {strides = array<i32>} : memref<256xf32, #tpu.memory_space<vmem>>, vector<16xf32>,
    %swap3A_53 = arith.constant 192 : index
    %swap3A_54 = tpu.vector_load %arg20[%swap3A_53] {strides = array<i32>} : memref<256xi32, #tpu.memory_space<vmem>>, vector<16xi32>,
    tpu.vector_store %arg20[%swap3A_53], %broadcast_in_dim3A_3 {strides = array<i32>} : memref<256xi32, #tpu.memory_space<vmem>>, vector<16xi32>,
    %swap3A_55 = arith.constant 208 : index
    %swap3A_56 = tpu.vector_load %arg22[%swap3A_55] {strides = array<i32>} : memref<256xf32, #tpu.memory_space<vmem>>, vector<16xf32>,
    tpu.vector_store %arg22[%swap3A_55], %broadcast_in_dim3A_1 {strides = array<i32>} : memref<256xf32, #tpu.memory_space<vmem>>, vector<16xf32>,
    %swap3A_57 = arith.constant 208 : index
    %swap3A_58 = tpu.vector_load %arg20[%swap3A_57] {strides = array<i32>} : memref<256xi32, #tpu.memory_space<vmem>>, vector<16xi32>,
    tpu.vector_store %arg20[%swap3A_57], %broadcast_in_dim3A_3 {strides = array<i32>} : memref<256xi32, #tpu.memory_space<vmem>>, vector<16xi32>,
    %swap3A_59 = arith.constant 224 : index
    %swap3A_60 = tpu.vector_load %arg22[%swap3A_59] {strides = array<i32>} : memref<256xf32, #tpu.memory_space<vmem>>, vector<16xf32>,
    tpu.vector_store %arg22[%swap3A_59], %broadcast_in_dim3A_1 {strides = array<i32>} : memref<256xf32, #tpu.memory_space<vmem>>, vector<16xf32>,
    %swap3A_61 = arith.constant 224 : index
    %swap3A_62 = tpu.vector_load %arg20[%swap3A_61] {strides = array<i32>} : memref<256xi32, #tpu.memory_space<vmem>>, vector<16xi32>,
    tpu.vector_store %arg20[%swap3A_61], %broadcast_in_dim3A_3 {strides = array<i32>} : memref<256xi32, #tpu.memory_space<vmem>>, vector<16xi32>,
    %swap3A_63 = arith.constant 240 : index
    %swap3A_64 = tpu.vector_load %arg22[%swap3A_63] {strides = array<i32>} : memref<256xf32, #tpu.memory_space<vmem>>, vector<16xf32>,
    tpu.vector_store %arg22[%swap3A_63], %broadcast_in_dim3A_1 {strides = array<i32>} : memref<256xf32, #tpu.memory_space<vmem>>, vector<16xf32>,
    %swap3A_65 = arith.constant 240 : index
    %swap3A_66 = tpu.vector_load %arg20[%swap3A_65] {strides = array<i32>} : memref<256xi32, #tpu.memory_space<vmem>>, vector<16xi32>,
    tpu.vector_store %arg20[%swap3A_65], %broadcast_in_dim3A_3 {strides = array<i32>} : memref<256xi32, #tpu.memory_space<vmem>>, vector<16xi32>,
    %scan3A = arith.constant 0 : i32
    %scan3A_67 = arith.constant 0 : i32
    %scan3A_68 = arith.constant 32 : i32
    %scan3A_69 = arith.addi %scan3A_67, %scan3A_68 : i32
    %scan3A_70 = arith.constant 1 : i32
    %scan3A_71 = scf.for %scan3A_252 = %scan3A_67 to %scan3A_69 step %scan3A_70 iter_args(%scan3A_253 = %scan3A) -> (i32)  : i32 {
      %swap3A_254 = arith.index_cast %scan3A_252 : i32 to index
      %swap3A_255 = arith.constant 0 : index
      %swap3A_256 = tpu.vector_load %arg17[%swap3A_254, %swap3A_255] {strides = array<i32>} : memref<32x16xi32, #tpu.memory_space<vmem>>, vector<16xi32>,
      tpu.vector_store %arg17[%swap3A_254, %swap3A_255], %broadcast_in_dim3A_3 {strides = array<i32>} : memref<32x16xi32, #tpu.memory_space<vmem>>, vector<16xi32>,
      %swap3A_257 = arith.index_cast %scan3A_252 : i32 to index
      %swap3A_258 = arith.constant 0 : index
      %swap3A_259 = tpu.vector_load %arg18[%swap3A_257, %swap3A_258] {strides = array<i32>} : memref<32x16xi32, #tpu.memory_space<vmem>>, vector<16xi32>,
      tpu.vector_store %arg18[%swap3A_257, %swap3A_258], %broadcast_in_dim3A_3 {strides = array<i32>} : memref<32x16xi32, #tpu.memory_space<vmem>>, vector<16xi32>,
      %swap3A_260 = arith.index_cast %scan3A_252 : i32 to index
      %swap3A_261 = arith.constant 0 : index
      %swap3A_262 = tpu.vector_load %arg19[%swap3A_260, %swap3A_261] {strides = array<i32>} : memref<32x16xi32, #tpu.memory_space<vmem>>, vector<16xi32>,
      tpu.vector_store %arg19[%swap3A_260, %swap3A_261], %broadcast_in_dim3A_3 {strides = array<i32>} : memref<32x16xi32, #tpu.memory_space<vmem>>, vector<16xi32>,
      %scan3A_263 = arith.constant 0 : i32
      scf.yield %scan3A_263 : i32
    }
    %scan3A_72 = arith.constant 32 : i32
    %mul3A_73 = arith.constant 2 : i32
    %mul3A_74 = arith.muli %add3A, %mul3A_73 : i32
    %add3A_75 = arith.constant 0 : i32
    %add3A_76 = arith.addi %mul3A_74, %add3A_75 : i32
    %dma_start3A = arith.constant 0 : i32
    %dma_start3A_77 = tpu.memref_slice %arg7[%dma_start3A] : memref<16384xf32, #tpu.memory_space<vmem>> -> memref<8192xf32, #tpu.memory_space<vmem>>
    %dma_start3A_78 = arith.constant 0 : i32
    %dma_start3A_79 = tpu.memref_slice %arg3[%add3A_76, %dma_start3A_78] : memref<64x8192xf32, #tpu.memory_space<hbm>> -> memref<1x8192xf32, #tpu.memory_space<hbm>>
    %dma_start3A_80 = tpu.memref_squeeze %dma_start3A_79 : memref<1x8192xf32, #tpu.memory_space<hbm>> -> memref<8192xf32, #tpu.memory_space<hbm>>
    %dma_start3A_81 = arith.constant 0 : i32
    %dma_start3A_82 = tpu.memref_slice %arg7[%dma_start3A_81] : memref<16384xf32, #tpu.memory_space<vmem>> -> memref<8192xf32, #tpu.memory_space<vmem>>
    %dma_start3A_83 = arith.constant 0 : i32
    %dma_start3A_84 = tpu.memref_slice %arg3[%add3A_76, %dma_start3A_83] : memref<64x8192xf32, #tpu.memory_space<hbm>> -> memref<1x8192xf32, #tpu.memory_space<hbm>>
    %dma_start3A_85 = tpu.memref_squeeze %dma_start3A_84 : memref<1x8192xf32, #tpu.memory_space<hbm>> -> memref<8192xf32, #tpu.memory_space<hbm>>
    tpu.enqueue_dma source(%dma_start3A_85 : memref<8192xf32, #tpu.memory_space<hbm>>) target(%dma_start3A_82 : memref<8192xf32, #tpu.memory_space<vmem>>) target_semaphore(%arg24 : memref<!tpu.dma_semaphore, #tpu.memory_space<semaphore_mem>>)
    %scan3A_86 = arith.constant 0 : i32
    %scan3A_87 = arith.constant 0 : i32
    %scan3A_88 = arith.constant 2 : i32
    %scan3A_89 = arith.addi %scan3A_87, %scan3A_88 : i32
    %scan3A_90 = arith.constant 1 : i32
    %scan3A_91 = scf.for %scan3A_252 = %scan3A_87 to %scan3A_89 step %scan3A_90 iter_args(%scan3A_253 = %scan3A_86) -> (i32)  : i32 {
      %and3A = arith.constant 1 : i32
      %and3A_254 = arith.andi %scan3A_252, %and3A : i32
      %mul3A_255 = arith.constant 8192 : i32
      %mul3A_256 = arith.muli %and3A_254, %mul3A_255 : i32
      %mul3A_257 = arith.constant 2 : i32
      %mul3A_258 = arith.muli %add3A, %mul3A_257 : i32
      %add3A_259 = arith.addi %mul3A_258, %scan3A_252 : i32
      "tpu.trace_start"() <{level = 10 : i32, message = "dma_in"}> : () -> ()
      %mul3A_260 = arith.constant 2 : i32
      %mul3A_261 = arith.muli %add3A, %mul3A_260 : i32
      %add3A_262 = arith.addi %mul3A_261, %scan3A_252 : i32
      %and3A_263 = arith.constant 1 : i32
      %and3A_264 = arith.andi %scan3A_252, %and3A_263 : i32
      %mul3A_265 = arith.constant 8192 : i32
      %mul3A_266 = arith.muli %and3A_264, %mul3A_265 : i32
      %dma_wait3A_267 = tpu.memref_slice %arg7[%mul3A_266] : memref<16384xf32, #tpu.memory_space<vmem>> -> memref<8192xf32, #tpu.memory_space<vmem>>
      %dma_wait3A_268 = arith.constant 0 : i32
      %dma_wait3A_269 = tpu.memref_slice %arg3[%add3A_262, %dma_wait3A_268] : memref<64x8192xf32, #tpu.memory_space<hbm>> -> memref<1x8192xf32, #tpu.memory_space<hbm>>
      %dma_wait3A_270 = tpu.memref_squeeze %dma_wait3A_269 : memref<1x8192xf32, #tpu.memory_space<hbm>> -> memref<8192xf32, #tpu.memory_space<hbm>>
      %dma_wait3A_271 = tpu.memref_slice %arg7[%mul3A_266] : memref<16384xf32, #tpu.memory_space<vmem>> -> memref<8192xf32, #tpu.memory_space<vmem>>
      %dma_wait3A_272 = arith.constant 0 : i32
      %dma_wait3A_273 = tpu.memref_slice %arg3[%add3A_262, %dma_wait3A_272] : memref<64x8192xf32, #tpu.memory_space<hbm>> -> memref<1x8192xf32, #tpu.memory_space<hbm>>
      %dma_wait3A_274 = tpu.memref_squeeze %dma_wait3A_273 : memref<1x8192xf32, #tpu.memory_space<hbm>> -> memref<8192xf32, #tpu.memory_space<hbm>>
      tpu.wait_dma2 semaphore(%arg24 : memref<!tpu.dma_semaphore, #tpu.memory_space<semaphore_mem>>) src(%dma_wait3A_274 : memref<8192xf32, #tpu.memory_space<hbm>>) dst(%dma_wait3A_271 : memref<8192xf32, #tpu.memory_space<vmem>>)
      %add3A_275 = arith.constant 1 : i32
      %add3A_276 = arith.addi %scan3A_252, %add3A_275 : i32
      %lt3A = arith.constant 2 : i32
      %lt3A_277 = arith.cmpi slt, %add3A_276, %lt3A : i32
      %convert_element_type3A = arith.extui %lt3A_277 : i1 to i32
      %cond3A = arith.constant 0 : i32
      %cond3A_278 = arith.cmpi ne, %convert_element_type3A, %cond3A : i32
      scf.if %cond3A_278 {
        %add3A_448 = arith.constant 1 : i32
        %add3A_449 = arith.addi %scan3A_252, %add3A_448 : i32
        %mul3A_450 = arith.constant 2 : i32
        %mul3A_451 = arith.muli %add3A, %mul3A_450 : i32
        %add3A_452 = arith.addi %mul3A_451, %add3A_449 : i32
        %and3A_453 = arith.constant 1 : i32
        %and3A_454 = arith.andi %add3A_449, %and3A_453 : i32
        %mul3A_455 = arith.constant 8192 : i32
        %mul3A_456 = arith.muli %and3A_454, %mul3A_455 : i32
        %dma_start3A_457 = tpu.memref_slice %arg7[%mul3A_456] : memref<16384xf32, #tpu.memory_space<vmem>> -> memref<8192xf32, #tpu.memory_space<vmem>>
        %dma_start3A_458 = arith.constant 0 : i32
        %dma_start3A_459 = tpu.memref_slice %arg3[%add3A_452, %dma_start3A_458] : memref<64x8192xf32, #tpu.memory_space<hbm>> -> memref<1x8192xf32, #tpu.memory_space<hbm>>
        %dma_start3A_460 = tpu.memref_squeeze %dma_start3A_459 : memref<1x8192xf32, #tpu.memory_space<hbm>> -> memref<8192xf32, #tpu.memory_space<hbm>>
        %dma_start3A_461 = tpu.memref_slice %arg7[%mul3A_456] : memref<16384xf32, #tpu.memory_space<vmem>> -> memref<8192xf32, #tpu.memory_space<vmem>>
        %dma_start3A_462 = arith.constant 0 : i32
        %dma_start3A_463 = tpu.memref_slice %arg3[%add3A_452, %dma_start3A_462] : memref<64x8192xf32, #tpu.memory_space<hbm>> -> memref<1x8192xf32, #tpu.memory_space<hbm>>
        %dma_start3A_464 = tpu.memref_squeeze %dma_start3A_463 : memref<1x8192xf32, #tpu.memory_space<hbm>> -> memref<8192xf32, #tpu.memory_space<hbm>>
        tpu.enqueue_dma source(%dma_start3A_464 : memref<8192xf32, #tpu.memory_space<hbm>>) target(%dma_start3A_461 : memref<8192xf32, #tpu.memory_space<vmem>>) target_semaphore(%arg24 : memref<!tpu.dma_semaphore, #tpu.memory_space<semaphore_mem>>)
      } else {
      }
      "tpu.trace_stop"() : () -> ()
      "tpu.trace_start"() <{level = 10 : i32, message = "phase1"}> : () -> ()
      %scan3A_279 = arith.constant 0 : i32
      %scan3A_280 = arith.constant 0 : i32
      %scan3A_281 = arith.constant 2 : i32
      %scan3A_282 = arith.addi %scan3A_280, %scan3A_281 : i32
      %scan3A_283 = arith.constant 1 : i32
      %scan3A_284 = scf.for %scan3A_448 = %scan3A_280 to %scan3A_282 step %scan3A_283 iter_args(%scan3A_449 = %scan3A_279) -> (i32)  : i32 {
        %broadcast_in_dim3A_450 = arith.constant 0.000000e+00 : f32
        %broadcast_in_dim3A_451 = vector.broadcast %broadcast_in_dim3A_450 : f32 to vector<16xf32>
        %scan3A_452 = arith.constant 0 : i32
        %scan3A_453 = arith.constant 16 : i32
        %scan3A_454 = arith.addi %scan3A_452, %scan3A_453 : i32
        %scan3A_455 = arith.constant 1 : i32
        %scan3A_456:3 = scf.for %scan3A_468 = %scan3A_452 to %scan3A_454 step %scan3A_455 iter_args(%scan3A_469 = %broadcast_in_dim3A_451, %scan3A_470 = %broadcast_in_dim3A_451, %scan3A_471 = %broadcast_in_dim3A_451) -> (vector<16xf32>, vector<16xf32>, vector<16xf32>)  : i32 {
          %mul3A_472 = arith.constant 16 : i32
          %mul3A_473 = arith.muli %scan3A_448, %mul3A_472 : i32
          %add3A_474 = arith.addi %mul3A_473, %scan3A_468 : i32
          %mul3A_475 = arith.constant 256 : i32
          %mul3A_476 = arith.muli %add3A_474, %mul3A_475 : i32
          %add3A_477 = arith.addi %mul3A_256, %mul3A_476 : i32
          %add3A_478 = arith.constant 0 : i32
          %add3A_479 = arith.addi %add3A_477, %add3A_478 : i32
          %get3A = arith.index_cast %add3A_479 : i32 to index
          %get3A_480 = tpu.vector_load %arg7[%get3A] {strides = array<i32>} : memref<16384xf32, #tpu.memory_space<vmem>>, vector<16xf32>,
          %add3A_481 = arith.addi %mul3A_256, %mul3A_476 : i32
          %add3A_482 = arith.constant 16 : i32
          %add3A_483 = arith.addi %add3A_481, %add3A_482 : i32
          %get3A_484 = arith.index_cast %add3A_483 : i32 to index
          %get3A_485 = tpu.vector_load %arg7[%get3A_484] {strides = array<i32>} : memref<16384xf32, #tpu.memory_space<vmem>>, vector<16xf32>,
          %add3A_486 = arith.addi %mul3A_256, %mul3A_476 : i32
          %add3A_487 = arith.constant 32 : i32
          %add3A_488 = arith.addi %add3A_486, %add3A_487 : i32
          %get3A_489 = arith.index_cast %add3A_488 : i32 to index
          %get3A_490 = tpu.vector_load %arg7[%get3A_489] {strides = array<i32>} : memref<16384xf32, #tpu.memory_space<vmem>>, vector<16xf32>,
          %add3A_491 = arith.addi %mul3A_256, %mul3A_476 : i32
          %add3A_492 = arith.constant 48 : i32
          %add3A_493 = arith.addi %add3A_491, %add3A_492 : i32
          %get3A_494 = arith.index_cast %add3A_493 : i32 to index
          %get3A_495 = tpu.vector_load %arg7[%get3A_494] {strides = array<i32>} : memref<16384xf32, #tpu.memory_space<vmem>>, vector<16xf32>,
          %add3A_496 = arith.addi %mul3A_256, %mul3A_476 : i32
          %add3A_497 = arith.constant 64 : i32
          %add3A_498 = arith.addi %add3A_496, %add3A_497 : i32
          %get3A_499 = arith.index_cast %add3A_498 : i32 to index
          %get3A_500 = tpu.vector_load %arg7[%get3A_499] {strides = array<i32>} : memref<16384xf32, #tpu.memory_space<vmem>>, vector<16xf32>,
          %add3A_501 = arith.addi %mul3A_256, %mul3A_476 : i32
          %add3A_502 = arith.constant 80 : i32
          %add3A_503 = arith.addi %add3A_501, %add3A_502 : i32
          %get3A_504 = arith.index_cast %add3A_503 : i32 to index
          %get3A_505 = tpu.vector_load %arg7[%get3A_504] {strides = array<i32>} : memref<16384xf32, #tpu.memory_space<vmem>>, vector<16xf32>,
          %add3A_506 = arith.addi %mul3A_256, %mul3A_476 : i32
          %add3A_507 = arith.constant 96 : i32
          %add3A_508 = arith.addi %add3A_506, %add3A_507 : i32
          %get3A_509 = arith.index_cast %add3A_508 : i32 to index
          %get3A_510 = tpu.vector_load %arg7[%get3A_509] {strides = array<i32>} : memref<16384xf32, #tpu.memory_space<vmem>>, vector<16xf32>,
          %add3A_511 = arith.addi %mul3A_256, %mul3A_476 : i32
          %add3A_512 = arith.constant 112 : i32
          %add3A_513 = arith.addi %add3A_511, %add3A_512 : i32
          %get3A_514 = arith.index_cast %add3A_513 : i32 to index
          %get3A_515 = tpu.vector_load %arg7[%get3A_514] {strides = array<i32>} : memref<16384xf32, #tpu.memory_space<vmem>>, vector<16xf32>,
          %add3A_516 = arith.addi %mul3A_256, %mul3A_476 : i32
          %add3A_517 = arith.constant 128 : i32
          %add3A_518 = arith.addi %add3A_516, %add3A_517 : i32
          %get3A_519 = arith.index_cast %add3A_518 : i32 to index
          %get3A_520 = tpu.vector_load %arg7[%get3A_519] {strides = array<i32>} : memref<16384xf32, #tpu.memory_space<vmem>>, vector<16xf32>,
          %add3A_521 = arith.addi %mul3A_256, %mul3A_476 : i32
          %add3A_522 = arith.constant 144 : i32
          %add3A_523 = arith.addi %add3A_521, %add3A_522 : i32
          %get3A_524 = arith.index_cast %add3A_523 : i32 to index
          %get3A_525 = tpu.vector_load %arg7[%get3A_524] {strides = array<i32>} : memref<16384xf32, #tpu.memory_space<vmem>>, vector<16xf32>,
          %add3A_526 = arith.addi %mul3A_256, %mul3A_476 : i32
          %add3A_527 = arith.constant 160 : i32
          %add3A_528 = arith.addi %add3A_526, %add3A_527 : i32
          %get3A_529 = arith.index_cast %add3A_528 : i32 to index
          %get3A_530 = tpu.vector_load %arg7[%get3A_529] {strides = array<i32>} : memref<16384xf32, #tpu.memory_space<vmem>>, vector<16xf32>,
          %add3A_531 = arith.addi %mul3A_256, %mul3A_476 : i32
          %add3A_532 = arith.constant 176 : i32
          %add3A_533 = arith.addi %add3A_531, %add3A_532 : i32
          %get3A_534 = arith.index_cast %add3A_533 : i32 to index
          %get3A_535 = tpu.vector_load %arg7[%get3A_534] {strides = array<i32>} : memref<16384xf32, #tpu.memory_space<vmem>>, vector<16xf32>,
          %add3A_536 = arith.addi %mul3A_256, %mul3A_476 : i32
          %add3A_537 = arith.constant 192 : i32
          %add3A_538 = arith.addi %add3A_536, %add3A_537 : i32
          %get3A_539 = arith.index_cast %add3A_538 : i32 to index
          %get3A_540 = tpu.vector_load %arg7[%get3A_539] {strides = array<i32>} : memref<16384xf32, #tpu.memory_space<vmem>>, vector<16xf32>,
          %add3A_541 = arith.addi %mul3A_256, %mul3A_476 : i32
          %add3A_542 = arith.constant 208 : i32
          %add3A_543 = arith.addi %add3A_541, %add3A_542 : i32
          %get3A_544 = arith.index_cast %add3A_543 : i32 to index
          %get3A_545 = tpu.vector_load %arg7[%get3A_544] {strides = array<i32>} : memref<16384xf32, #tpu.memory_space<vmem>>, vector<16xf32>,
          %add3A_546 = arith.addi %mul3A_256, %mul3A_476 : i32
          %add3A_547 = arith.constant 224 : i32
          %add3A_548 = arith.addi %add3A_546, %add3A_547 : i32
          %get3A_549 = arith.index_cast %add3A_548 : i32 to index
          %get3A_550 = tpu.vector_load %arg7[%get3A_549] {strides = array<i32>} : memref<16384xf32, #tpu.memory_space<vmem>>, vector<16xf32>,
          %add3A_551 = arith.addi %mul3A_256, %mul3A_476 : i32
          %add3A_552 = arith.constant 240 : i32
          %add3A_553 = arith.addi %add3A_551, %add3A_552 : i32
          %get3A_554 = arith.index_cast %add3A_553 : i32 to index
          %get3A_555 = tpu.vector_load %arg7[%get3A_554] {strides = array<i32>} : memref<16384xf32, #tpu.memory_space<vmem>>, vector<16xf32>,
          %broadcast_in_dim3A_556 = arith.constant 0 : i32
          %broadcast_in_dim3A_557 = vector.broadcast %broadcast_in_dim3A_556 : i32 to vector<16xi32>
          %broadcast_in_dim3A_558 = arith.constant 1 : i32
          %broadcast_in_dim3A_559 = vector.broadcast %broadcast_in_dim3A_558 : i32 to vector<16xi32>
          %broadcast_in_dim3A_560 = arith.constant 2 : i32
          %broadcast_in_dim3A_561 = vector.broadcast %broadcast_in_dim3A_560 : i32 to vector<16xi32>
          %broadcast_in_dim3A_562 = arith.constant 3 : i32
          %broadcast_in_dim3A_563 = vector.broadcast %broadcast_in_dim3A_562 : i32 to vector<16xi32>
          %broadcast_in_dim3A_564 = arith.constant 4 : i32
          %broadcast_in_dim3A_565 = vector.broadcast %broadcast_in_dim3A_564 : i32 to vector<16xi32>
          %broadcast_in_dim3A_566 = arith.constant 5 : i32
          %broadcast_in_dim3A_567 = vector.broadcast %broadcast_in_dim3A_566 : i32 to vector<16xi32>
          %broadcast_in_dim3A_568 = arith.constant 6 : i32
          %broadcast_in_dim3A_569 = vector.broadcast %broadcast_in_dim3A_568 : i32 to vector<16xi32>
          %broadcast_in_dim3A_570 = arith.constant 7 : i32
          %broadcast_in_dim3A_571 = vector.broadcast %broadcast_in_dim3A_570 : i32 to vector<16xi32>
          %broadcast_in_dim3A_572 = arith.constant 8 : i32
          %broadcast_in_dim3A_573 = vector.broadcast %broadcast_in_dim3A_572 : i32 to vector<16xi32>
          %broadcast_in_dim3A_574 = arith.constant 9 : i32
          %broadcast_in_dim3A_575 = vector.broadcast %broadcast_in_dim3A_574 : i32 to vector<16xi32>
          %broadcast_in_dim3A_576 = arith.constant 10 : i32
          %broadcast_in_dim3A_577 = vector.broadcast %broadcast_in_dim3A_576 : i32 to vector<16xi32>
          %broadcast_in_dim3A_578 = arith.constant 11 : i32
          %broadcast_in_dim3A_579 = vector.broadcast %broadcast_in_dim3A_578 : i32 to vector<16xi32>
          %broadcast_in_dim3A_580 = arith.constant 12 : i32
          %broadcast_in_dim3A_581 = vector.broadcast %broadcast_in_dim3A_580 : i32 to vector<16xi32>
          %broadcast_in_dim3A_582 = arith.constant 13 : i32
          %broadcast_in_dim3A_583 = vector.broadcast %broadcast_in_dim3A_582 : i32 to vector<16xi32>
          %broadcast_in_dim3A_584 = arith.constant 14 : i32
          %broadcast_in_dim3A_585 = vector.broadcast %broadcast_in_dim3A_584 : i32 to vector<16xi32>
          %broadcast_in_dim3A_586 = arith.constant 15 : i32
          %broadcast_in_dim3A_587 = vector.broadcast %broadcast_in_dim3A_586 : i32 to vector<16xi32>
          %sub3A = arith.constant 5.000000e-01 : f32
          %sub3A_588 = vector.broadcast %sub3A : f32 to vector<16xf32>
          %sub3A_589 = arith.subf %get3A_480, %sub3A_588 : vector<16xf32>
          %abs3A = math.absf %sub3A_589 : vector<16xf32>
          %sub3A_590 = arith.constant 5.000000e-01 : f32
          %sub3A_591 = vector.broadcast %sub3A_590 : f32 to vector<16xf32>
          %sub3A_592 = arith.subf %get3A_485, %sub3A_591 : vector<16xf32>
          %abs3A_593 = math.absf %sub3A_592 : vector<16xf32>
          %sub3A_594 = arith.constant 5.000000e-01 : f32
          %sub3A_595 = vector.broadcast %sub3A_594 : f32 to vector<16xf32>
          %sub3A_596 = arith.subf %get3A_490, %sub3A_595 : vector<16xf32>
          %abs3A_597 = math.absf %sub3A_596 : vector<16xf32>
          %sub3A_598 = arith.constant 5.000000e-01 : f32
          %sub3A_599 = vector.broadcast %sub3A_598 : f32 to vector<16xf32>
          %sub3A_600 = arith.subf %get3A_495, %sub3A_599 : vector<16xf32>
          %abs3A_601 = math.absf %sub3A_600 : vector<16xf32>
          %sub3A_602 = arith.constant 5.000000e-01 : f32
          %sub3A_603 = vector.broadcast %sub3A_602 : f32 to vector<16xf32>
          %sub3A_604 = arith.subf %get3A_500, %sub3A_603 : vector<16xf32>
          %abs3A_605 = math.absf %sub3A_604 : vector<16xf32>
          %sub3A_606 = arith.constant 5.000000e-01 : f32
          %sub3A_607 = vector.broadcast %sub3A_606 : f32 to vector<16xf32>
          %sub3A_608 = arith.subf %get3A_505, %sub3A_607 : vector<16xf32>
          %abs3A_609 = math.absf %sub3A_608 : vector<16xf32>
          %sub3A_610 = arith.constant 5.000000e-01 : f32
          %sub3A_611 = vector.broadcast %sub3A_610 : f32 to vector<16xf32>
          %sub3A_612 = arith.subf %get3A_510, %sub3A_611 : vector<16xf32>
          %abs3A_613 = math.absf %sub3A_612 : vector<16xf32>
          %sub3A_614 = arith.constant 5.000000e-01 : f32
          %sub3A_615 = vector.broadcast %sub3A_614 : f32 to vector<16xf32>
          %sub3A_616 = arith.subf %get3A_515, %sub3A_615 : vector<16xf32>
          %abs3A_617 = math.absf %sub3A_616 : vector<16xf32>
          %sub3A_618 = arith.constant 5.000000e-01 : f32
          %sub3A_619 = vector.broadcast %sub3A_618 : f32 to vector<16xf32>
          %sub3A_620 = arith.subf %get3A_520, %sub3A_619 : vector<16xf32>
          %abs3A_621 = math.absf %sub3A_620 : vector<16xf32>
          %sub3A_622 = arith.constant 5.000000e-01 : f32
          %sub3A_623 = vector.broadcast %sub3A_622 : f32 to vector<16xf32>
          %sub3A_624 = arith.subf %get3A_525, %sub3A_623 : vector<16xf32>
          %abs3A_625 = math.absf %sub3A_624 : vector<16xf32>
          %sub3A_626 = arith.constant 5.000000e-01 : f32
          %sub3A_627 = vector.broadcast %sub3A_626 : f32 to vector<16xf32>
          %sub3A_628 = arith.subf %get3A_530, %sub3A_627 : vector<16xf32>
          %abs3A_629 = math.absf %sub3A_628 : vector<16xf32>
          %sub3A_630 = arith.constant 5.000000e-01 : f32
          %sub3A_631 = vector.broadcast %sub3A_630 : f32 to vector<16xf32>
          %sub3A_632 = arith.subf %get3A_535, %sub3A_631 : vector<16xf32>
          %abs3A_633 = math.absf %sub3A_632 : vector<16xf32>
          %sub3A_634 = arith.constant 5.000000e-01 : f32
          %sub3A_635 = vector.broadcast %sub3A_634 : f32 to vector<16xf32>
          %sub3A_636 = arith.subf %get3A_540, %sub3A_635 : vector<16xf32>
          %abs3A_637 = math.absf %sub3A_636 : vector<16xf32>
          %sub3A_638 = arith.constant 5.000000e-01 : f32
          %sub3A_639 = vector.broadcast %sub3A_638 : f32 to vector<16xf32>
          %sub3A_640 = arith.subf %get3A_545, %sub3A_639 : vector<16xf32>
          %abs3A_641 = math.absf %sub3A_640 : vector<16xf32>
          %sub3A_642 = arith.constant 5.000000e-01 : f32
          %sub3A_643 = vector.broadcast %sub3A_642 : f32 to vector<16xf32>
          %sub3A_644 = arith.subf %get3A_550, %sub3A_643 : vector<16xf32>
          %abs3A_645 = math.absf %sub3A_644 : vector<16xf32>
          %sub3A_646 = arith.constant 5.000000e-01 : f32
          %sub3A_647 = vector.broadcast %sub3A_646 : f32 to vector<16xf32>
          %sub3A_648 = arith.subf %get3A_555, %sub3A_647 : vector<16xf32>
          %abs3A_649 = math.absf %sub3A_648 : vector<16xf32>
          %lt3A_650 = arith.cmpf olt, %abs3A_593, %abs3A : vector<16xf32>
          %select_n3A = arith.select %lt3A_650, %abs3A_593, %abs3A : vector<16xi1>, vector<16xf32>
          %select_n3A_651 = arith.select %lt3A_650, %broadcast_in_dim3A_559, %broadcast_in_dim3A_557 : vector<16xi1>, vector<16xi32>
          %lt3A_652 = arith.cmpf olt, %abs3A_601, %abs3A_597 : vector<16xf32>
          %select_n3A_653 = arith.select %lt3A_652, %abs3A_601, %abs3A_597 : vector<16xi1>, vector<16xf32>
          %select_n3A_654 = arith.select %lt3A_652, %broadcast_in_dim3A_563, %broadcast_in_dim3A_561 : vector<16xi1>, vector<16xi32>
          %lt3A_655 = arith.cmpf olt, %abs3A_609, %abs3A_605 : vector<16xf32>
          %select_n3A_656 = arith.select %lt3A_655, %abs3A_609, %abs3A_605 : vector<16xi1>, vector<16xf32>
          %select_n3A_657 = arith.select %lt3A_655, %broadcast_in_dim3A_567, %broadcast_in_dim3A_565 : vector<16xi1>, vector<16xi32>
          %lt3A_658 = arith.cmpf olt, %abs3A_617, %abs3A_613 : vector<16xf32>
          %select_n3A_659 = arith.select %lt3A_658, %abs3A_617, %abs3A_613 : vector<16xi1>, vector<16xf32>
          %select_n3A_660 = arith.select %lt3A_658, %broadcast_in_dim3A_571, %broadcast_in_dim3A_569 : vector<16xi1>, vector<16xi32>
          %lt3A_661 = arith.cmpf olt, %abs3A_625, %abs3A_621 : vector<16xf32>
          %select_n3A_662 = arith.select %lt3A_661, %abs3A_625, %abs3A_621 : vector<16xi1>, vector<16xf32>
          %select_n3A_663 = arith.select %lt3A_661, %broadcast_in_dim3A_575, %broadcast_in_dim3A_573 : vector<16xi1>, vector<16xi32>
          %lt3A_664 = arith.cmpf olt, %abs3A_633, %abs3A_629 : vector<16xf32>
          %select_n3A_665 = arith.select %lt3A_664, %abs3A_633, %abs3A_629 : vector<16xi1>, vector<16xf32>
          %select_n3A_666 = arith.select %lt3A_664, %broadcast_in_dim3A_579, %broadcast_in_dim3A_577 : vector<16xi1>, vector<16xi32>
          %lt3A_667 = arith.cmpf olt, %abs3A_641, %abs3A_637 : vector<16xf32>
          %select_n3A_668 = arith.select %lt3A_667, %abs3A_641, %abs3A_637 : vector<16xi1>, vector<16xf32>
          %select_n3A_669 = arith.select %lt3A_667, %broadcast_in_dim3A_583, %broadcast_in_dim3A_581 : vector<16xi1>, vector<16xi32>
          %lt3A_670 = arith.cmpf olt, %abs3A_649, %abs3A_645 : vector<16xf32>
          %select_n3A_671 = arith.select %lt3A_670, %abs3A_649, %abs3A_645 : vector<16xi1>, vector<16xf32>
          %select_n3A_672 = arith.select %lt3A_670, %broadcast_in_dim3A_587, %broadcast_in_dim3A_585 : vector<16xi1>, vector<16xi32>
          %lt3A_673 = arith.cmpf olt, %select_n3A_653, %select_n3A : vector<16xf32>
          %select_n3A_674 = arith.select %lt3A_673, %select_n3A_653, %select_n3A : vector<16xi1>, vector<16xf32>
          %select_n3A_675 = arith.select %lt3A_673, %select_n3A_654, %select_n3A_651 : vector<16xi1>, vector<16xi32>
          %lt3A_676 = arith.cmpf olt, %select_n3A_659, %select_n3A_656 : vector<16xf32>
          %select_n3A_677 = arith.select %lt3A_676, %select_n3A_659, %select_n3A_656 : vector<16xi1>, vector<16xf32>
          %select_n3A_678 = arith.select %lt3A_676, %select_n3A_660, %select_n3A_657 : vector<16xi1>, vector<16xi32>
          %lt3A_679 = arith.cmpf olt, %select_n3A_665, %select_n3A_662 : vector<16xf32>
          %select_n3A_680 = arith.select %lt3A_679, %select_n3A_665, %select_n3A_662 : vector<16xi1>, vector<16xf32>
          %select_n3A_681 = arith.select %lt3A_679, %select_n3A_666, %select_n3A_663 : vector<16xi1>, vector<16xi32>
          %lt3A_682 = arith.cmpf olt, %select_n3A_671, %select_n3A_668 : vector<16xf32>
          %select_n3A_683 = arith.select %lt3A_682, %select_n3A_671, %select_n3A_668 : vector<16xi1>, vector<16xf32>
          %select_n3A_684 = arith.select %lt3A_682, %select_n3A_672, %select_n3A_669 : vector<16xi1>, vector<16xi32>
          %lt3A_685 = arith.cmpf olt, %select_n3A_677, %select_n3A_674 : vector<16xf32>
          %select_n3A_686 = arith.select %lt3A_685, %select_n3A_677, %select_n3A_674 : vector<16xi1>, vector<16xf32>
          %select_n3A_687 = arith.select %lt3A_685, %select_n3A_678, %select_n3A_675 : vector<16xi1>, vector<16xi32>
          %lt3A_688 = arith.cmpf olt, %select_n3A_683, %select_n3A_680 : vector<16xf32>
          %select_n3A_689 = arith.select %lt3A_688, %select_n3A_683, %select_n3A_680 : vector<16xi1>, vector<16xf32>
          %select_n3A_690 = arith.select %lt3A_688, %select_n3A_684, %select_n3A_681 : vector<16xi1>, vector<16xi32>
          %lt3A_691 = arith.cmpf olt, %select_n3A_689, %select_n3A_686 : vector<16xf32>
          %select_n3A_692 = arith.select %lt3A_691, %select_n3A_689, %select_n3A_686 : vector<16xi1>, vector<16xf32>
          %select_n3A_693 = arith.select %lt3A_691, %select_n3A_690, %select_n3A_687 : vector<16xi1>, vector<16xi32>
          %lt3A_694 = arith.cmpf olt, %get3A_485, %get3A_480 : vector<16xf32>
          %select_n3A_695 = arith.select %lt3A_694, %get3A_485, %get3A_480 : vector<16xi1>, vector<16xf32>
          %select_n3A_696 = arith.select %lt3A_694, %broadcast_in_dim3A_559, %broadcast_in_dim3A_557 : vector<16xi1>, vector<16xi32>
          %lt3A_697 = arith.cmpf olt, %get3A_495, %get3A_490 : vector<16xf32>
          %select_n3A_698 = arith.select %lt3A_697, %get3A_495, %get3A_490 : vector<16xi1>, vector<16xf32>
          %select_n3A_699 = arith.select %lt3A_697, %broadcast_in_dim3A_563, %broadcast_in_dim3A_561 : vector<16xi1>, vector<16xi32>
          %lt3A_700 = arith.cmpf olt, %get3A_505, %get3A_500 : vector<16xf32>
          %select_n3A_701 = arith.select %lt3A_700, %get3A_505, %get3A_500 : vector<16xi1>, vector<16xf32>
          %select_n3A_702 = arith.select %lt3A_700, %broadcast_in_dim3A_567, %broadcast_in_dim3A_565 : vector<16xi1>, vector<16xi32>
          %lt3A_703 = arith.cmpf olt, %get3A_515, %get3A_510 : vector<16xf32>
          %select_n3A_704 = arith.select %lt3A_703, %get3A_515, %get3A_510 : vector<16xi1>, vector<16xf32>
          %select_n3A_705 = arith.select %lt3A_703, %broadcast_in_dim3A_571, %broadcast_in_dim3A_569 : vector<16xi1>, vector<16xi32>
          %lt3A_706 = arith.cmpf olt, %get3A_525, %get3A_520 : vector<16xf32>
          %select_n3A_707 = arith.select %lt3A_706, %get3A_525, %get3A_520 : vector<16xi1>, vector<16xf32>
          %select_n3A_708 = arith.select %lt3A_706, %broadcast_in_dim3A_575, %broadcast_in_dim3A_573 : vector<16xi1>, vector<16xi32>
          %lt3A_709 = arith.cmpf olt, %get3A_535, %get3A_530 : vector<16xf32>
          %select_n3A_710 = arith.select %lt3A_709, %get3A_535, %get3A_530 : vector<16xi1>, vector<16xf32>
          %select_n3A_711 = arith.select %lt3A_709, %broadcast_in_dim3A_579, %broadcast_in_dim3A_577 : vector<16xi1>, vector<16xi32>
          %lt3A_712 = arith.cmpf olt, %get3A_545, %get3A_540 : vector<16xf32>
          %select_n3A_713 = arith.select %lt3A_712, %get3A_545, %get3A_540 : vector<16xi1>, vector<16xf32>
          %select_n3A_714 = arith.select %lt3A_712, %broadcast_in_dim3A_583, %broadcast_in_dim3A_581 : vector<16xi1>, vector<16xi32>
          %lt3A_715 = arith.cmpf olt, %get3A_555, %get3A_550 : vector<16xf32>
          %select_n3A_716 = arith.select %lt3A_715, %get3A_555, %get3A_550 : vector<16xi1>, vector<16xf32>
          %select_n3A_717 = arith.select %lt3A_715, %broadcast_in_dim3A_587, %broadcast_in_dim3A_585 : vector<16xi1>, vector<16xi32>
          %lt3A_718 = arith.cmpf olt, %select_n3A_698, %select_n3A_695 : vector<16xf32>
          %select_n3A_719 = arith.select %lt3A_718, %select_n3A_698, %select_n3A_695 : vector<16xi1>, vector<16xf32>
          %select_n3A_720 = arith.select %lt3A_718, %select_n3A_699, %select_n3A_696 : vector<16xi1>, vector<16xi32>
          %lt3A_721 = arith.cmpf olt, %select_n3A_704, %select_n3A_701 : vector<16xf32>
          %select_n3A_722 = arith.select %lt3A_721, %select_n3A_704, %select_n3A_701 : vector<16xi1>, vector<16xf32>
          %select_n3A_723 = arith.select %lt3A_721, %select_n3A_705, %select_n3A_702 : vector<16xi1>, vector<16xi32>
          %lt3A_724 = arith.cmpf olt, %select_n3A_710, %select_n3A_707 : vector<16xf32>
          %select_n3A_725 = arith.select %lt3A_724, %select_n3A_710, %select_n3A_707 : vector<16xi1>, vector<16xf32>
          %select_n3A_726 = arith.select %lt3A_724, %select_n3A_711, %select_n3A_708 : vector<16xi1>, vector<16xi32>
          %lt3A_727 = arith.cmpf olt, %select_n3A_716, %select_n3A_713 : vector<16xf32>
          %select_n3A_728 = arith.select %lt3A_727, %select_n3A_716, %select_n3A_713 : vector<16xi1>, vector<16xf32>
          %select_n3A_729 = arith.select %lt3A_727, %select_n3A_717, %select_n3A_714 : vector<16xi1>, vector<16xi32>
          %lt3A_730 = arith.cmpf olt, %select_n3A_722, %select_n3A_719 : vector<16xf32>
          %select_n3A_731 = arith.select %lt3A_730, %select_n3A_722, %select_n3A_719 : vector<16xi1>, vector<16xf32>
          %select_n3A_732 = arith.select %lt3A_730, %select_n3A_723, %select_n3A_720 : vector<16xi1>, vector<16xi32>
          %lt3A_733 = arith.cmpf olt, %select_n3A_728, %select_n3A_725 : vector<16xf32>
          %select_n3A_734 = arith.select %lt3A_733, %select_n3A_728, %select_n3A_725 : vector<16xi1>, vector<16xf32>
          %select_n3A_735 = arith.select %lt3A_733, %select_n3A_729, %select_n3A_726 : vector<16xi1>, vector<16xi32>
          %lt3A_736 = arith.cmpf olt, %select_n3A_734, %select_n3A_731 : vector<16xf32>
          %select_n3A_737 = arith.select %lt3A_736, %select_n3A_734, %select_n3A_731 : vector<16xi1>, vector<16xf32>
          %select_n3A_738 = arith.select %lt3A_736, %select_n3A_735, %select_n3A_732 : vector<16xi1>, vector<16xi32>
          %gt3A = arith.cmpf ogt, %get3A_485, %get3A_480 : vector<16xf32>
          %select_n3A_739 = arith.select %gt3A, %get3A_485, %get3A_480 : vector<16xi1>, vector<16xf32>
          %select_n3A_740 = arith.select %gt3A, %broadcast_in_dim3A_559, %broadcast_in_dim3A_557 : vector<16xi1>, vector<16xi32>
          %gt3A_741 = arith.cmpf ogt, %get3A_495, %get3A_490 : vector<16xf32>
          %select_n3A_742 = arith.select %gt3A_741, %get3A_495, %get3A_490 : vector<16xi1>, vector<16xf32>
          %select_n3A_743 = arith.select %gt3A_741, %broadcast_in_dim3A_563, %broadcast_in_dim3A_561 : vector<16xi1>, vector<16xi32>
          %gt3A_744 = arith.cmpf ogt, %get3A_505, %get3A_500 : vector<16xf32>
          %select_n3A_745 = arith.select %gt3A_744, %get3A_505, %get3A_500 : vector<16xi1>, vector<16xf32>
          %select_n3A_746 = arith.select %gt3A_744, %broadcast_in_dim3A_567, %broadcast_in_dim3A_565 : vector<16xi1>, vector<16xi32>
          %gt3A_747 = arith.cmpf ogt, %get3A_515, %get3A_510 : vector<16xf32>
          %select_n3A_748 = arith.select %gt3A_747, %get3A_515, %get3A_510 : vector<16xi1>, vector<16xf32>
          %select_n3A_749 = arith.select %gt3A_747, %broadcast_in_dim3A_571, %broadcast_in_dim3A_569 : vector<16xi1>, vector<16xi32>
          %gt3A_750 = arith.cmpf ogt, %get3A_525, %get3A_520 : vector<16xf32>
          %select_n3A_751 = arith.select %gt3A_750, %get3A_525, %get3A_520 : vector<16xi1>, vector<16xf32>
          %select_n3A_752 = arith.select %gt3A_750, %broadcast_in_dim3A_575, %broadcast_in_dim3A_573 : vector<16xi1>, vector<16xi32>
          %gt3A_753 = arith.cmpf ogt, %get3A_535, %get3A_530 : vector<16xf32>
          %select_n3A_754 = arith.select %gt3A_753, %get3A_535, %get3A_530 : vector<16xi1>, vector<16xf32>
          %select_n3A_755 = arith.select %gt3A_753, %broadcast_in_dim3A_579, %broadcast_in_dim3A_577 : vector<16xi1>, vector<16xi32>
          %gt3A_756 = arith.cmpf ogt, %get3A_545, %get3A_540 : vector<16xf32>
          %select_n3A_757 = arith.select %gt3A_756, %get3A_545, %get3A_540 : vector<16xi1>, vector<16xf32>
          %select_n3A_758 = arith.select %gt3A_756, %broadcast_in_dim3A_583, %broadcast_in_dim3A_581 : vector<16xi1>, vector<16xi32>
          %gt3A_759 = arith.cmpf ogt, %get3A_555, %get3A_550 : vector<16xf32>
          %select_n3A_760 = arith.select %gt3A_759, %get3A_555, %get3A_550 : vector<16xi1>, vector<16xf32>
          %select_n3A_761 = arith.select %gt3A_759, %broadcast_in_dim3A_587, %broadcast_in_dim3A_585 : vector<16xi1>, vector<16xi32>
          %gt3A_762 = arith.cmpf ogt, %select_n3A_742, %select_n3A_739 : vector<16xf32>
          %select_n3A_763 = arith.select %gt3A_762, %select_n3A_742, %select_n3A_739 : vector<16xi1>, vector<16xf32>
          %select_n3A_764 = arith.select %gt3A_762, %select_n3A_743, %select_n3A_740 : vector<16xi1>, vector<16xi32>
          %gt3A_765 = arith.cmpf ogt, %select_n3A_748, %select_n3A_745 : vector<16xf32>
          %select_n3A_766 = arith.select %gt3A_765, %select_n3A_748, %select_n3A_745 : vector<16xi1>, vector<16xf32>
          %select_n3A_767 = arith.select %gt3A_765, %select_n3A_749, %select_n3A_746 : vector<16xi1>, vector<16xi32>
          %gt3A_768 = arith.cmpf ogt, %select_n3A_754, %select_n3A_751 : vector<16xf32>
          %select_n3A_769 = arith.select %gt3A_768, %select_n3A_754, %select_n3A_751 : vector<16xi1>, vector<16xf32>
          %select_n3A_770 = arith.select %gt3A_768, %select_n3A_755, %select_n3A_752 : vector<16xi1>, vector<16xi32>
          %gt3A_771 = arith.cmpf ogt, %select_n3A_760, %select_n3A_757 : vector<16xf32>
          %select_n3A_772 = arith.select %gt3A_771, %select_n3A_760, %select_n3A_757 : vector<16xi1>, vector<16xf32>
          %select_n3A_773 = arith.select %gt3A_771, %select_n3A_761, %select_n3A_758 : vector<16xi1>, vector<16xi32>
          %gt3A_774 = arith.cmpf ogt, %select_n3A_766, %select_n3A_763 : vector<16xf32>
          %select_n3A_775 = arith.select %gt3A_774, %select_n3A_766, %select_n3A_763 : vector<16xi1>, vector<16xf32>
          %select_n3A_776 = arith.select %gt3A_774, %select_n3A_767, %select_n3A_764 : vector<16xi1>, vector<16xi32>
          %gt3A_777 = arith.cmpf ogt, %select_n3A_772, %select_n3A_769 : vector<16xf32>
          %select_n3A_778 = arith.select %gt3A_777, %select_n3A_772, %select_n3A_769 : vector<16xi1>, vector<16xf32>
          %select_n3A_779 = arith.select %gt3A_777, %select_n3A_773, %select_n3A_770 : vector<16xi1>, vector<16xi32>
          %gt3A_780 = arith.cmpf ogt, %select_n3A_778, %select_n3A_775 : vector<16xf32>
          %select_n3A_781 = arith.select %gt3A_780, %select_n3A_778, %select_n3A_775 : vector<16xi1>, vector<16xf32>
          %select_n3A_782 = arith.select %gt3A_780, %select_n3A_779, %select_n3A_776 : vector<16xi1>, vector<16xi32>
          %swap3A_783 = arith.index_cast %add3A_474 : i32 to index
          %swap3A_784 = arith.constant 0 : index
          %swap3A_785 = tpu.vector_load %arg8[%swap3A_783, %swap3A_784] {strides = array<i32>} : memref<32x16xf32, #tpu.memory_space<vmem>>, vector<16xf32>,
          tpu.vector_store %arg8[%swap3A_783, %swap3A_784], %select_n3A_692 {strides = array<i32>} : memref<32x16xf32, #tpu.memory_space<vmem>>, vector<16xf32>,
          %swap3A_786 = arith.index_cast %add3A_474 : i32 to index
          %swap3A_787 = arith.constant 0 : index
          %swap3A_788 = tpu.vector_load %arg9[%swap3A_786, %swap3A_787] {strides = array<i32>} : memref<32x16xi32, #tpu.memory_space<vmem>>, vector<16xi32>,
          tpu.vector_store %arg9[%swap3A_786, %swap3A_787], %select_n3A_693 {strides = array<i32>} : memref<32x16xi32, #tpu.memory_space<vmem>>, vector<16xi32>,
          %swap3A_789 = arith.index_cast %add3A_474 : i32 to index
          %swap3A_790 = arith.constant 0 : index
          %swap3A_791 = tpu.vector_load %arg10[%swap3A_789, %swap3A_790] {strides = array<i32>} : memref<32x16xf32, #tpu.memory_space<vmem>>, vector<16xf32>,
          tpu.vector_store %arg10[%swap3A_789, %swap3A_790], %select_n3A_737 {strides = array<i32>} : memref<32x16xf32, #tpu.memory_space<vmem>>, vector<16xf32>,
          %swap3A_792 = arith.index_cast %add3A_474 : i32 to index
          %swap3A_793 = arith.constant 0 : index
          %swap3A_794 = tpu.vector_load %arg11[%swap3A_792, %swap3A_793] {strides = array<i32>} : memref<32x16xi32, #tpu.memory_space<vmem>>, vector<16xi32>,
          tpu.vector_store %arg11[%swap3A_792, %swap3A_793], %select_n3A_738 {strides = array<i32>} : memref<32x16xi32, #tpu.memory_space<vmem>>, vector<16xi32>,
          %swap3A_795 = arith.index_cast %add3A_474 : i32 to index
          %swap3A_796 = arith.constant 0 : index
          %swap3A_797 = tpu.vector_load %arg12[%swap3A_795, %swap3A_796] {strides = array<i32>} : memref<32x16xf32, #tpu.memory_space<vmem>>, vector<16xf32>,
          tpu.vector_store %arg12[%swap3A_795, %swap3A_796], %select_n3A_781 {strides = array<i32>} : memref<32x16xf32, #tpu.memory_space<vmem>>, vector<16xf32>,
          %swap3A_798 = arith.index_cast %add3A_474 : i32 to index
          %swap3A_799 = arith.constant 0 : index
          %swap3A_800 = tpu.vector_load %arg13[%swap3A_798, %swap3A_799] {strides = array<i32>} : memref<32x16xi32, #tpu.memory_space<vmem>>, vector<16xi32>,
          tpu.vector_store %arg13[%swap3A_798, %swap3A_799], %select_n3A_782 {strides = array<i32>} : memref<32x16xi32, #tpu.memory_space<vmem>>, vector<16xi32>,
          %eq3A = vector.broadcast %scan3A_468 : i32 to vector<16xi32>
          %eq3A_801 = arith.cmpi eq, %iota3A, %eq3A : vector<16xi32>
          %reduce_min3A = arith.constant true
          %reduce_min3A_802 = vector.broadcast %reduce_min3A : i1 to vector<16xi1>
          %reduce_min3A_803 = tpu.scan <min>, %select_n3A_692 masked %reduce_min3A_802 : vector<16xf32>, vector<16xi1> -> vector<16xf32>
          %reduce_min3A_804 = vector.extract %reduce_min3A_803[15] : f32 from vector<16xf32>
          %broadcast_in_dim3A_805 = vector.broadcast %reduce_min3A_804 : f32 to vector<16xf32>
          %select_n3A_806 = arith.select %eq3A_801, %broadcast_in_dim3A_805, %scan3A_469 : vector<16xi1>, vector<16xf32>
          %reduce_min3A_807 = arith.constant true
          %reduce_min3A_808 = vector.broadcast %reduce_min3A_807 : i1 to vector<16xi1>
          %reduce_min3A_809 = tpu.scan <min>, %select_n3A_737 masked %reduce_min3A_808 : vector<16xf32>, vector<16xi1> -> vector<16xf32>
          %reduce_min3A_810 = vector.extract %reduce_min3A_809[15] : f32 from vector<16xf32>
          %broadcast_in_dim3A_811 = vector.broadcast %reduce_min3A_810 : f32 to vector<16xf32>
          %select_n3A_812 = arith.select %eq3A_801, %broadcast_in_dim3A_811, %scan3A_470 : vector<16xi1>, vector<16xf32>
          %reduce_max3A = arith.constant true
          %reduce_max3A_813 = vector.broadcast %reduce_max3A : i1 to vector<16xi1>
          %reduce_max3A_814 = tpu.scan <max>, %select_n3A_781 masked %reduce_max3A_813 : vector<16xf32>, vector<16xi1> -> vector<16xf32>
          %reduce_max3A_815 = vector.extract %reduce_max3A_814[15] : f32 from vector<16xf32>
          %broadcast_in_dim3A_816 = vector.broadcast %reduce_max3A_815 : f32 to vector<16xf32>
          %select_n3A_817 = arith.select %eq3A_801, %broadcast_in_dim3A_816, %scan3A_471 : vector<16xi1>, vector<16xf32>
          scf.yield %select_n3A_806, %select_n3A_812, %select_n3A_817 : vector<16xf32>, vector<16xf32>, vector<16xf32>
        }
        %scan3A_457 = arith.constant 16 : i32
        %swap3A_458 = arith.index_cast %scan3A_448 : i32 to index
        %swap3A_459 = arith.constant 0 : index
        %swap3A_460 = tpu.vector_load %arg14[%swap3A_458, %swap3A_459] {strides = array<i32>} : memref<2x16xf32, #tpu.memory_space<vmem>>, vector<16xf32>,
        tpu.vector_store %arg14[%swap3A_458, %swap3A_459], %scan3A_456#0 {strides = array<i32>} : memref<2x16xf32, #tpu.memory_space<vmem>>, vector<16xf32>,
        %swap3A_461 = arith.index_cast %scan3A_448 : i32 to index
        %swap3A_462 = arith.constant 0 : index
        %swap3A_463 = tpu.vector_load %arg15[%swap3A_461, %swap3A_462] {strides = array<i32>} : memref<2x16xf32, #tpu.memory_space<vmem>>, vector<16xf32>,
        tpu.vector_store %arg15[%swap3A_461, %swap3A_462], %scan3A_456#1 {strides = array<i32>} : memref<2x16xf32, #tpu.memory_space<vmem>>, vector<16xf32>,
        %swap3A_464 = arith.index_cast %scan3A_448 : i32 to index
        %swap3A_465 = arith.constant 0 : index
        %swap3A_466 = tpu.vector_load %arg16[%swap3A_464, %swap3A_465] {strides = array<i32>} : memref<2x16xf32, #tpu.memory_space<vmem>>, vector<16xf32>,
        tpu.vector_store %arg16[%swap3A_464, %swap3A_465], %scan3A_456#2 {strides = array<i32>} : memref<2x16xf32, #tpu.memory_space<vmem>>, vector<16xf32>,
        %scan3A_467 = arith.constant 0 : i32
        scf.yield %scan3A_467 : i32
      }
      %scan3A_285 = arith.constant 2 : i32
      %broadcast_in_dim3A_286 = arith.constant 0 : i32
      "tpu.trace_stop"() : () -> ()
      "tpu.trace_start"() <{level = 10 : i32, message = "select"}> : () -> ()
      %broadcast_in_dim3A_287 = vector.broadcast %broadcast_in_dim3A_286 : i32 to vector<16xi32>
      %scan3A_288 = arith.constant 0 : i32
      %scan3A_289 = arith.constant 5 : i32
      %scan3A_290 = arith.addi %scan3A_288, %scan3A_289 : i32
      %scan3A_291 = arith.constant 1 : i32
      %scan3A_292 = scf.for %scan3A_448 = %scan3A_288 to %scan3A_290 step %scan3A_291 iter_args(%scan3A_449 = %broadcast_in_dim3A_287) -> (vector<16xi32>)  : i32 {
        %get3A = arith.constant 0 : i32
        %get3A_450 = arith.index_cast %get3A : i32 to index
        %get3A_451 = arith.constant 0 : index
        %get3A_452 = tpu.vector_load %arg15[%get3A_450, %get3A_451] {strides = array<i32>} : memref<2x16xf32, #tpu.memory_space<vmem>>, vector<16xf32>,
        %get3A_453 = arith.constant 1 : i32
        %get3A_454 = arith.index_cast %get3A_453 : i32 to index
        %get3A_455 = arith.constant 0 : index
        %get3A_456 = tpu.vector_load %arg15[%get3A_454, %get3A_455] {strides = array<i32>} : memref<2x16xf32, #tpu.memory_space<vmem>>, vector<16xf32>,
        %lt3A_457 = arith.cmpf olt, %get3A_456, %get3A_452 : vector<16xf32>
        %select_n3A = arith.select %lt3A_457, %get3A_456, %get3A_452 : vector<16xi1>, vector<16xf32>
        %jit3A = arith.constant 16 : i32
        %jit3A_458 = arith.constant 0 : i32
        %broadcast_in_dim3A_459 = vector.broadcast %jit3A : i32 to vector<16xi32>
        %broadcast_in_dim3A_460 = vector.broadcast %jit3A_458 : i32 to vector<16xi32>
        %select_n3A_461 = arith.select %lt3A_457, %broadcast_in_dim3A_459, %broadcast_in_dim3A_460 : vector<16xi1>, vector<16xi32>
        %reduce_min3A = arith.constant true
        %reduce_min3A_462 = vector.broadcast %reduce_min3A : i1 to vector<16xi1>
        %reduce_min3A_463 = tpu.scan <min>, %select_n3A masked %reduce_min3A_462 : vector<16xf32>, vector<16xi1> -> vector<16xf32>
        %reduce_min3A_464 = vector.extract %reduce_min3A_463[15] : f32 from vector<16xf32>
        %eq3A = vector.broadcast %reduce_min3A_464 : f32 to vector<16xf32>
        %eq3A_465 = arith.cmpf oeq, %select_n3A, %eq3A : vector<16xf32>
        %add3A_466 = arith.addi %select_n3A_461, %iota3A : vector<16xi32>
        %jit3A_467 = arith.constant 1073741824 : i32
        %broadcast_in_dim3A_468 = vector.broadcast %jit3A_467 : i32 to vector<16xi32>
        %select_n3A_469 = arith.select %eq3A_465, %add3A_466, %broadcast_in_dim3A_468 : vector<16xi1>, vector<16xi32>
        %reduce_min3A_470 = arith.constant true
        %reduce_min3A_471 = vector.broadcast %reduce_min3A_470 : i1 to vector<16xi1>
        %reduce_min3A_472 = arith.constant -2147483648 : i32
        %reduce_min3A_473 = vector.broadcast %reduce_min3A_472 : i32 to vector<16xi32>
        %reduce_min3A_474 = arith.xori %select_n3A_469, %reduce_min3A_473 : vector<16xi32>
        %reduce_min3A_475 = tpu.scan <min>, %reduce_min3A_474 masked %reduce_min3A_471 : vector<16xi32>, vector<16xi1> -> vector<16xi32>
        %reduce_min3A_476 = arith.xori %reduce_min3A_475, %reduce_min3A_473 : vector<16xi32>
        %reduce_min3A_477 = vector.extract %reduce_min3A_476[15] : i32 from vector<16xi32>
        %get3A_478 = arith.index_cast %reduce_min3A_477 : i32 to index
        %get3A_479 = arith.constant 0 : index
        %get3A_480 = tpu.vector_load %arg10[%get3A_478, %get3A_479] {strides = array<i32>} : memref<32x16xf32, #tpu.memory_space<vmem>>, vector<16xf32>,
        %get3A_481 = arith.index_cast %reduce_min3A_477 : i32 to index
        %get3A_482 = arith.constant 0 : index
        %get3A_483 = tpu.vector_load %arg11[%get3A_481, %get3A_482] {strides = array<i32>} : memref<32x16xi32, #tpu.memory_space<vmem>>, vector<16xi32>,
        %eq3A_484 = vector.broadcast %reduce_min3A_464 : f32 to vector<16xf32>
        %eq3A_485 = arith.cmpf oeq, %get3A_480, %eq3A_484 : vector<16xf32>
        %mul3A_486 = arith.constant 256 : i32
        %mul3A_487 = arith.muli %reduce_min3A_477, %mul3A_486 : i32
        %mul3A_488 = arith.constant 16 : i32
        %mul3A_489 = vector.broadcast %mul3A_488 : i32 to vector<16xi32>
        %mul3A_490 = arith.muli %get3A_483, %mul3A_489 : vector<16xi32>
        %add3A_491 = vector.broadcast %mul3A_487 : i32 to vector<16xi32>
        %add3A_492 = arith.addi %add3A_491, %mul3A_490 : vector<16xi32>
        %add3A_493 = arith.addi %add3A_492, %iota3A : vector<16xi32>
        %jit3A_494 = arith.constant 1073741824 : i32
        %broadcast_in_dim3A_495 = vector.broadcast %jit3A_494 : i32 to vector<16xi32>
        %select_n3A_496 = arith.select %eq3A_485, %add3A_493, %broadcast_in_dim3A_495 : vector<16xi1>, vector<16xi32>
        %reduce_min3A_497 = arith.constant true
        %reduce_min3A_498 = vector.broadcast %reduce_min3A_497 : i1 to vector<16xi1>
        %reduce_min3A_499 = arith.constant -2147483648 : i32
        %reduce_min3A_500 = vector.broadcast %reduce_min3A_499 : i32 to vector<16xi32>
        %reduce_min3A_501 = arith.xori %select_n3A_496, %reduce_min3A_500 : vector<16xi32>
        %reduce_min3A_502 = tpu.scan <min>, %reduce_min3A_501 masked %reduce_min3A_498 : vector<16xi32>, vector<16xi1> -> vector<16xi32>
        %reduce_min3A_503 = arith.xori %reduce_min3A_502, %reduce_min3A_500 : vector<16xi32>
        %reduce_min3A_504 = vector.extract %reduce_min3A_503[15] : i32 from vector<16xi32>
        %eq3A_505 = vector.broadcast %scan3A_448 : i32 to vector<16xi32>
        %eq3A_506 = arith.cmpi eq, %iota3A, %eq3A_505 : vector<16xi32>
        %broadcast_in_dim3A_507 = vector.broadcast %reduce_min3A_504 : i32 to vector<16xi32>
        %select_n3A_508 = arith.select %eq3A_506, %broadcast_in_dim3A_507, %scan3A_449 : vector<16xi1>, vector<16xi32>
        %and3A_509 = arith.constant 15 : i32
        %and3A_510 = arith.andi %reduce_min3A_504, %and3A_509 : i32
        %shift_right_logical3A_511 = arith.constant 4 : i32
        %shift_right_logical3A_512 = arith.shrui %reduce_min3A_504, %shift_right_logical3A_511 : i32
        %and3A_513 = arith.constant 15 : i32
        %and3A_514 = arith.andi %shift_right_logical3A_512, %and3A_513 : i32
        %eq3A_515 = vector.broadcast %and3A_510 : i32 to vector<16xi32>
        %eq3A_516 = arith.cmpi eq, %iota3A, %eq3A_515 : vector<16xi32>
        %get3A_517 = arith.index_cast %reduce_min3A_477 : i32 to index
        %get3A_518 = arith.constant 0 : index
        %get3A_519 = tpu.vector_load %arg18[%get3A_517, %get3A_518] {strides = array<i32>} : memref<32x16xi32, #tpu.memory_space<vmem>>, vector<16xi32>,
        %jit3A_520 = arith.constant 0 : i32
        %broadcast_in_dim3A_521 = vector.broadcast %jit3A_520 : i32 to vector<16xi32>
        %select_n3A_522 = arith.select %eq3A_516, %get3A_519, %broadcast_in_dim3A_521 : vector<16xi1>, vector<16xi32>
        %reduce_max3A = arith.constant true
        %reduce_max3A_523 = vector.broadcast %reduce_max3A : i1 to vector<16xi1>
        %reduce_max3A_524 = arith.constant -2147483648 : i32
        %reduce_max3A_525 = vector.broadcast %reduce_max3A_524 : i32 to vector<16xi32>
        %reduce_max3A_526 = arith.xori %select_n3A_522, %reduce_max3A_525 : vector<16xi32>
        %reduce_max3A_527 = tpu.scan <max>, %reduce_max3A_526 masked %reduce_max3A_523 : vector<16xi32>, vector<16xi1> -> vector<16xi32>
        %reduce_max3A_528 = arith.xori %reduce_max3A_527, %reduce_max3A_525 : vector<16xi32>
        %reduce_max3A_529 = vector.extract %reduce_max3A_528[15] : i32 from vector<16xi32>
        %shift_left3A = arith.constant 1 : i32
        %shift_left3A_530 = arith.shli %shift_left3A, %and3A_514 : i32
        %or3A = arith.ori %reduce_max3A_529, %shift_left3A_530 : i32
        %broadcast_in_dim3A_531 = vector.broadcast %or3A : i32 to vector<16xi32>
        %select_n3A_532 = arith.select %eq3A_516, %broadcast_in_dim3A_531, %get3A_519 : vector<16xi1>, vector<16xi32>
        %swap3A_533 = arith.index_cast %reduce_min3A_477 : i32 to index
        %swap3A_534 = arith.constant 0 : index
        %swap3A_535 = tpu.vector_load %arg18[%swap3A_533, %swap3A_534] {strides = array<i32>} : memref<32x16xi32, #tpu.memory_space<vmem>>, vector<16xi32>,
        tpu.vector_store %arg18[%swap3A_533, %swap3A_534], %select_n3A_532 {strides = array<i32>} : memref<32x16xi32, #tpu.memory_space<vmem>>, vector<16xi32>,
        %mul3A_536 = arith.constant 256 : i32
        %mul3A_537 = arith.muli %reduce_min3A_477, %mul3A_536 : i32
        %mul3A_538 = arith.constant 16 : i32
        %mul3A_539 = vector.broadcast %mul3A_538 : i32 to vector<16xi32>
        %mul3A_540 = arith.muli %iota3A, %mul3A_539 : vector<16xi32>
        %add3A_541 = vector.broadcast %mul3A_537 : i32 to vector<16xi32>
        %add3A_542 = arith.addi %add3A_541, %mul3A_540 : vector<16xi32>
        %add3A_543 = vector.broadcast %and3A_510 : i32 to vector<16xi32>
        %add3A_544 = arith.addi %add3A_542, %add3A_543 : vector<16xi32>
        %add3A_545 = vector.broadcast %mul3A_256 : i32 to vector<16xi32>
        %add3A_546 = arith.addi %add3A_544, %add3A_545 : vector<16xi32>
        %gather3A_547 = tpu.vector_load_idx %arg7[%add3A_546] : memref<16384xf32, #tpu.memory_space<vmem>>[vector<16xi32>], vector<16xf32>,
        %shift_right_logical3A_548 = vector.broadcast %or3A : i32 to vector<16xi32>
        %shift_right_logical3A_549 = arith.shrui %shift_right_logical3A_548, %iota3A : vector<16xi32>
        %and3A_550 = arith.constant 1 : i32
        %and3A_551 = vector.broadcast %and3A_550 : i32 to vector<16xi32>
        %and3A_552 = arith.andi %shift_right_logical3A_549, %and3A_551 : vector<16xi32>
        %eq3A_553 = arith.constant 1 : i32
        %eq3A_554 = vector.broadcast %eq3A_553 : i32 to vector<16xi32>
        %eq3A_555 = arith.cmpi eq, %and3A_552, %eq3A_554 : vector<16xi32>
        %jit3A_556 = arith.constant 0x7F800000 : f32
        %broadcast_in_dim3A_557 = vector.broadcast %jit3A_556 : f32 to vector<16xf32>
        %select_n3A_558 = arith.select %eq3A_555, %broadcast_in_dim3A_557, %gather3A_547 : vector<16xi1>, vector<16xf32>
        %reduce_min3A_559 = arith.constant true
        %reduce_min3A_560 = vector.broadcast %reduce_min3A_559 : i1 to vector<16xi1>
        %reduce_min3A_561 = tpu.scan <min>, %select_n3A_558 masked %reduce_min3A_560 : vector<16xf32>, vector<16xi1> -> vector<16xf32>
        %reduce_min3A_562 = vector.extract %reduce_min3A_561[15] : f32 from vector<16xf32>
        %eq3A_563 = vector.broadcast %reduce_min3A_562 : f32 to vector<16xf32>
        %eq3A_564 = arith.cmpf oeq, %select_n3A_558, %eq3A_563 : vector<16xf32>
        %jit3A_565 = arith.constant 16 : i32
        %broadcast_in_dim3A_566 = vector.broadcast %jit3A_565 : i32 to vector<16xi32>
        %select_n3A_567 = arith.select %eq3A_564, %iota3A, %broadcast_in_dim3A_566 : vector<16xi1>, vector<16xi32>
        %reduce_min3A_568 = arith.constant true
        %reduce_min3A_569 = vector.broadcast %reduce_min3A_568 : i1 to vector<16xi1>
        %reduce_min3A_570 = arith.constant -2147483648 : i32
        %reduce_min3A_571 = vector.broadcast %reduce_min3A_570 : i32 to vector<16xi32>
        %reduce_min3A_572 = arith.xori %select_n3A_567, %reduce_min3A_571 : vector<16xi32>
        %reduce_min3A_573 = tpu.scan <min>, %reduce_min3A_572 masked %reduce_min3A_569 : vector<16xi32>, vector<16xi1> -> vector<16xi32>
        %reduce_min3A_574 = arith.xori %reduce_min3A_573, %reduce_min3A_571 : vector<16xi32>
        %reduce_min3A_575 = vector.extract %reduce_min3A_574[15] : i32 from vector<16xi32>
        %broadcast_in_dim3A_576 = vector.broadcast %reduce_min3A_562 : f32 to vector<16xf32>
        %select_n3A_577 = arith.select %eq3A_516, %broadcast_in_dim3A_576, %get3A_480 : vector<16xi1>, vector<16xf32>
        %swap3A_578 = arith.index_cast %reduce_min3A_477 : i32 to index
        %swap3A_579 = arith.constant 0 : index
        %swap3A_580 = tpu.vector_load %arg10[%swap3A_578, %swap3A_579] {strides = array<i32>} : memref<32x16xf32, #tpu.memory_space<vmem>>, vector<16xf32>,
        tpu.vector_store %arg10[%swap3A_578, %swap3A_579], %select_n3A_577 {strides = array<i32>} : memref<32x16xf32, #tpu.memory_space<vmem>>, vector<16xf32>,
        %broadcast_in_dim3A_581 = vector.broadcast %reduce_min3A_575 : i32 to vector<16xi32>
        %select_n3A_582 = arith.select %eq3A_516, %broadcast_in_dim3A_581, %get3A_483 : vector<16xi1>, vector<16xi32>
        %swap3A_583 = arith.index_cast %reduce_min3A_477 : i32 to index
        %swap3A_584 = arith.constant 0 : index
        %swap3A_585 = tpu.vector_load %arg11[%swap3A_583, %swap3A_584] {strides = array<i32>} : memref<32x16xi32, #tpu.memory_space<vmem>>, vector<16xi32>,
        tpu.vector_store %arg11[%swap3A_583, %swap3A_584], %select_n3A_582 {strides = array<i32>} : memref<32x16xi32, #tpu.memory_space<vmem>>, vector<16xi32>,
        %shift_right_logical3A_586 = arith.constant 4 : i32
        %shift_right_logical3A_587 = arith.shrui %reduce_min3A_477, %shift_right_logical3A_586 : i32
        %reduce_min3A_588 = arith.constant true
        %reduce_min3A_589 = vector.broadcast %reduce_min3A_588 : i1 to vector<16xi1>
        %reduce_min3A_590 = tpu.scan <min>, %select_n3A_577 masked %reduce_min3A_589 : vector<16xf32>, vector<16xi1> -> vector<16xf32>
        %reduce_min3A_591 = vector.extract %reduce_min3A_590[15] : f32 from vector<16xf32>
        %and3A_592 = arith.constant 15 : i32
        %and3A_593 = arith.andi %reduce_min3A_477, %and3A_592 : i32
        %eq3A_594 = vector.broadcast %and3A_593 : i32 to vector<16xi32>
        %eq3A_595 = arith.cmpi eq, %iota3A, %eq3A_594 : vector<16xi32>
        %get3A_596 = arith.index_cast %shift_right_logical3A_587 : i32 to index
        %get3A_597 = arith.constant 0 : index
        %get3A_598 = tpu.vector_load %arg15[%get3A_596, %get3A_597] {strides = array<i32>} : memref<2x16xf32, #tpu.memory_space<vmem>>, vector<16xf32>,
        %broadcast_in_dim3A_599 = vector.broadcast %reduce_min3A_591 : f32 to vector<16xf32>
        %select_n3A_600 = arith.select %eq3A_595, %broadcast_in_dim3A_599, %get3A_598 : vector<16xi1>, vector<16xf32>
        %swap3A_601 = arith.index_cast %shift_right_logical3A_587 : i32 to index
        %swap3A_602 = arith.constant 0 : index
        %swap3A_603 = tpu.vector_load %arg15[%swap3A_601, %swap3A_602] {strides = array<i32>} : memref<2x16xf32, #tpu.memory_space<vmem>>, vector<16xf32>,
        tpu.vector_store %arg15[%swap3A_601, %swap3A_602], %select_n3A_600 {strides = array<i32>} : memref<2x16xf32, #tpu.memory_space<vmem>>, vector<16xf32>,
        scf.yield %select_n3A_508 : vector<16xi32>
      }
      %scan3A_293 = arith.constant 5 : i32
      %shift_right_logical3A = arith.constant 8 : i32
      %shift_right_logical3A_294 = vector.broadcast %shift_right_logical3A : i32 to vector<16xi32>
      %shift_right_logical3A_295 = arith.shrui %scan3A_292, %shift_right_logical3A_294 : vector<16xi32>
      %and3A_296 = arith.constant 15 : i32
      %and3A_297 = vector.broadcast %and3A_296 : i32 to vector<16xi32>
      %and3A_298 = arith.andi %scan3A_292, %and3A_297 : vector<16xi32>
      %broadcast_in_dim3A_299 = arith.constant 0 : i32
      %broadcast_in_dim3A_300 = vector.broadcast %broadcast_in_dim3A_299 : i32 to vector<16xi32>
      tpu.vector_store_idx %arg18[%shift_right_logical3A_295, %and3A_298], %broadcast_in_dim3A_300 : memref<32x16xi32, #tpu.memory_space<vmem>>[vector<16xi32>, vector<16xi32>], vector<16xi32>,
      %mul3A_301 = arith.constant 128 : i32
      %mul3A_302 = arith.muli %scan3A_252, %mul3A_301 : i32
      %add3A_303 = arith.constant 0 : i32
      %add3A_304 = arith.addi %mul3A_302, %add3A_303 : i32
      %swap3A_305 = arith.index_cast %add3A_304 : i32 to index
      %swap3A_306 = tpu.vector_load %arg20[%swap3A_305] {strides = array<i32>} : memref<256xi32, #tpu.memory_space<vmem>>, vector<16xi32>,
      tpu.vector_store %arg20[%swap3A_305], %scan3A_292 {strides = array<i32>} : memref<256xi32, #tpu.memory_space<vmem>>, vector<16xi32>,
      %add3A_307 = vector.broadcast %mul3A_256 : i32 to vector<16xi32>
      %add3A_308 = arith.addi %scan3A_292, %add3A_307 : vector<16xi32>
      %gather3A = tpu.vector_load_idx %arg7[%add3A_308] : memref<16384xf32, #tpu.memory_space<vmem>>[vector<16xi32>], vector<16xf32>,
      %mul3A_309 = arith.constant 128 : i32
      %mul3A_310 = arith.muli %scan3A_252, %mul3A_309 : i32
      %add3A_311 = arith.constant 0 : i32
      %add3A_312 = arith.addi %mul3A_310, %add3A_311 : i32
      %swap3A_313 = arith.index_cast %add3A_312 : i32 to index
      %swap3A_314 = tpu.vector_load %arg22[%swap3A_313] {strides = array<i32>} : memref<256xf32, #tpu.memory_space<vmem>>, vector<16xf32>,
      tpu.vector_store %arg22[%swap3A_313], %gather3A {strides = array<i32>} : memref<256xf32, #tpu.memory_space<vmem>>, vector<16xf32>,
      %mul3A_315 = arith.constant 3 : i32
      %mul3A_316 = arith.muli %and3A_254, %mul3A_315 : i32
      %mul3A_317 = arith.constant 16 : i32
      %mul3A_318 = arith.muli %mul3A_316, %mul3A_317 : i32
      %add3A_319 = arith.constant 0 : i32
      %add3A_320 = arith.addi %mul3A_318, %add3A_319 : i32
      %mul3A_321 = arith.constant 8192 : i32
      %mul3A_322 = arith.muli %add3A_259, %mul3A_321 : i32
      %add3A_323 = vector.broadcast %mul3A_322 : i32 to vector<16xi32>
      %add3A_324 = arith.addi %scan3A_292, %add3A_323 : vector<16xi32>
      %swap3A_325 = arith.index_cast %add3A_320 : i32 to index
      %swap3A_326 = tpu.vector_load %arg21[%swap3A_325] {strides = array<i32>} : memref<96xi32, #tpu.memory_space<vmem>>, vector<16xi32>,
      tpu.vector_store %arg21[%swap3A_325], %add3A_324 {strides = array<i32>} : memref<96xi32, #tpu.memory_space<vmem>>, vector<16xi32>,
      %dma_start3A_327 = arith.constant 0 : i32
      %dma_start3A_328 = tpu.memref_slice %arg23[%add3A_320, %dma_start3A_327] : memref<96x128xf32, #tpu.memory_space<vmem>> -> memref<16x128xf32, #tpu.memory_space<vmem>>
      %dma_start3A_329 = tpu.memref_slice %arg21[%add3A_320] : memref<96xi32, #tpu.memory_space<vmem>> -> memref<16xi32, #tpu.memory_space<vmem>>
      %dma_start3A_330 = arith.constant 0 : i32
      %dma_start3A_331 = arith.constant 0 : i32
      %dma_start3A_332 = tpu.memref_slice %arg2[%dma_start3A_330, %dma_start3A_331] : memref<524288x128xf32, #tpu.memory_space<hbm>> -> memref<524288x128xf32, #tpu.memory_space<hbm>>
      tpu.enqueue_indirect_dma source(%dma_start3A_332 : memref<524288x128xf32, #tpu.memory_space<hbm>>) target(%dma_start3A_328 : memref<16x128xf32, #tpu.memory_space<vmem>>) offsets(%dma_start3A_329 : memref<16xi32, #tpu.memory_space<vmem>>) semaphore(%arg25 : memref<!tpu.dma_semaphore, #tpu.memory_space<semaphore_mem>>)
      %scan3A_333 = arith.constant 0 : i32
      %scan3A_334 = arith.constant 5 : i32
      %scan3A_335 = arith.addi %scan3A_333, %scan3A_334 : i32
      %scan3A_336 = arith.constant 1 : i32
      %scan3A_337 = scf.for %scan3A_448 = %scan3A_333 to %scan3A_335 step %scan3A_336 iter_args(%scan3A_449 = %broadcast_in_dim3A_287) -> (vector<16xi32>)  : i32 {
        %get3A = arith.constant 0 : i32
        %get3A_450 = arith.index_cast %get3A : i32 to index
        %get3A_451 = arith.constant 0 : index
        %get3A_452 = tpu.vector_load %arg16[%get3A_450, %get3A_451] {strides = array<i32>} : memref<2x16xf32, #tpu.memory_space<vmem>>, vector<16xf32>,
        %get3A_453 = arith.constant 1 : i32
        %get3A_454 = arith.index_cast %get3A_453 : i32 to index
        %get3A_455 = arith.constant 0 : index
        %get3A_456 = tpu.vector_load %arg16[%get3A_454, %get3A_455] {strides = array<i32>} : memref<2x16xf32, #tpu.memory_space<vmem>>, vector<16xf32>,
        %gt3A = arith.cmpf ogt, %get3A_456, %get3A_452 : vector<16xf32>
        %select_n3A = arith.select %gt3A, %get3A_456, %get3A_452 : vector<16xi1>, vector<16xf32>
        %jit3A = arith.constant 16 : i32
        %jit3A_457 = arith.constant 0 : i32
        %broadcast_in_dim3A_458 = vector.broadcast %jit3A : i32 to vector<16xi32>
        %broadcast_in_dim3A_459 = vector.broadcast %jit3A_457 : i32 to vector<16xi32>
        %select_n3A_460 = arith.select %gt3A, %broadcast_in_dim3A_458, %broadcast_in_dim3A_459 : vector<16xi1>, vector<16xi32>
        %reduce_max3A = arith.constant true
        %reduce_max3A_461 = vector.broadcast %reduce_max3A : i1 to vector<16xi1>
        %reduce_max3A_462 = tpu.scan <max>, %select_n3A masked %reduce_max3A_461 : vector<16xf32>, vector<16xi1> -> vector<16xf32>
        %reduce_max3A_463 = vector.extract %reduce_max3A_462[15] : f32 from vector<16xf32>
        %eq3A = vector.broadcast %reduce_max3A_463 : f32 to vector<16xf32>
        %eq3A_464 = arith.cmpf oeq, %select_n3A, %eq3A : vector<16xf32>
        %add3A_465 = arith.addi %select_n3A_460, %iota3A : vector<16xi32>
        %jit3A_466 = arith.constant 1073741824 : i32
        %broadcast_in_dim3A_467 = vector.broadcast %jit3A_466 : i32 to vector<16xi32>
        %select_n3A_468 = arith.select %eq3A_464, %add3A_465, %broadcast_in_dim3A_467 : vector<16xi1>, vector<16xi32>
        %reduce_min3A = arith.constant true
        %reduce_min3A_469 = vector.broadcast %reduce_min3A : i1 to vector<16xi1>
        %reduce_min3A_470 = arith.constant -2147483648 : i32
        %reduce_min3A_471 = vector.broadcast %reduce_min3A_470 : i32 to vector<16xi32>
        %reduce_min3A_472 = arith.xori %select_n3A_468, %reduce_min3A_471 : vector<16xi32>
        %reduce_min3A_473 = tpu.scan <min>, %reduce_min3A_472 masked %reduce_min3A_469 : vector<16xi32>, vector<16xi1> -> vector<16xi32>
        %reduce_min3A_474 = arith.xori %reduce_min3A_473, %reduce_min3A_471 : vector<16xi32>
        %reduce_min3A_475 = vector.extract %reduce_min3A_474[15] : i32 from vector<16xi32>
        %get3A_476 = arith.index_cast %reduce_min3A_475 : i32 to index
        %get3A_477 = arith.constant 0 : index
        %get3A_478 = tpu.vector_load %arg12[%get3A_476, %get3A_477] {strides = array<i32>} : memref<32x16xf32, #tpu.memory_space<vmem>>, vector<16xf32>,
        %get3A_479 = arith.index_cast %reduce_min3A_475 : i32 to index
        %get3A_480 = arith.constant 0 : index
        %get3A_481 = tpu.vector_load %arg13[%get3A_479, %get3A_480] {strides = array<i32>} : memref<32x16xi32, #tpu.memory_space<vmem>>, vector<16xi32>,
        %eq3A_482 = vector.broadcast %reduce_max3A_463 : f32 to vector<16xf32>
        %eq3A_483 = arith.cmpf oeq, %get3A_478, %eq3A_482 : vector<16xf32>
        %mul3A_484 = arith.constant 256 : i32
        %mul3A_485 = arith.muli %reduce_min3A_475, %mul3A_484 : i32
        %mul3A_486 = arith.constant 16 : i32
        %mul3A_487 = vector.broadcast %mul3A_486 : i32 to vector<16xi32>
        %mul3A_488 = arith.muli %get3A_481, %mul3A_487 : vector<16xi32>
        %add3A_489 = vector.broadcast %mul3A_485 : i32 to vector<16xi32>
        %add3A_490 = arith.addi %add3A_489, %mul3A_488 : vector<16xi32>
        %add3A_491 = arith.addi %add3A_490, %iota3A : vector<16xi32>
        %jit3A_492 = arith.constant 1073741824 : i32
        %broadcast_in_dim3A_493 = vector.broadcast %jit3A_492 : i32 to vector<16xi32>
        %select_n3A_494 = arith.select %eq3A_483, %add3A_491, %broadcast_in_dim3A_493 : vector<16xi1>, vector<16xi32>
        %reduce_min3A_495 = arith.constant true
        %reduce_min3A_496 = vector.broadcast %reduce_min3A_495 : i1 to vector<16xi1>
        %reduce_min3A_497 = arith.constant -2147483648 : i32
        %reduce_min3A_498 = vector.broadcast %reduce_min3A_497 : i32 to vector<16xi32>
        %reduce_min3A_499 = arith.xori %select_n3A_494, %reduce_min3A_498 : vector<16xi32>
        %reduce_min3A_500 = tpu.scan <min>, %reduce_min3A_499 masked %reduce_min3A_496 : vector<16xi32>, vector<16xi1> -> vector<16xi32>
        %reduce_min3A_501 = arith.xori %reduce_min3A_500, %reduce_min3A_498 : vector<16xi32>
        %reduce_min3A_502 = vector.extract %reduce_min3A_501[15] : i32 from vector<16xi32>
        %eq3A_503 = vector.broadcast %scan3A_448 : i32 to vector<16xi32>
        %eq3A_504 = arith.cmpi eq, %iota3A, %eq3A_503 : vector<16xi32>
        %broadcast_in_dim3A_505 = vector.broadcast %reduce_min3A_502 : i32 to vector<16xi32>
        %select_n3A_506 = arith.select %eq3A_504, %broadcast_in_dim3A_505, %scan3A_449 : vector<16xi1>, vector<16xi32>
        %and3A_507 = arith.constant 15 : i32
        %and3A_508 = arith.andi %reduce_min3A_502, %and3A_507 : i32
        %shift_right_logical3A_509 = arith.constant 4 : i32
        %shift_right_logical3A_510 = arith.shrui %reduce_min3A_502, %shift_right_logical3A_509 : i32
        %and3A_511 = arith.constant 15 : i32
        %and3A_512 = arith.andi %shift_right_logical3A_510, %and3A_511 : i32
        %eq3A_513 = vector.broadcast %and3A_508 : i32 to vector<16xi32>
        %eq3A_514 = arith.cmpi eq, %iota3A, %eq3A_513 : vector<16xi32>
        %get3A_515 = arith.index_cast %reduce_min3A_475 : i32 to index
        %get3A_516 = arith.constant 0 : index
        %get3A_517 = tpu.vector_load %arg19[%get3A_515, %get3A_516] {strides = array<i32>} : memref<32x16xi32, #tpu.memory_space<vmem>>, vector<16xi32>,
        %jit3A_518 = arith.constant 0 : i32
        %broadcast_in_dim3A_519 = vector.broadcast %jit3A_518 : i32 to vector<16xi32>
        %select_n3A_520 = arith.select %eq3A_514, %get3A_517, %broadcast_in_dim3A_519 : vector<16xi1>, vector<16xi32>
        %reduce_max3A_521 = arith.constant true
        %reduce_max3A_522 = vector.broadcast %reduce_max3A_521 : i1 to vector<16xi1>
        %reduce_max3A_523 = arith.constant -2147483648 : i32
        %reduce_max3A_524 = vector.broadcast %reduce_max3A_523 : i32 to vector<16xi32>
        %reduce_max3A_525 = arith.xori %select_n3A_520, %reduce_max3A_524 : vector<16xi32>
        %reduce_max3A_526 = tpu.scan <max>, %reduce_max3A_525 masked %reduce_max3A_522 : vector<16xi32>, vector<16xi1> -> vector<16xi32>
        %reduce_max3A_527 = arith.xori %reduce_max3A_526, %reduce_max3A_524 : vector<16xi32>
        %reduce_max3A_528 = vector.extract %reduce_max3A_527[15] : i32 from vector<16xi32>
        %shift_left3A = arith.constant 1 : i32
        %shift_left3A_529 = arith.shli %shift_left3A, %and3A_512 : i32
        %or3A = arith.ori %reduce_max3A_528, %shift_left3A_529 : i32
        %broadcast_in_dim3A_530 = vector.broadcast %or3A : i32 to vector<16xi32>
        %select_n3A_531 = arith.select %eq3A_514, %broadcast_in_dim3A_530, %get3A_517 : vector<16xi1>, vector<16xi32>
        %swap3A_532 = arith.index_cast %reduce_min3A_475 : i32 to index
        %swap3A_533 = arith.constant 0 : index
        %swap3A_534 = tpu.vector_load %arg19[%swap3A_532, %swap3A_533] {strides = array<i32>} : memref<32x16xi32, #tpu.memory_space<vmem>>, vector<16xi32>,
        tpu.vector_store %arg19[%swap3A_532, %swap3A_533], %select_n3A_531 {strides = array<i32>} : memref<32x16xi32, #tpu.memory_space<vmem>>, vector<16xi32>,
        %mul3A_535 = arith.constant 256 : i32
        %mul3A_536 = arith.muli %reduce_min3A_475, %mul3A_535 : i32
        %mul3A_537 = arith.constant 16 : i32
        %mul3A_538 = vector.broadcast %mul3A_537 : i32 to vector<16xi32>
        %mul3A_539 = arith.muli %iota3A, %mul3A_538 : vector<16xi32>
        %add3A_540 = vector.broadcast %mul3A_536 : i32 to vector<16xi32>
        %add3A_541 = arith.addi %add3A_540, %mul3A_539 : vector<16xi32>
        %add3A_542 = vector.broadcast %and3A_508 : i32 to vector<16xi32>
        %add3A_543 = arith.addi %add3A_541, %add3A_542 : vector<16xi32>
        %add3A_544 = vector.broadcast %mul3A_256 : i32 to vector<16xi32>
        %add3A_545 = arith.addi %add3A_543, %add3A_544 : vector<16xi32>
        %gather3A_546 = tpu.vector_load_idx %arg7[%add3A_545] : memref<16384xf32, #tpu.memory_space<vmem>>[vector<16xi32>], vector<16xf32>,
        %shift_right_logical3A_547 = vector.broadcast %or3A : i32 to vector<16xi32>
        %shift_right_logical3A_548 = arith.shrui %shift_right_logical3A_547, %iota3A : vector<16xi32>
        %and3A_549 = arith.constant 1 : i32
        %and3A_550 = vector.broadcast %and3A_549 : i32 to vector<16xi32>
        %and3A_551 = arith.andi %shift_right_logical3A_548, %and3A_550 : vector<16xi32>
        %eq3A_552 = arith.constant 1 : i32
        %eq3A_553 = vector.broadcast %eq3A_552 : i32 to vector<16xi32>
        %eq3A_554 = arith.cmpi eq, %and3A_551, %eq3A_553 : vector<16xi32>
        %jit3A_555 = arith.constant 0xFF800000 : f32
        %broadcast_in_dim3A_556 = vector.broadcast %jit3A_555 : f32 to vector<16xf32>
        %select_n3A_557 = arith.select %eq3A_554, %broadcast_in_dim3A_556, %gather3A_546 : vector<16xi1>, vector<16xf32>
        %reduce_max3A_558 = arith.constant true
        %reduce_max3A_559 = vector.broadcast %reduce_max3A_558 : i1 to vector<16xi1>
        %reduce_max3A_560 = tpu.scan <max>, %select_n3A_557 masked %reduce_max3A_559 : vector<16xf32>, vector<16xi1> -> vector<16xf32>
        %reduce_max3A_561 = vector.extract %reduce_max3A_560[15] : f32 from vector<16xf32>
        %eq3A_562 = vector.broadcast %reduce_max3A_561 : f32 to vector<16xf32>
        %eq3A_563 = arith.cmpf oeq, %select_n3A_557, %eq3A_562 : vector<16xf32>
        %jit3A_564 = arith.constant 16 : i32
        %broadcast_in_dim3A_565 = vector.broadcast %jit3A_564 : i32 to vector<16xi32>
        %select_n3A_566 = arith.select %eq3A_563, %iota3A, %broadcast_in_dim3A_565 : vector<16xi1>, vector<16xi32>
        %reduce_min3A_567 = arith.constant true
        %reduce_min3A_568 = vector.broadcast %reduce_min3A_567 : i1 to vector<16xi1>
        %reduce_min3A_569 = arith.constant -2147483648 : i32
        %reduce_min3A_570 = vector.broadcast %reduce_min3A_569 : i32 to vector<16xi32>
        %reduce_min3A_571 = arith.xori %select_n3A_566, %reduce_min3A_570 : vector<16xi32>
        %reduce_min3A_572 = tpu.scan <min>, %reduce_min3A_571 masked %reduce_min3A_568 : vector<16xi32>, vector<16xi1> -> vector<16xi32>
        %reduce_min3A_573 = arith.xori %reduce_min3A_572, %reduce_min3A_570 : vector<16xi32>
        %reduce_min3A_574 = vector.extract %reduce_min3A_573[15] : i32 from vector<16xi32>
        %broadcast_in_dim3A_575 = vector.broadcast %reduce_max3A_561 : f32 to vector<16xf32>
        %select_n3A_576 = arith.select %eq3A_514, %broadcast_in_dim3A_575, %get3A_478 : vector<16xi1>, vector<16xf32>
        %swap3A_577 = arith.index_cast %reduce_min3A_475 : i32 to index
        %swap3A_578 = arith.constant 0 : index
        %swap3A_579 = tpu.vector_load %arg12[%swap3A_577, %swap3A_578] {strides = array<i32>} : memref<32x16xf32, #tpu.memory_space<vmem>>, vector<16xf32>,
        tpu.vector_store %arg12[%swap3A_577, %swap3A_578], %select_n3A_576 {strides = array<i32>} : memref<32x16xf32, #tpu.memory_space<vmem>>, vector<16xf32>,
        %broadcast_in_dim3A_580 = vector.broadcast %reduce_min3A_574 : i32 to vector<16xi32>
        %select_n3A_581 = arith.select %eq3A_514, %broadcast_in_dim3A_580, %get3A_481 : vector<16xi1>, vector<16xi32>
        %swap3A_582 = arith.index_cast %reduce_min3A_475 : i32 to index
        %swap3A_583 = arith.constant 0 : index
        %swap3A_584 = tpu.vector_load %arg13[%swap3A_582, %swap3A_583] {strides = array<i32>} : memref<32x16xi32, #tpu.memory_space<vmem>>, vector<16xi32>,
        tpu.vector_store %arg13[%swap3A_582, %swap3A_583], %select_n3A_581 {strides = array<i32>} : memref<32x16xi32, #tpu.memory_space<vmem>>, vector<16xi32>,
        %shift_right_logical3A_585 = arith.constant 4 : i32
        %shift_right_logical3A_586 = arith.shrui %reduce_min3A_475, %shift_right_logical3A_585 : i32
        %reduce_max3A_587 = arith.constant true
        %reduce_max3A_588 = vector.broadcast %reduce_max3A_587 : i1 to vector<16xi1>
        %reduce_max3A_589 = tpu.scan <max>, %select_n3A_576 masked %reduce_max3A_588 : vector<16xf32>, vector<16xi1> -> vector<16xf32>
        %reduce_max3A_590 = vector.extract %reduce_max3A_589[15] : f32 from vector<16xf32>
        %and3A_591 = arith.constant 15 : i32
        %and3A_592 = arith.andi %reduce_min3A_475, %and3A_591 : i32
        %eq3A_593 = vector.broadcast %and3A_592 : i32 to vector<16xi32>
        %eq3A_594 = arith.cmpi eq, %iota3A, %eq3A_593 : vector<16xi32>
        %get3A_595 = arith.index_cast %shift_right_logical3A_586 : i32 to index
        %get3A_596 = arith.constant 0 : index
        %get3A_597 = tpu.vector_load %arg16[%get3A_595, %get3A_596] {strides = array<i32>} : memref<2x16xf32, #tpu.memory_space<vmem>>, vector<16xf32>,
        %broadcast_in_dim3A_598 = vector.broadcast %reduce_max3A_590 : f32 to vector<16xf32>
        %select_n3A_599 = arith.select %eq3A_594, %broadcast_in_dim3A_598, %get3A_597 : vector<16xi1>, vector<16xf32>
        %swap3A_600 = arith.index_cast %shift_right_logical3A_586 : i32 to index
        %swap3A_601 = arith.constant 0 : index
        %swap3A_602 = tpu.vector_load %arg16[%swap3A_600, %swap3A_601] {strides = array<i32>} : memref<2x16xf32, #tpu.memory_space<vmem>>, vector<16xf32>,
        tpu.vector_store %arg16[%swap3A_600, %swap3A_601], %select_n3A_599 {strides = array<i32>} : memref<2x16xf32, #tpu.memory_space<vmem>>, vector<16xf32>,
        scf.yield %select_n3A_506 : vector<16xi32>
      }
      %scan3A_338 = arith.constant 5 : i32
      %shift_right_logical3A_339 = arith.constant 8 : i32
      %shift_right_logical3A_340 = vector.broadcast %shift_right_logical3A_339 : i32 to vector<16xi32>
      %shift_right_logical3A_341 = arith.shrui %scan3A_337, %shift_right_logical3A_340 : vector<16xi32>
      %and3A_342 = arith.constant 15 : i32
      %and3A_343 = vector.broadcast %and3A_342 : i32 to vector<16xi32>
      %and3A_344 = arith.andi %scan3A_337, %and3A_343 : vector<16xi32>
      %broadcast_in_dim3A_345 = arith.constant 0 : i32
      %broadcast_in_dim3A_346 = vector.broadcast %broadcast_in_dim3A_345 : i32 to vector<16xi32>
      tpu.vector_store_idx %arg19[%shift_right_logical3A_341, %and3A_344], %broadcast_in_dim3A_346 : memref<32x16xi32, #tpu.memory_space<vmem>>[vector<16xi32>, vector<16xi32>], vector<16xi32>,
      %mul3A_347 = arith.constant 128 : i32
      %mul3A_348 = arith.muli %scan3A_252, %mul3A_347 : i32
      %add3A_349 = arith.constant 16 : i32
      %add3A_350 = arith.addi %mul3A_348, %add3A_349 : i32
      %swap3A_351 = arith.index_cast %add3A_350 : i32 to index
      %swap3A_352 = tpu.vector_load %arg20[%swap3A_351] {strides = array<i32>} : memref<256xi32, #tpu.memory_space<vmem>>, vector<16xi32>,
      tpu.vector_store %arg20[%swap3A_351], %scan3A_337 {strides = array<i32>} : memref<256xi32, #tpu.memory_space<vmem>>, vector<16xi32>,
      %add3A_353 = vector.broadcast %mul3A_256 : i32 to vector<16xi32>
      %add3A_354 = arith.addi %scan3A_337, %add3A_353 : vector<16xi32>
      %gather3A_355 = tpu.vector_load_idx %arg7[%add3A_354] : memref<16384xf32, #tpu.memory_space<vmem>>[vector<16xi32>], vector<16xf32>,
      %mul3A_356 = arith.constant 128 : i32
      %mul3A_357 = arith.muli %scan3A_252, %mul3A_356 : i32
      %add3A_358 = arith.constant 16 : i32
      %add3A_359 = arith.addi %mul3A_357, %add3A_358 : i32
      %swap3A_360 = arith.index_cast %add3A_359 : i32 to index
      %swap3A_361 = tpu.vector_load %arg22[%swap3A_360] {strides = array<i32>} : memref<256xf32, #tpu.memory_space<vmem>>, vector<16xf32>,
      tpu.vector_store %arg22[%swap3A_360], %gather3A_355 {strides = array<i32>} : memref<256xf32, #tpu.memory_space<vmem>>, vector<16xf32>,
      %mul3A_362 = arith.constant 3 : i32
      %mul3A_363 = arith.muli %and3A_254, %mul3A_362 : i32
      %mul3A_364 = arith.constant 16 : i32
      %mul3A_365 = arith.muli %mul3A_363, %mul3A_364 : i32
      %add3A_366 = arith.constant 16 : i32
      %add3A_367 = arith.addi %mul3A_365, %add3A_366 : i32
      %mul3A_368 = arith.constant 8192 : i32
      %mul3A_369 = arith.muli %add3A_259, %mul3A_368 : i32
      %add3A_370 = vector.broadcast %mul3A_369 : i32 to vector<16xi32>
      %add3A_371 = arith.addi %scan3A_337, %add3A_370 : vector<16xi32>
      %swap3A_372 = arith.index_cast %add3A_367 : i32 to index
      %swap3A_373 = tpu.vector_load %arg21[%swap3A_372] {strides = array<i32>} : memref<96xi32, #tpu.memory_space<vmem>>, vector<16xi32>,
      tpu.vector_store %arg21[%swap3A_372], %add3A_371 {strides = array<i32>} : memref<96xi32, #tpu.memory_space<vmem>>, vector<16xi32>,
      %dma_start3A_374 = arith.constant 0 : i32
      %dma_start3A_375 = tpu.memref_slice %arg23[%add3A_367, %dma_start3A_374] : memref<96x128xf32, #tpu.memory_space<vmem>> -> memref<16x128xf32, #tpu.memory_space<vmem>>
      %dma_start3A_376 = tpu.memref_slice %arg21[%add3A_367] : memref<96xi32, #tpu.memory_space<vmem>> -> memref<16xi32, #tpu.memory_space<vmem>>
      %dma_start3A_377 = arith.constant 0 : i32
      %dma_start3A_378 = arith.constant 0 : i32
      %dma_start3A_379 = tpu.memref_slice %arg2[%dma_start3A_377, %dma_start3A_378] : memref<524288x128xf32, #tpu.memory_space<hbm>> -> memref<524288x128xf32, #tpu.memory_space<hbm>>
      tpu.enqueue_indirect_dma source(%dma_start3A_379 : memref<524288x128xf32, #tpu.memory_space<hbm>>) target(%dma_start3A_375 : memref<16x128xf32, #tpu.memory_space<vmem>>) offsets(%dma_start3A_376 : memref<16xi32, #tpu.memory_space<vmem>>) semaphore(%arg25 : memref<!tpu.dma_semaphore, #tpu.memory_space<semaphore_mem>>)
      %scan3A_380 = arith.constant 0 : i32
      %scan3A_381 = arith.constant 10 : i32
      %scan3A_382 = arith.addi %scan3A_380, %scan3A_381 : i32
      %scan3A_383 = arith.constant 1 : i32
      %scan3A_384 = scf.for %scan3A_448 = %scan3A_380 to %scan3A_382 step %scan3A_383 iter_args(%scan3A_449 = %broadcast_in_dim3A_287) -> (vector<16xi32>)  : i32 {
        %get3A = arith.constant 0 : i32
        %get3A_450 = arith.index_cast %get3A : i32 to index
        %get3A_451 = arith.constant 0 : index
        %get3A_452 = tpu.vector_load %arg14[%get3A_450, %get3A_451] {strides = array<i32>} : memref<2x16xf32, #tpu.memory_space<vmem>>, vector<16xf32>,
        %get3A_453 = arith.constant 1 : i32
        %get3A_454 = arith.index_cast %get3A_453 : i32 to index
        %get3A_455 = arith.constant 0 : index
        %get3A_456 = tpu.vector_load %arg14[%get3A_454, %get3A_455] {strides = array<i32>} : memref<2x16xf32, #tpu.memory_space<vmem>>, vector<16xf32>,
        %lt3A_457 = arith.cmpf olt, %get3A_456, %get3A_452 : vector<16xf32>
        %select_n3A = arith.select %lt3A_457, %get3A_456, %get3A_452 : vector<16xi1>, vector<16xf32>
        %jit3A = arith.constant 16 : i32
        %jit3A_458 = arith.constant 0 : i32
        %broadcast_in_dim3A_459 = vector.broadcast %jit3A : i32 to vector<16xi32>
        %broadcast_in_dim3A_460 = vector.broadcast %jit3A_458 : i32 to vector<16xi32>
        %select_n3A_461 = arith.select %lt3A_457, %broadcast_in_dim3A_459, %broadcast_in_dim3A_460 : vector<16xi1>, vector<16xi32>
        %reduce_min3A = arith.constant true
        %reduce_min3A_462 = vector.broadcast %reduce_min3A : i1 to vector<16xi1>
        %reduce_min3A_463 = tpu.scan <min>, %select_n3A masked %reduce_min3A_462 : vector<16xf32>, vector<16xi1> -> vector<16xf32>
        %reduce_min3A_464 = vector.extract %reduce_min3A_463[15] : f32 from vector<16xf32>
        %eq3A = vector.broadcast %reduce_min3A_464 : f32 to vector<16xf32>
        %eq3A_465 = arith.cmpf oeq, %select_n3A, %eq3A : vector<16xf32>
        %add3A_466 = arith.addi %select_n3A_461, %iota3A : vector<16xi32>
        %jit3A_467 = arith.constant 1073741824 : i32
        %broadcast_in_dim3A_468 = vector.broadcast %jit3A_467 : i32 to vector<16xi32>
        %select_n3A_469 = arith.select %eq3A_465, %add3A_466, %broadcast_in_dim3A_468 : vector<16xi1>, vector<16xi32>
        %reduce_min3A_470 = arith.constant true
        %reduce_min3A_471 = vector.broadcast %reduce_min3A_470 : i1 to vector<16xi1>
        %reduce_min3A_472 = arith.constant -2147483648 : i32
        %reduce_min3A_473 = vector.broadcast %reduce_min3A_472 : i32 to vector<16xi32>
        %reduce_min3A_474 = arith.xori %select_n3A_469, %reduce_min3A_473 : vector<16xi32>
        %reduce_min3A_475 = tpu.scan <min>, %reduce_min3A_474 masked %reduce_min3A_471 : vector<16xi32>, vector<16xi1> -> vector<16xi32>
        %reduce_min3A_476 = arith.xori %reduce_min3A_475, %reduce_min3A_473 : vector<16xi32>
        %reduce_min3A_477 = vector.extract %reduce_min3A_476[15] : i32 from vector<16xi32>
        %get3A_478 = arith.index_cast %reduce_min3A_477 : i32 to index
        %get3A_479 = arith.constant 0 : index
        %get3A_480 = tpu.vector_load %arg8[%get3A_478, %get3A_479] {strides = array<i32>} : memref<32x16xf32, #tpu.memory_space<vmem>>, vector<16xf32>,
        %get3A_481 = arith.index_cast %reduce_min3A_477 : i32 to index
        %get3A_482 = arith.constant 0 : index
        %get3A_483 = tpu.vector_load %arg9[%get3A_481, %get3A_482] {strides = array<i32>} : memref<32x16xi32, #tpu.memory_space<vmem>>, vector<16xi32>,
        %eq3A_484 = vector.broadcast %reduce_min3A_464 : f32 to vector<16xf32>
        %eq3A_485 = arith.cmpf oeq, %get3A_480, %eq3A_484 : vector<16xf32>
        %mul3A_486 = arith.constant 256 : i32
        %mul3A_487 = arith.muli %reduce_min3A_477, %mul3A_486 : i32
        %mul3A_488 = arith.constant 16 : i32
        %mul3A_489 = vector.broadcast %mul3A_488 : i32 to vector<16xi32>
        %mul3A_490 = arith.muli %get3A_483, %mul3A_489 : vector<16xi32>
        %add3A_491 = vector.broadcast %mul3A_487 : i32 to vector<16xi32>
        %add3A_492 = arith.addi %add3A_491, %mul3A_490 : vector<16xi32>
        %add3A_493 = arith.addi %add3A_492, %iota3A : vector<16xi32>
        %jit3A_494 = arith.constant 1073741824 : i32
        %broadcast_in_dim3A_495 = vector.broadcast %jit3A_494 : i32 to vector<16xi32>
        %select_n3A_496 = arith.select %eq3A_485, %add3A_493, %broadcast_in_dim3A_495 : vector<16xi1>, vector<16xi32>
        %reduce_min3A_497 = arith.constant true
        %reduce_min3A_498 = vector.broadcast %reduce_min3A_497 : i1 to vector<16xi1>
        %reduce_min3A_499 = arith.constant -2147483648 : i32
        %reduce_min3A_500 = vector.broadcast %reduce_min3A_499 : i32 to vector<16xi32>
        %reduce_min3A_501 = arith.xori %select_n3A_496, %reduce_min3A_500 : vector<16xi32>
        %reduce_min3A_502 = tpu.scan <min>, %reduce_min3A_501 masked %reduce_min3A_498 : vector<16xi32>, vector<16xi1> -> vector<16xi32>
        %reduce_min3A_503 = arith.xori %reduce_min3A_502, %reduce_min3A_500 : vector<16xi32>
        %reduce_min3A_504 = vector.extract %reduce_min3A_503[15] : i32 from vector<16xi32>
        %eq3A_505 = vector.broadcast %scan3A_448 : i32 to vector<16xi32>
        %eq3A_506 = arith.cmpi eq, %iota3A, %eq3A_505 : vector<16xi32>
        %broadcast_in_dim3A_507 = vector.broadcast %reduce_min3A_504 : i32 to vector<16xi32>
        %select_n3A_508 = arith.select %eq3A_506, %broadcast_in_dim3A_507, %scan3A_449 : vector<16xi1>, vector<16xi32>
        %and3A_509 = arith.constant 15 : i32
        %and3A_510 = arith.andi %reduce_min3A_504, %and3A_509 : i32
        %shift_right_logical3A_511 = arith.constant 4 : i32
        %shift_right_logical3A_512 = arith.shrui %reduce_min3A_504, %shift_right_logical3A_511 : i32
        %and3A_513 = arith.constant 15 : i32
        %and3A_514 = arith.andi %shift_right_logical3A_512, %and3A_513 : i32
        %eq3A_515 = vector.broadcast %and3A_510 : i32 to vector<16xi32>
        %eq3A_516 = arith.cmpi eq, %iota3A, %eq3A_515 : vector<16xi32>
        %get3A_517 = arith.index_cast %reduce_min3A_477 : i32 to index
        %get3A_518 = arith.constant 0 : index
        %get3A_519 = tpu.vector_load %arg17[%get3A_517, %get3A_518] {strides = array<i32>} : memref<32x16xi32, #tpu.memory_space<vmem>>, vector<16xi32>,
        %jit3A_520 = arith.constant 0 : i32
        %broadcast_in_dim3A_521 = vector.broadcast %jit3A_520 : i32 to vector<16xi32>
        %select_n3A_522 = arith.select %eq3A_516, %get3A_519, %broadcast_in_dim3A_521 : vector<16xi1>, vector<16xi32>
        %reduce_max3A = arith.constant true
        %reduce_max3A_523 = vector.broadcast %reduce_max3A : i1 to vector<16xi1>
        %reduce_max3A_524 = arith.constant -2147483648 : i32
        %reduce_max3A_525 = vector.broadcast %reduce_max3A_524 : i32 to vector<16xi32>
        %reduce_max3A_526 = arith.xori %select_n3A_522, %reduce_max3A_525 : vector<16xi32>
        %reduce_max3A_527 = tpu.scan <max>, %reduce_max3A_526 masked %reduce_max3A_523 : vector<16xi32>, vector<16xi1> -> vector<16xi32>
        %reduce_max3A_528 = arith.xori %reduce_max3A_527, %reduce_max3A_525 : vector<16xi32>
        %reduce_max3A_529 = vector.extract %reduce_max3A_528[15] : i32 from vector<16xi32>
        %shift_left3A = arith.constant 1 : i32
        %shift_left3A_530 = arith.shli %shift_left3A, %and3A_514 : i32
        %or3A = arith.ori %reduce_max3A_529, %shift_left3A_530 : i32
        %broadcast_in_dim3A_531 = vector.broadcast %or3A : i32 to vector<16xi32>
        %select_n3A_532 = arith.select %eq3A_516, %broadcast_in_dim3A_531, %get3A_519 : vector<16xi1>, vector<16xi32>
        %swap3A_533 = arith.index_cast %reduce_min3A_477 : i32 to index
        %swap3A_534 = arith.constant 0 : index
        %swap3A_535 = tpu.vector_load %arg17[%swap3A_533, %swap3A_534] {strides = array<i32>} : memref<32x16xi32, #tpu.memory_space<vmem>>, vector<16xi32>,
        tpu.vector_store %arg17[%swap3A_533, %swap3A_534], %select_n3A_532 {strides = array<i32>} : memref<32x16xi32, #tpu.memory_space<vmem>>, vector<16xi32>,
        %mul3A_536 = arith.constant 256 : i32
        %mul3A_537 = arith.muli %reduce_min3A_477, %mul3A_536 : i32
        %mul3A_538 = arith.constant 16 : i32
        %mul3A_539 = vector.broadcast %mul3A_538 : i32 to vector<16xi32>
        %mul3A_540 = arith.muli %iota3A, %mul3A_539 : vector<16xi32>
        %add3A_541 = vector.broadcast %mul3A_537 : i32 to vector<16xi32>
        %add3A_542 = arith.addi %add3A_541, %mul3A_540 : vector<16xi32>
        %add3A_543 = vector.broadcast %and3A_510 : i32 to vector<16xi32>
        %add3A_544 = arith.addi %add3A_542, %add3A_543 : vector<16xi32>
        %add3A_545 = vector.broadcast %mul3A_256 : i32 to vector<16xi32>
        %add3A_546 = arith.addi %add3A_544, %add3A_545 : vector<16xi32>
        %gather3A_547 = tpu.vector_load_idx %arg7[%add3A_546] : memref<16384xf32, #tpu.memory_space<vmem>>[vector<16xi32>], vector<16xf32>,
        %sub3A = arith.constant 5.000000e-01 : f32
        %sub3A_548 = vector.broadcast %sub3A : f32 to vector<16xf32>
        %sub3A_549 = arith.subf %gather3A_547, %sub3A_548 : vector<16xf32>
        %abs3A = math.absf %sub3A_549 : vector<16xf32>
        %shift_right_logical3A_550 = vector.broadcast %or3A : i32 to vector<16xi32>
        %shift_right_logical3A_551 = arith.shrui %shift_right_logical3A_550, %iota3A : vector<16xi32>
        %and3A_552 = arith.constant 1 : i32
        %and3A_553 = vector.broadcast %and3A_552 : i32 to vector<16xi32>
        %and3A_554 = arith.andi %shift_right_logical3A_551, %and3A_553 : vector<16xi32>
        %eq3A_555 = arith.constant 1 : i32
        %eq3A_556 = vector.broadcast %eq3A_555 : i32 to vector<16xi32>
        %eq3A_557 = arith.cmpi eq, %and3A_554, %eq3A_556 : vector<16xi32>
        %jit3A_558 = arith.constant 0x7F800000 : f32
        %broadcast_in_dim3A_559 = vector.broadcast %jit3A_558 : f32 to vector<16xf32>
        %select_n3A_560 = arith.select %eq3A_557, %broadcast_in_dim3A_559, %abs3A : vector<16xi1>, vector<16xf32>
        %reduce_min3A_561 = arith.constant true
        %reduce_min3A_562 = vector.broadcast %reduce_min3A_561 : i1 to vector<16xi1>
        %reduce_min3A_563 = tpu.scan <min>, %select_n3A_560 masked %reduce_min3A_562 : vector<16xf32>, vector<16xi1> -> vector<16xf32>
        %reduce_min3A_564 = vector.extract %reduce_min3A_563[15] : f32 from vector<16xf32>
        %eq3A_565 = vector.broadcast %reduce_min3A_564 : f32 to vector<16xf32>
        %eq3A_566 = arith.cmpf oeq, %select_n3A_560, %eq3A_565 : vector<16xf32>
        %jit3A_567 = arith.constant 16 : i32
        %broadcast_in_dim3A_568 = vector.broadcast %jit3A_567 : i32 to vector<16xi32>
        %select_n3A_569 = arith.select %eq3A_566, %iota3A, %broadcast_in_dim3A_568 : vector<16xi1>, vector<16xi32>
        %reduce_min3A_570 = arith.constant true
        %reduce_min3A_571 = vector.broadcast %reduce_min3A_570 : i1 to vector<16xi1>
        %reduce_min3A_572 = arith.constant -2147483648 : i32
        %reduce_min3A_573 = vector.broadcast %reduce_min3A_572 : i32 to vector<16xi32>
        %reduce_min3A_574 = arith.xori %select_n3A_569, %reduce_min3A_573 : vector<16xi32>
        %reduce_min3A_575 = tpu.scan <min>, %reduce_min3A_574 masked %reduce_min3A_571 : vector<16xi32>, vector<16xi1> -> vector<16xi32>
        %reduce_min3A_576 = arith.xori %reduce_min3A_575, %reduce_min3A_573 : vector<16xi32>
        %reduce_min3A_577 = vector.extract %reduce_min3A_576[15] : i32 from vector<16xi32>
        %broadcast_in_dim3A_578 = vector.broadcast %reduce_min3A_564 : f32 to vector<16xf32>
        %select_n3A_579 = arith.select %eq3A_516, %broadcast_in_dim3A_578, %get3A_480 : vector<16xi1>, vector<16xf32>
        %swap3A_580 = arith.index_cast %reduce_min3A_477 : i32 to index
        %swap3A_581 = arith.constant 0 : index
        %swap3A_582 = tpu.vector_load %arg8[%swap3A_580, %swap3A_581] {strides = array<i32>} : memref<32x16xf32, #tpu.memory_space<vmem>>, vector<16xf32>,
        tpu.vector_store %arg8[%swap3A_580, %swap3A_581], %select_n3A_579 {strides = array<i32>} : memref<32x16xf32, #tpu.memory_space<vmem>>, vector<16xf32>,
        %broadcast_in_dim3A_583 = vector.broadcast %reduce_min3A_577 : i32 to vector<16xi32>
        %select_n3A_584 = arith.select %eq3A_516, %broadcast_in_dim3A_583, %get3A_483 : vector<16xi1>, vector<16xi32>
        %swap3A_585 = arith.index_cast %reduce_min3A_477 : i32 to index
        %swap3A_586 = arith.constant 0 : index
        %swap3A_587 = tpu.vector_load %arg9[%swap3A_585, %swap3A_586] {strides = array<i32>} : memref<32x16xi32, #tpu.memory_space<vmem>>, vector<16xi32>,
        tpu.vector_store %arg9[%swap3A_585, %swap3A_586], %select_n3A_584 {strides = array<i32>} : memref<32x16xi32, #tpu.memory_space<vmem>>, vector<16xi32>,
        %shift_right_logical3A_588 = arith.constant 4 : i32
        %shift_right_logical3A_589 = arith.shrui %reduce_min3A_477, %shift_right_logical3A_588 : i32
        %reduce_min3A_590 = arith.constant true
        %reduce_min3A_591 = vector.broadcast %reduce_min3A_590 : i1 to vector<16xi1>
        %reduce_min3A_592 = tpu.scan <min>, %select_n3A_579 masked %reduce_min3A_591 : vector<16xf32>, vector<16xi1> -> vector<16xf32>
        %reduce_min3A_593 = vector.extract %reduce_min3A_592[15] : f32 from vector<16xf32>
        %and3A_594 = arith.constant 15 : i32
        %and3A_595 = arith.andi %reduce_min3A_477, %and3A_594 : i32
        %eq3A_596 = vector.broadcast %and3A_595 : i32 to vector<16xi32>
        %eq3A_597 = arith.cmpi eq, %iota3A, %eq3A_596 : vector<16xi32>
        %get3A_598 = arith.index_cast %shift_right_logical3A_589 : i32 to index
        %get3A_599 = arith.constant 0 : index
        %get3A_600 = tpu.vector_load %arg14[%get3A_598, %get3A_599] {strides = array<i32>} : memref<2x16xf32, #tpu.memory_space<vmem>>, vector<16xf32>,
        %broadcast_in_dim3A_601 = vector.broadcast %reduce_min3A_593 : f32 to vector<16xf32>
        %select_n3A_602 = arith.select %eq3A_597, %broadcast_in_dim3A_601, %get3A_600 : vector<16xi1>, vector<16xf32>
        %swap3A_603 = arith.index_cast %shift_right_logical3A_589 : i32 to index
        %swap3A_604 = arith.constant 0 : index
        %swap3A_605 = tpu.vector_load %arg14[%swap3A_603, %swap3A_604] {strides = array<i32>} : memref<2x16xf32, #tpu.memory_space<vmem>>, vector<16xf32>,
        tpu.vector_store %arg14[%swap3A_603, %swap3A_604], %select_n3A_602 {strides = array<i32>} : memref<2x16xf32, #tpu.memory_space<vmem>>, vector<16xf32>,
        scf.yield %select_n3A_508 : vector<16xi32>
      }
      %scan3A_385 = arith.constant 10 : i32
      %shift_right_logical3A_386 = arith.constant 8 : i32
      %shift_right_logical3A_387 = vector.broadcast %shift_right_logical3A_386 : i32 to vector<16xi32>
      %shift_right_logical3A_388 = arith.shrui %scan3A_384, %shift_right_logical3A_387 : vector<16xi32>
      %and3A_389 = arith.constant 15 : i32
      %and3A_390 = vector.broadcast %and3A_389 : i32 to vector<16xi32>
      %and3A_391 = arith.andi %scan3A_384, %and3A_390 : vector<16xi32>
      %broadcast_in_dim3A_392 = arith.constant 0 : i32
      %broadcast_in_dim3A_393 = vector.broadcast %broadcast_in_dim3A_392 : i32 to vector<16xi32>
      tpu.vector_store_idx %arg17[%shift_right_logical3A_388, %and3A_391], %broadcast_in_dim3A_393 : memref<32x16xi32, #tpu.memory_space<vmem>>[vector<16xi32>, vector<16xi32>], vector<16xi32>,
      %mul3A_394 = arith.constant 128 : i32
      %mul3A_395 = arith.muli %scan3A_252, %mul3A_394 : i32
      %add3A_396 = arith.constant 32 : i32
      %add3A_397 = arith.addi %mul3A_395, %add3A_396 : i32
      %swap3A_398 = arith.index_cast %add3A_397 : i32 to index
      %swap3A_399 = tpu.vector_load %arg20[%swap3A_398] {strides = array<i32>} : memref<256xi32, #tpu.memory_space<vmem>>, vector<16xi32>,
      tpu.vector_store %arg20[%swap3A_398], %scan3A_384 {strides = array<i32>} : memref<256xi32, #tpu.memory_space<vmem>>, vector<16xi32>,
      %add3A_400 = vector.broadcast %mul3A_256 : i32 to vector<16xi32>
      %add3A_401 = arith.addi %scan3A_384, %add3A_400 : vector<16xi32>
      %gather3A_402 = tpu.vector_load_idx %arg7[%add3A_401] : memref<16384xf32, #tpu.memory_space<vmem>>[vector<16xi32>], vector<16xf32>,
      %mul3A_403 = arith.constant 128 : i32
      %mul3A_404 = arith.muli %scan3A_252, %mul3A_403 : i32
      %add3A_405 = arith.constant 32 : i32
      %add3A_406 = arith.addi %mul3A_404, %add3A_405 : i32
      %swap3A_407 = arith.index_cast %add3A_406 : i32 to index
      %swap3A_408 = tpu.vector_load %arg22[%swap3A_407] {strides = array<i32>} : memref<256xf32, #tpu.memory_space<vmem>>, vector<16xf32>,
      tpu.vector_store %arg22[%swap3A_407], %gather3A_402 {strides = array<i32>} : memref<256xf32, #tpu.memory_space<vmem>>, vector<16xf32>,
      %mul3A_409 = arith.constant 3 : i32
      %mul3A_410 = arith.muli %and3A_254, %mul3A_409 : i32
      %mul3A_411 = arith.constant 16 : i32
      %mul3A_412 = arith.muli %mul3A_410, %mul3A_411 : i32
      %add3A_413 = arith.constant 32 : i32
      %add3A_414 = arith.addi %mul3A_412, %add3A_413 : i32
      %mul3A_415 = arith.constant 8192 : i32
      %mul3A_416 = arith.muli %add3A_259, %mul3A_415 : i32
      %add3A_417 = vector.broadcast %mul3A_416 : i32 to vector<16xi32>
      %add3A_418 = arith.addi %scan3A_384, %add3A_417 : vector<16xi32>
      %swap3A_419 = arith.index_cast %add3A_414 : i32 to index
      %swap3A_420 = tpu.vector_load %arg21[%swap3A_419] {strides = array<i32>} : memref<96xi32, #tpu.memory_space<vmem>>, vector<16xi32>,
      tpu.vector_store %arg21[%swap3A_419], %add3A_418 {strides = array<i32>} : memref<96xi32, #tpu.memory_space<vmem>>, vector<16xi32>,
      %dma_start3A_421 = arith.constant 0 : i32
      %dma_start3A_422 = tpu.memref_slice %arg23[%add3A_414, %dma_start3A_421] : memref<96x128xf32, #tpu.memory_space<vmem>> -> memref<16x128xf32, #tpu.memory_space<vmem>>
      %dma_start3A_423 = tpu.memref_slice %arg21[%add3A_414] : memref<96xi32, #tpu.memory_space<vmem>> -> memref<16xi32, #tpu.memory_space<vmem>>
      %dma_start3A_424 = arith.constant 0 : i32
      %dma_start3A_425 = arith.constant 0 : i32
      %dma_start3A_426 = tpu.memref_slice %arg2[%dma_start3A_424, %dma_start3A_425] : memref<524288x128xf32, #tpu.memory_space<hbm>> -> memref<524288x128xf32, #tpu.memory_space<hbm>>
      tpu.enqueue_indirect_dma source(%dma_start3A_426 : memref<524288x128xf32, #tpu.memory_space<hbm>>) target(%dma_start3A_422 : memref<16x128xf32, #tpu.memory_space<vmem>>) offsets(%dma_start3A_423 : memref<16xi32, #tpu.memory_space<vmem>>) semaphore(%arg25 : memref<!tpu.dma_semaphore, #tpu.memory_space<semaphore_mem>>)
      "tpu.trace_stop"() : () -> ()
      "tpu.trace_start"() <{level = 10 : i32, message = "dma_out"}> : () -> ()
      %mul3A_427 = arith.constant 128 : i32
      %mul3A_428 = arith.muli %scan3A_252, %mul3A_427 : i32
      %dma_start3A_429 = tpu.memref_slice %arg22[%mul3A_428] : memref<256xf32, #tpu.memory_space<vmem>> -> memref<128xf32, #tpu.memory_space<vmem>>
      %dma_start3A_430 = arith.constant 0 : i32
      %dma_start3A_431 = tpu.memref_slice %arg5[%add3A_259, %dma_start3A_430] : memref<64x128xf32, #tpu.memory_space<hbm>> -> memref<1x128xf32, #tpu.memory_space<hbm>>
      %dma_start3A_432 = tpu.memref_squeeze %dma_start3A_431 : memref<1x128xf32, #tpu.memory_space<hbm>> -> memref<128xf32, #tpu.memory_space<hbm>>
      %dma_start3A_433 = arith.constant 0 : i32
      %dma_start3A_434 = tpu.memref_slice %arg5[%add3A_259, %dma_start3A_433] : memref<64x128xf32, #tpu.memory_space<hbm>> -> memref<1x128xf32, #tpu.memory_space<hbm>>
      %dma_start3A_435 = tpu.memref_squeeze %dma_start3A_434 : memref<1x128xf32, #tpu.memory_space<hbm>> -> memref<128xf32, #tpu.memory_space<hbm>>
      %dma_start3A_436 = tpu.memref_slice %arg22[%mul3A_428] : memref<256xf32, #tpu.memory_space<vmem>> -> memref<128xf32, #tpu.memory_space<vmem>>
      tpu.enqueue_dma source(%dma_start3A_436 : memref<128xf32, #tpu.memory_space<vmem>>) target(%dma_start3A_435 : memref<128xf32, #tpu.memory_space<hbm>>) target_semaphore(%arg26 : memref<!tpu.dma_semaphore, #tpu.memory_space<semaphore_mem>>)
      %mul3A_437 = arith.constant 128 : i32
      %mul3A_438 = arith.muli %scan3A_252, %mul3A_437 : i32
      %dma_start3A_439 = tpu.memref_slice %arg20[%mul3A_438] : memref<256xi32, #tpu.memory_space<vmem>> -> memref<128xi32, #tpu.memory_space<vmem>>
      %dma_start3A_440 = arith.constant 0 : i32
      %dma_start3A_441 = tpu.memref_slice %arg6[%add3A_259, %dma_start3A_440] : memref<64x128xi32, #tpu.memory_space<hbm>> -> memref<1x128xi32, #tpu.memory_space<hbm>>
      %dma_start3A_442 = tpu.memref_squeeze %dma_start3A_441 : memref<1x128xi32, #tpu.memory_space<hbm>> -> memref<128xi32, #tpu.memory_space<hbm>>
      %dma_start3A_443 = arith.constant 0 : i32
      %dma_start3A_444 = tpu.memref_slice %arg6[%add3A_259, %dma_start3A_443] : memref<64x128xi32, #tpu.memory_space<hbm>> -> memref<1x128xi32, #tpu.memory_space<hbm>>
      %dma_start3A_445 = tpu.memref_squeeze %dma_start3A_444 : memref<1x128xi32, #tpu.memory_space<hbm>> -> memref<128xi32, #tpu.memory_space<hbm>>
      %dma_start3A_446 = tpu.memref_slice %arg20[%mul3A_438] : memref<256xi32, #tpu.memory_space<vmem>> -> memref<128xi32, #tpu.memory_space<vmem>>
      tpu.enqueue_dma source(%dma_start3A_446 : memref<128xi32, #tpu.memory_space<vmem>>) target(%dma_start3A_445 : memref<128xi32, #tpu.memory_space<hbm>>) target_semaphore(%arg26 : memref<!tpu.dma_semaphore, #tpu.memory_space<semaphore_mem>>)
      "tpu.trace_stop"() : () -> ()
      %scan3A_447 = arith.constant 0 : i32
      scf.yield %scan3A_447 : i32
    }
    %scan3A_92 = arith.constant 2 : i32
    "tpu.trace_start"() <{level = 10 : i32, message = "drain"}> : () -> ()
    %dma_wait3A = arith.constant 0 : i32
    %dma_wait3A_93 = arith.constant 0 : i32
    %dma_wait3A_94 = tpu.memref_slice %arg23[%dma_wait3A, %dma_wait3A_93] : memref<96x128xf32, #tpu.memory_space<vmem>> -> memref<16x128xf32, #tpu.memory_space<vmem>>
    %dma_wait3A_95 = arith.constant 0 : i32
    %dma_wait3A_96 = tpu.memref_slice %arg21[%dma_wait3A_95] : memref<96xi32, #tpu.memory_space<vmem>> -> memref<16xi32, #tpu.memory_space<vmem>>
    %dma_wait3A_97 = arith.constant 0 : i32
    %dma_wait3A_98 = arith.constant 0 : i32
    %dma_wait3A_99 = tpu.memref_slice %arg2[%dma_wait3A_97, %dma_wait3A_98] : memref<524288x128xf32, #tpu.memory_space<hbm>> -> memref<524288x128xf32, #tpu.memory_space<hbm>>
    tpu.wait_indirect_dma semaphore(%arg25 : memref<!tpu.dma_semaphore, #tpu.memory_space<semaphore_mem>>) src(%dma_wait3A_99 : memref<524288x128xf32, #tpu.memory_space<hbm>>) dst(%dma_wait3A_94 : memref<16x128xf32, #tpu.memory_space<vmem>>)
    %dma_wait3A_100 = arith.constant 16 : i32
    %dma_wait3A_101 = arith.constant 0 : i32
    %dma_wait3A_102 = tpu.memref_slice %arg23[%dma_wait3A_100, %dma_wait3A_101] : memref<96x128xf32, #tpu.memory_space<vmem>> -> memref<16x128xf32, #tpu.memory_space<vmem>>
    %dma_wait3A_103 = arith.constant 16 : i32
    %dma_wait3A_104 = tpu.memref_slice %arg21[%dma_wait3A_103] : memref<96xi32, #tpu.memory_space<vmem>> -> memref<16xi32, #tpu.memory_space<vmem>>
    %dma_wait3A_105 = arith.constant 0 : i32
    %dma_wait3A_106 = arith.constant 0 : i32
    %dma_wait3A_107 = tpu.memref_slice %arg2[%dma_wait3A_105, %dma_wait3A_106] : memref<524288x128xf32, #tpu.memory_space<hbm>> -> memref<524288x128xf32, #tpu.memory_space<hbm>>
    tpu.wait_indirect_dma semaphore(%arg25 : memref<!tpu.dma_semaphore, #tpu.memory_space<semaphore_mem>>) src(%dma_wait3A_107 : memref<524288x128xf32, #tpu.memory_space<hbm>>) dst(%dma_wait3A_102 : memref<16x128xf32, #tpu.memory_space<vmem>>)
    %dma_wait3A_108 = arith.constant 32 : i32
    %dma_wait3A_109 = arith.constant 0 : i32
    %dma_wait3A_110 = tpu.memref_slice %arg23[%dma_wait3A_108, %dma_wait3A_109] : memref<96x128xf32, #tpu.memory_space<vmem>> -> memref<16x128xf32, #tpu.memory_space<vmem>>
    %dma_wait3A_111 = arith.constant 32 : i32
    %dma_wait3A_112 = tpu.memref_slice %arg21[%dma_wait3A_111] : memref<96xi32, #tpu.memory_space<vmem>> -> memref<16xi32, #tpu.memory_space<vmem>>
    %dma_wait3A_113 = arith.constant 0 : i32
    %dma_wait3A_114 = arith.constant 0 : i32
    %dma_wait3A_115 = tpu.memref_slice %arg2[%dma_wait3A_113, %dma_wait3A_114] : memref<524288x128xf32, #tpu.memory_space<hbm>> -> memref<524288x128xf32, #tpu.memory_space<hbm>>
    tpu.wait_indirect_dma semaphore(%arg25 : memref<!tpu.dma_semaphore, #tpu.memory_space<semaphore_mem>>) src(%dma_wait3A_115 : memref<524288x128xf32, #tpu.memory_space<hbm>>) dst(%dma_wait3A_110 : memref<16x128xf32, #tpu.memory_space<vmem>>)
    %dma_wait3A_116 = arith.constant 48 : i32
    %dma_wait3A_117 = arith.constant 0 : i32
    %dma_wait3A_118 = tpu.memref_slice %arg23[%dma_wait3A_116, %dma_wait3A_117] : memref<96x128xf32, #tpu.memory_space<vmem>> -> memref<16x128xf32, #tpu.memory_space<vmem>>
    %dma_wait3A_119 = arith.constant 48 : i32
    %dma_wait3A_120 = tpu.memref_slice %arg21[%dma_wait3A_119] : memref<96xi32, #tpu.memory_space<vmem>> -> memref<16xi32, #tpu.memory_space<vmem>>
    %dma_wait3A_121 = arith.constant 0 : i32
    %dma_wait3A_122 = arith.constant 0 : i32
    %dma_wait3A_123 = tpu.memref_slice %arg2[%dma_wait3A_121, %dma_wait3A_122] : memref<524288x128xf32, #tpu.memory_space<hbm>> -> memref<524288x128xf32, #tpu.memory_space<hbm>>
    tpu.wait_indirect_dma semaphore(%arg25 : memref<!tpu.dma_semaphore, #tpu.memory_space<semaphore_mem>>) src(%dma_wait3A_123 : memref<524288x128xf32, #tpu.memory_space<hbm>>) dst(%dma_wait3A_118 : memref<16x128xf32, #tpu.memory_space<vmem>>)
    %dma_wait3A_124 = arith.constant 64 : i32
    %dma_wait3A_125 = arith.constant 0 : i32
    %dma_wait3A_126 = tpu.memref_slice %arg23[%dma_wait3A_124, %dma_wait3A_125] : memref<96x128xf32, #tpu.memory_space<vmem>> -> memref<16x128xf32, #tpu.memory_space<vmem>>
    %dma_wait3A_127 = arith.constant 64 : i32
    %dma_wait3A_128 = tpu.memref_slice %arg21[%dma_wait3A_127] : memref<96xi32, #tpu.memory_space<vmem>> -> memref<16xi32, #tpu.memory_space<vmem>>
    %dma_wait3A_129 = arith.constant 0 : i32
    %dma_wait3A_130 = arith.constant 0 : i32
    %dma_wait3A_131 = tpu.memref_slice %arg2[%dma_wait3A_129, %dma_wait3A_130] : memref<524288x128xf32, #tpu.memory_space<hbm>> -> memref<524288x128xf32, #tpu.memory_space<hbm>>
    tpu.wait_indirect_dma semaphore(%arg25 : memref<!tpu.dma_semaphore, #tpu.memory_space<semaphore_mem>>) src(%dma_wait3A_131 : memref<524288x128xf32, #tpu.memory_space<hbm>>) dst(%dma_wait3A_126 : memref<16x128xf32, #tpu.memory_space<vmem>>)
    %dma_wait3A_132 = arith.constant 80 : i32
    %dma_wait3A_133 = arith.constant 0 : i32
    %dma_wait3A_134 = tpu.memref_slice %arg23[%dma_wait3A_132, %dma_wait3A_133] : memref<96x128xf32, #tpu.memory_space<vmem>> -> memref<16x128xf32, #tpu.memory_space<vmem>>
    %dma_wait3A_135 = arith.constant 80 : i32
    %dma_wait3A_136 = tpu.memref_slice %arg21[%dma_wait3A_135] : memref<96xi32, #tpu.memory_space<vmem>> -> memref<16xi32, #tpu.memory_space<vmem>>
    %dma_wait3A_137 = arith.constant 0 : i32
    %dma_wait3A_138 = arith.constant 0 : i32
    %dma_wait3A_139 = tpu.memref_slice %arg2[%dma_wait3A_137, %dma_wait3A_138] : memref<524288x128xf32, #tpu.memory_space<hbm>> -> memref<524288x128xf32, #tpu.memory_space<hbm>>
    tpu.wait_indirect_dma semaphore(%arg25 : memref<!tpu.dma_semaphore, #tpu.memory_space<semaphore_mem>>) src(%dma_wait3A_139 : memref<524288x128xf32, #tpu.memory_space<hbm>>) dst(%dma_wait3A_134 : memref<16x128xf32, #tpu.memory_space<vmem>>)
    %mul3A_140 = arith.constant 2 : i32
    %mul3A_141 = arith.muli %add3A, %mul3A_140 : i32
    %add3A_142 = arith.constant 0 : i32
    %add3A_143 = arith.addi %mul3A_141, %add3A_142 : i32
    %dma_start3A_144 = arith.constant 0 : i32
    %dma_start3A_145 = arith.constant 0 : i32
    %dma_start3A_146 = tpu.memref_slice %arg23[%dma_start3A_144, %dma_start3A_145] : memref<96x128xf32, #tpu.memory_space<vmem>> -> memref<48x128xf32, #tpu.memory_space<vmem>>
    %dma_start3A_147 = arith.constant 0 : i32
    %dma_start3A_148 = arith.constant 0 : i32
    %dma_start3A_149 = tpu.memref_slice %arg4[%add3A_143, %dma_start3A_147, %dma_start3A_148] : memref<64x48x128xf32, #tpu.memory_space<hbm>> -> memref<1x48x128xf32, #tpu.memory_space<hbm>>
    %dma_start3A_150 = tpu.memref_squeeze %dma_start3A_149 : memref<1x48x128xf32, #tpu.memory_space<hbm>> -> memref<48x128xf32, #tpu.memory_space<hbm>>
    %dma_start3A_151 = arith.constant 0 : i32
    %dma_start3A_152 = arith.constant 0 : i32
    %dma_start3A_153 = tpu.memref_slice %arg4[%add3A_143, %dma_start3A_151, %dma_start3A_152] : memref<64x48x128xf32, #tpu.memory_space<hbm>> -> memref<1x48x128xf32, #tpu.memory_space<hbm>>
    %dma_start3A_154 = tpu.memref_squeeze %dma_start3A_153 : memref<1x48x128xf32, #tpu.memory_space<hbm>> -> memref<48x128xf32, #tpu.memory_space<hbm>>
    %dma_start3A_155 = arith.constant 0 : i32
    %dma_start3A_156 = arith.constant 0 : i32
    %dma_start3A_157 = tpu.memref_slice %arg23[%dma_start3A_155, %dma_start3A_156] : memref<96x128xf32, #tpu.memory_space<vmem>> -> memref<48x128xf32, #tpu.memory_space<vmem>>
    tpu.enqueue_dma source(%dma_start3A_157 : memref<48x128xf32, #tpu.memory_space<vmem>>) target(%dma_start3A_154 : memref<48x128xf32, #tpu.memory_space<hbm>>) target_semaphore(%arg26 : memref<!tpu.dma_semaphore, #tpu.memory_space<semaphore_mem>>)
    %mul3A_158 = arith.constant 2 : i32
    %mul3A_159 = arith.muli %add3A, %mul3A_158 : i32
    %add3A_160 = arith.constant 1 : i32
    %add3A_161 = arith.addi %mul3A_159, %add3A_160 : i32
    %dma_start3A_162 = arith.constant 48 : i32
    %dma_start3A_163 = arith.constant 0 : i32
    %dma_start3A_164 = tpu.memref_slice %arg23[%dma_start3A_162, %dma_start3A_163] : memref<96x128xf32, #tpu.memory_space<vmem>> -> memref<48x128xf32, #tpu.memory_space<vmem>>
    %dma_start3A_165 = arith.constant 0 : i32
    %dma_start3A_166 = arith.constant 0 : i32
    %dma_start3A_167 = tpu.memref_slice %arg4[%add3A_161, %dma_start3A_165, %dma_start3A_166] : memref<64x48x128xf32, #tpu.memory_space<hbm>> -> memref<1x48x128xf32, #tpu.memory_space<hbm>>
    %dma_start3A_168 = tpu.memref_squeeze %dma_start3A_167 : memref<1x48x128xf32, #tpu.memory_space<hbm>> -> memref<48x128xf32, #tpu.memory_space<hbm>>
    %dma_start3A_169 = arith.constant 0 : i32
    %dma_start3A_170 = arith.constant 0 : i32
    %dma_start3A_171 = tpu.memref_slice %arg4[%add3A_161, %dma_start3A_169, %dma_start3A_170] : memref<64x48x128xf32, #tpu.memory_space<hbm>> -> memref<1x48x128xf32, #tpu.memory_space<hbm>>
    %dma_start3A_172 = tpu.memref_squeeze %dma_start3A_171 : memref<1x48x128xf32, #tpu.memory_space<hbm>> -> memref<48x128xf32, #tpu.memory_space<hbm>>
    %dma_start3A_173 = arith.constant 48 : i32
    %dma_start3A_174 = arith.constant 0 : i32
    %dma_start3A_175 = tpu.memref_slice %arg23[%dma_start3A_173, %dma_start3A_174] : memref<96x128xf32, #tpu.memory_space<vmem>> -> memref<48x128xf32, #tpu.memory_space<vmem>>
    tpu.enqueue_dma source(%dma_start3A_175 : memref<48x128xf32, #tpu.memory_space<vmem>>) target(%dma_start3A_172 : memref<48x128xf32, #tpu.memory_space<hbm>>) target_semaphore(%arg26 : memref<!tpu.dma_semaphore, #tpu.memory_space<semaphore_mem>>)
    %mul3A_176 = arith.constant 2 : i32
    %mul3A_177 = arith.muli %add3A, %mul3A_176 : i32
    %add3A_178 = arith.constant 0 : i32
    %add3A_179 = arith.addi %mul3A_177, %add3A_178 : i32
    %dma_wait3A_180 = arith.constant 0 : i32
    %dma_wait3A_181 = tpu.memref_slice %arg22[%dma_wait3A_180] : memref<256xf32, #tpu.memory_space<vmem>> -> memref<128xf32, #tpu.memory_space<vmem>>
    %dma_wait3A_182 = arith.constant 0 : i32
    %dma_wait3A_183 = tpu.memref_slice %arg5[%add3A_179, %dma_wait3A_182] : memref<64x128xf32, #tpu.memory_space<hbm>> -> memref<1x128xf32, #tpu.memory_space<hbm>>
    %dma_wait3A_184 = tpu.memref_squeeze %dma_wait3A_183 : memref<1x128xf32, #tpu.memory_space<hbm>> -> memref<128xf32, #tpu.memory_space<hbm>>
    %dma_wait3A_185 = arith.constant 0 : i32
    %dma_wait3A_186 = tpu.memref_slice %arg5[%add3A_179, %dma_wait3A_185] : memref<64x128xf32, #tpu.memory_space<hbm>> -> memref<1x128xf32, #tpu.memory_space<hbm>>
    %dma_wait3A_187 = tpu.memref_squeeze %dma_wait3A_186 : memref<1x128xf32, #tpu.memory_space<hbm>> -> memref<128xf32, #tpu.memory_space<hbm>>
    %dma_wait3A_188 = arith.constant 0 : i32
    %dma_wait3A_189 = tpu.memref_slice %arg22[%dma_wait3A_188] : memref<256xf32, #tpu.memory_space<vmem>> -> memref<128xf32, #tpu.memory_space<vmem>>
    tpu.wait_dma2 semaphore(%arg26 : memref<!tpu.dma_semaphore, #tpu.memory_space<semaphore_mem>>) src(%dma_wait3A_189 : memref<128xf32, #tpu.memory_space<vmem>>) dst(%dma_wait3A_187 : memref<128xf32, #tpu.memory_space<hbm>>)
    %dma_wait3A_190 = arith.constant 0 : i32
    %dma_wait3A_191 = tpu.memref_slice %arg20[%dma_wait3A_190] : memref<256xi32, #tpu.memory_space<vmem>> -> memref<128xi32, #tpu.memory_space<vmem>>
    %dma_wait3A_192 = arith.constant 0 : i32
    %dma_wait3A_193 = tpu.memref_slice %arg6[%add3A_179, %dma_wait3A_192] : memref<64x128xi32, #tpu.memory_space<hbm>> -> memref<1x128xi32, #tpu.memory_space<hbm>>
    %dma_wait3A_194 = tpu.memref_squeeze %dma_wait3A_193 : memref<1x128xi32, #tpu.memory_space<hbm>> -> memref<128xi32, #tpu.memory_space<hbm>>
    %dma_wait3A_195 = arith.constant 0 : i32
    %dma_wait3A_196 = tpu.memref_slice %arg6[%add3A_179, %dma_wait3A_195] : memref<64x128xi32, #tpu.memory_space<hbm>> -> memref<1x128xi32, #tpu.memory_space<hbm>>
    %dma_wait3A_197 = tpu.memref_squeeze %dma_wait3A_196 : memref<1x128xi32, #tpu.memory_space<hbm>> -> memref<128xi32, #tpu.memory_space<hbm>>
    %dma_wait3A_198 = arith.constant 0 : i32
    %dma_wait3A_199 = tpu.memref_slice %arg20[%dma_wait3A_198] : memref<256xi32, #tpu.memory_space<vmem>> -> memref<128xi32, #tpu.memory_space<vmem>>
    tpu.wait_dma2 semaphore(%arg26 : memref<!tpu.dma_semaphore, #tpu.memory_space<semaphore_mem>>) src(%dma_wait3A_199 : memref<128xi32, #tpu.memory_space<vmem>>) dst(%dma_wait3A_197 : memref<128xi32, #tpu.memory_space<hbm>>)
    %dma_wait3A_200 = arith.constant 0 : i32
    %dma_wait3A_201 = arith.constant 0 : i32
    %dma_wait3A_202 = tpu.memref_slice %arg23[%dma_wait3A_200, %dma_wait3A_201] : memref<96x128xf32, #tpu.memory_space<vmem>> -> memref<48x128xf32, #tpu.memory_space<vmem>>
    %dma_wait3A_203 = arith.constant 0 : i32
    %dma_wait3A_204 = arith.constant 0 : i32
    %dma_wait3A_205 = tpu.memref_slice %arg4[%add3A_179, %dma_wait3A_203, %dma_wait3A_204] : memref<64x48x128xf32, #tpu.memory_space<hbm>> -> memref<1x48x128xf32, #tpu.memory_space<hbm>>
    %dma_wait3A_206 = tpu.memref_squeeze %dma_wait3A_205 : memref<1x48x128xf32, #tpu.memory_space<hbm>> -> memref<48x128xf32, #tpu.memory_space<hbm>>
    %dma_wait3A_207 = arith.constant 0 : i32
    %dma_wait3A_208 = arith.constant 0 : i32
    %dma_wait3A_209 = tpu.memref_slice %arg4[%add3A_179, %dma_wait3A_207, %dma_wait3A_208] : memref<64x48x128xf32, #tpu.memory_space<hbm>> -> memref<1x48x128xf32, #tpu.memory_space<hbm>>
    %dma_wait3A_210 = tpu.memref_squeeze %dma_wait3A_209 : memref<1x48x128xf32, #tpu.memory_space<hbm>> -> memref<48x128xf32, #tpu.memory_space<hbm>>
    %dma_wait3A_211 = arith.constant 0 : i32
    %dma_wait3A_212 = arith.constant 0 : i32
    %dma_wait3A_213 = tpu.memref_slice %arg23[%dma_wait3A_211, %dma_wait3A_212] : memref<96x128xf32, #tpu.memory_space<vmem>> -> memref<48x128xf32, #tpu.memory_space<vmem>>
    tpu.wait_dma2 semaphore(%arg26 : memref<!tpu.dma_semaphore, #tpu.memory_space<semaphore_mem>>) src(%dma_wait3A_213 : memref<48x128xf32, #tpu.memory_space<vmem>>) dst(%dma_wait3A_210 : memref<48x128xf32, #tpu.memory_space<hbm>>)
    %mul3A_214 = arith.constant 2 : i32
    %mul3A_215 = arith.muli %add3A, %mul3A_214 : i32
    %add3A_216 = arith.constant 1 : i32
    %add3A_217 = arith.addi %mul3A_215, %add3A_216 : i32
    %dma_wait3A_218 = arith.constant 128 : i32
    %dma_wait3A_219 = tpu.memref_slice %arg22[%dma_wait3A_218] : memref<256xf32, #tpu.memory_space<vmem>> -> memref<128xf32, #tpu.memory_space<vmem>>
    %dma_wait3A_220 = arith.constant 0 : i32
    %dma_wait3A_221 = tpu.memref_slice %arg5[%add3A_217, %dma_wait3A_220] : memref<64x128xf32, #tpu.memory_space<hbm>> -> memref<1x128xf32, #tpu.memory_space<hbm>>
    %dma_wait3A_222 = tpu.memref_squeeze %dma_wait3A_221 : memref<1x128xf32, #tpu.memory_space<hbm>> -> memref<128xf32, #tpu.memory_space<hbm>>
    %dma_wait3A_223 = arith.constant 0 : i32
    %dma_wait3A_224 = tpu.memref_slice %arg5[%add3A_217, %dma_wait3A_223] : memref<64x128xf32, #tpu.memory_space<hbm>> -> memref<1x128xf32, #tpu.memory_space<hbm>>
    %dma_wait3A_225 = tpu.memref_squeeze %dma_wait3A_224 : memref<1x128xf32, #tpu.memory_space<hbm>> -> memref<128xf32, #tpu.memory_space<hbm>>
    %dma_wait3A_226 = arith.constant 128 : i32
    %dma_wait3A_227 = tpu.memref_slice %arg22[%dma_wait3A_226] : memref<256xf32, #tpu.memory_space<vmem>> -> memref<128xf32, #tpu.memory_space<vmem>>
    tpu.wait_dma2 semaphore(%arg26 : memref<!tpu.dma_semaphore, #tpu.memory_space<semaphore_mem>>) src(%dma_wait3A_227 : memref<128xf32, #tpu.memory_space<vmem>>) dst(%dma_wait3A_225 : memref<128xf32, #tpu.memory_space<hbm>>)
    %dma_wait3A_228 = arith.constant 128 : i32
    %dma_wait3A_229 = tpu.memref_slice %arg20[%dma_wait3A_228] : memref<256xi32, #tpu.memory_space<vmem>> -> memref<128xi32, #tpu.memory_space<vmem>>
    %dma_wait3A_230 = arith.constant 0 : i32
    %dma_wait3A_231 = tpu.memref_slice %arg6[%add3A_217, %dma_wait3A_230] : memref<64x128xi32, #tpu.memory_space<hbm>> -> memref<1x128xi32, #tpu.memory_space<hbm>>
    %dma_wait3A_232 = tpu.memref_squeeze %dma_wait3A_231 : memref<1x128xi32, #tpu.memory_space<hbm>> -> memref<128xi32, #tpu.memory_space<hbm>>
    %dma_wait3A_233 = arith.constant 0 : i32
    %dma_wait3A_234 = tpu.memref_slice %arg6[%add3A_217, %dma_wait3A_233] : memref<64x128xi32, #tpu.memory_space<hbm>> -> memref<1x128xi32, #tpu.memory_space<hbm>>
    %dma_wait3A_235 = tpu.memref_squeeze %dma_wait3A_234 : memref<1x128xi32, #tpu.memory_space<hbm>> -> memref<128xi32, #tpu.memory_space<hbm>>
    %dma_wait3A_236 = arith.constant 128 : i32
    %dma_wait3A_237 = tpu.memref_slice %arg20[%dma_wait3A_236] : memref<256xi32, #tpu.memory_space<vmem>> -> memref<128xi32, #tpu.memory_space<vmem>>
    tpu.wait_dma2 semaphore(%arg26 : memref<!tpu.dma_semaphore, #tpu.memory_space<semaphore_mem>>) src(%dma_wait3A_237 : memref<128xi32, #tpu.memory_space<vmem>>) dst(%dma_wait3A_235 : memref<128xi32, #tpu.memory_space<hbm>>)
    %dma_wait3A_238 = arith.constant 48 : i32
    %dma_wait3A_239 = arith.constant 0 : i32
    %dma_wait3A_240 = tpu.memref_slice %arg23[%dma_wait3A_238, %dma_wait3A_239] : memref<96x128xf32, #tpu.memory_space<vmem>> -> memref<48x128xf32, #tpu.memory_space<vmem>>
    %dma_wait3A_241 = arith.constant 0 : i32
    %dma_wait3A_242 = arith.constant 0 : i32
    %dma_wait3A_243 = tpu.memref_slice %arg4[%add3A_217, %dma_wait3A_241, %dma_wait3A_242] : memref<64x48x128xf32, #tpu.memory_space<hbm>> -> memref<1x48x128xf32, #tpu.memory_space<hbm>>
    %dma_wait3A_244 = tpu.memref_squeeze %dma_wait3A_243 : memref<1x48x128xf32, #tpu.memory_space<hbm>> -> memref<48x128xf32, #tpu.memory_space<hbm>>
    %dma_wait3A_245 = arith.constant 0 : i32
    %dma_wait3A_246 = arith.constant 0 : i32
    %dma_wait3A_247 = tpu.memref_slice %arg4[%add3A_217, %dma_wait3A_245, %dma_wait3A_246] : memref<64x48x128xf32, #tpu.memory_space<hbm>> -> memref<1x48x128xf32, #tpu.memory_space<hbm>>
    %dma_wait3A_248 = tpu.memref_squeeze %dma_wait3A_247 : memref<1x48x128xf32, #tpu.memory_space<hbm>> -> memref<48x128xf32, #tpu.memory_space<hbm>>
    %dma_wait3A_249 = arith.constant 48 : i32
    %dma_wait3A_250 = arith.constant 0 : i32
    %dma_wait3A_251 = tpu.memref_slice %arg23[%dma_wait3A_249, %dma_wait3A_250] : memref<96x128xf32, #tpu.memory_space<vmem>> -> memref<48x128xf32, #tpu.memory_space<vmem>>
    tpu.wait_dma2 semaphore(%arg26 : memref<!tpu.dma_semaphore, #tpu.memory_space<semaphore_mem>>) src(%dma_wait3A_251 : memref<48x128xf32, #tpu.memory_space<vmem>>) dst(%dma_wait3A_248 : memref<48x128xf32, #tpu.memory_space<hbm>>)
    "tpu.trace_stop"() : () -> ()
    return
  }
}

module attributes {stable_mosaic.version = 14 : i64} {
  func.func @_tc_post_body(%arg0: memref<64x48x128xf32, #tpu.memory_space<vmem>>, %arg1: memref<64x128xf32, #tpu.memory_space<vmem>>, %arg2: memref<64x128xi32, #tpu.memory_space<vmem>>, %arg3: memref<5x64x128xf32, #tpu.memory_space<vmem>>, %arg4: memref<5x64xf32, #tpu.memory_space<vmem>>, %arg5: memref<5x64xi32, #tpu.memory_space<vmem>>, %arg6: memref<5x64x128xf32, #tpu.memory_space<vmem>>, %arg7: memref<5x64xf32, #tpu.memory_space<vmem>>, %arg8: memref<5x64xi32, #tpu.memory_space<vmem>>, %arg9: memref<10x64x128xf32, #tpu.memory_space<vmem>>, %arg10: memref<10x64xf32, #tpu.memory_space<vmem>>, %arg11: memref<10x64xi32, #tpu.memory_space<vmem>>) attributes {dimension_semantics = [], scalar_prefetch = 0 : i64, scratch_operands = 0 : i64, tpu.core_type = #tpu.core_type<tc>} {
    %get3A = arith.constant 0 : index
    %get3A_0 = arith.constant 0 : index
    %get3A_1 = arith.constant 0 : index
    %get3A_2 = vector.load %arg0[%get3A, %get3A_0, %get3A_1] : memref<64x48x128xf32, #tpu.memory_space<vmem>>, vector<64x48x128xf32>
    %slice3A = vector.extract_strided_slice %get3A_2 {offsets = [0, 0, 0], sizes = [64, 1, 128], strides = [1, 1, 1]} : vector<64x48x128xf32> to vector<64x1x128xf32>
    %squeeze3A = vector.shape_cast %slice3A : vector<64x1x128xf32> to vector<64x128xf32>
    %swap3A = arith.constant 0 : index
    %swap3A_3 = arith.constant 0 : index
    %swap3A_4 = arith.constant 0 : index
    %swap3A_5 = vector.load %arg3[%swap3A, %swap3A_3, %swap3A_4] : memref<5x64x128xf32, #tpu.memory_space<vmem>>, vector<1x64x128xf32>
    %swap3A_6 = vector.shape_cast %swap3A_5 : vector<1x64x128xf32> to vector<64x128xf32>
    %swap3A_7 = vector.shape_cast %squeeze3A : vector<64x128xf32> to vector<1x64x128xf32>
    tpu.vector_store %arg3[%swap3A, %swap3A_3, %swap3A_4], %swap3A_7 {strides = array<i32>} : memref<5x64x128xf32, #tpu.memory_space<vmem>>, vector<1x64x128xf32>,
    %slice3A_8 = vector.extract_strided_slice %get3A_2 {offsets = [0, 16, 0], sizes = [64, 1, 128], strides = [1, 1, 1]} : vector<64x48x128xf32> to vector<64x1x128xf32>
    %squeeze3A_9 = vector.shape_cast %slice3A_8 : vector<64x1x128xf32> to vector<64x128xf32>
    %swap3A_10 = arith.constant 0 : index
    %swap3A_11 = arith.constant 0 : index
    %swap3A_12 = arith.constant 0 : index
    %swap3A_13 = vector.load %arg6[%swap3A_10, %swap3A_11, %swap3A_12] : memref<5x64x128xf32, #tpu.memory_space<vmem>>, vector<1x64x128xf32>
    %swap3A_14 = vector.shape_cast %swap3A_13 : vector<1x64x128xf32> to vector<64x128xf32>
    %swap3A_15 = vector.shape_cast %squeeze3A_9 : vector<64x128xf32> to vector<1x64x128xf32>
    tpu.vector_store %arg6[%swap3A_10, %swap3A_11, %swap3A_12], %swap3A_15 {strides = array<i32>} : memref<5x64x128xf32, #tpu.memory_space<vmem>>, vector<1x64x128xf32>,
    %slice3A_16 = vector.extract_strided_slice %get3A_2 {offsets = [0, 1, 0], sizes = [64, 1, 128], strides = [1, 1, 1]} : vector<64x48x128xf32> to vector<64x1x128xf32>
    %squeeze3A_17 = vector.shape_cast %slice3A_16 : vector<64x1x128xf32> to vector<64x128xf32>
    %swap3A_18 = arith.constant 1 : index
    %swap3A_19 = arith.constant 0 : index
    %swap3A_20 = arith.constant 0 : index
    %swap3A_21 = vector.load %arg3[%swap3A_18, %swap3A_19, %swap3A_20] : memref<5x64x128xf32, #tpu.memory_space<vmem>>, vector<1x64x128xf32>
    %swap3A_22 = vector.shape_cast %swap3A_21 : vector<1x64x128xf32> to vector<64x128xf32>
    %swap3A_23 = vector.shape_cast %squeeze3A_17 : vector<64x128xf32> to vector<1x64x128xf32>
    tpu.vector_store %arg3[%swap3A_18, %swap3A_19, %swap3A_20], %swap3A_23 {strides = array<i32>} : memref<5x64x128xf32, #tpu.memory_space<vmem>>, vector<1x64x128xf32>,
    %slice3A_24 = vector.extract_strided_slice %get3A_2 {offsets = [0, 17, 0], sizes = [64, 1, 128], strides = [1, 1, 1]} : vector<64x48x128xf32> to vector<64x1x128xf32>
    %squeeze3A_25 = vector.shape_cast %slice3A_24 : vector<64x1x128xf32> to vector<64x128xf32>
    %swap3A_26 = arith.constant 1 : index
    %swap3A_27 = arith.constant 0 : index
    %swap3A_28 = arith.constant 0 : index
    %swap3A_29 = vector.load %arg6[%swap3A_26, %swap3A_27, %swap3A_28] : memref<5x64x128xf32, #tpu.memory_space<vmem>>, vector<1x64x128xf32>
    %swap3A_30 = vector.shape_cast %swap3A_29 : vector<1x64x128xf32> to vector<64x128xf32>
    %swap3A_31 = vector.shape_cast %squeeze3A_25 : vector<64x128xf32> to vector<1x64x128xf32>
    tpu.vector_store %arg6[%swap3A_26, %swap3A_27, %swap3A_28], %swap3A_31 {strides = array<i32>} : memref<5x64x128xf32, #tpu.memory_space<vmem>>, vector<1x64x128xf32>,
    %slice3A_32 = vector.extract_strided_slice %get3A_2 {offsets = [0, 2, 0], sizes = [64, 1, 128], strides = [1, 1, 1]} : vector<64x48x128xf32> to vector<64x1x128xf32>
    %squeeze3A_33 = vector.shape_cast %slice3A_32 : vector<64x1x128xf32> to vector<64x128xf32>
    %swap3A_34 = arith.constant 2 : index
    %swap3A_35 = arith.constant 0 : index
    %swap3A_36 = arith.constant 0 : index
    %swap3A_37 = vector.load %arg3[%swap3A_34, %swap3A_35, %swap3A_36] : memref<5x64x128xf32, #tpu.memory_space<vmem>>, vector<1x64x128xf32>
    %swap3A_38 = vector.shape_cast %swap3A_37 : vector<1x64x128xf32> to vector<64x128xf32>
    %swap3A_39 = vector.shape_cast %squeeze3A_33 : vector<64x128xf32> to vector<1x64x128xf32>
    tpu.vector_store %arg3[%swap3A_34, %swap3A_35, %swap3A_36], %swap3A_39 {strides = array<i32>} : memref<5x64x128xf32, #tpu.memory_space<vmem>>, vector<1x64x128xf32>,
    %slice3A_40 = vector.extract_strided_slice %get3A_2 {offsets = [0, 18, 0], sizes = [64, 1, 128], strides = [1, 1, 1]} : vector<64x48x128xf32> to vector<64x1x128xf32>
    %squeeze3A_41 = vector.shape_cast %slice3A_40 : vector<64x1x128xf32> to vector<64x128xf32>
    %swap3A_42 = arith.constant 2 : index
    %swap3A_43 = arith.constant 0 : index
    %swap3A_44 = arith.constant 0 : index
    %swap3A_45 = vector.load %arg6[%swap3A_42, %swap3A_43, %swap3A_44] : memref<5x64x128xf32, #tpu.memory_space<vmem>>, vector<1x64x128xf32>
    %swap3A_46 = vector.shape_cast %swap3A_45 : vector<1x64x128xf32> to vector<64x128xf32>
    %swap3A_47 = vector.shape_cast %squeeze3A_41 : vector<64x128xf32> to vector<1x64x128xf32>
    tpu.vector_store %arg6[%swap3A_42, %swap3A_43, %swap3A_44], %swap3A_47 {strides = array<i32>} : memref<5x64x128xf32, #tpu.memory_space<vmem>>, vector<1x64x128xf32>,
    %slice3A_48 = vector.extract_strided_slice %get3A_2 {offsets = [0, 3, 0], sizes = [64, 1, 128], strides = [1, 1, 1]} : vector<64x48x128xf32> to vector<64x1x128xf32>
    %squeeze3A_49 = vector.shape_cast %slice3A_48 : vector<64x1x128xf32> to vector<64x128xf32>
    %swap3A_50 = arith.constant 3 : index
    %swap3A_51 = arith.constant 0 : index
    %swap3A_52 = arith.constant 0 : index
    %swap3A_53 = vector.load %arg3[%swap3A_50, %swap3A_51, %swap3A_52] : memref<5x64x128xf32, #tpu.memory_space<vmem>>, vector<1x64x128xf32>
    %swap3A_54 = vector.shape_cast %swap3A_53 : vector<1x64x128xf32> to vector<64x128xf32>
    %swap3A_55 = vector.shape_cast %squeeze3A_49 : vector<64x128xf32> to vector<1x64x128xf32>
    tpu.vector_store %arg3[%swap3A_50, %swap3A_51, %swap3A_52], %swap3A_55 {strides = array<i32>} : memref<5x64x128xf32, #tpu.memory_space<vmem>>, vector<1x64x128xf32>,
    %slice3A_56 = vector.extract_strided_slice %get3A_2 {offsets = [0, 19, 0], sizes = [64, 1, 128], strides = [1, 1, 1]} : vector<64x48x128xf32> to vector<64x1x128xf32>
    %squeeze3A_57 = vector.shape_cast %slice3A_56 : vector<64x1x128xf32> to vector<64x128xf32>
    %swap3A_58 = arith.constant 3 : index
    %swap3A_59 = arith.constant 0 : index
    %swap3A_60 = arith.constant 0 : index
    %swap3A_61 = vector.load %arg6[%swap3A_58, %swap3A_59, %swap3A_60] : memref<5x64x128xf32, #tpu.memory_space<vmem>>, vector<1x64x128xf32>
    %swap3A_62 = vector.shape_cast %swap3A_61 : vector<1x64x128xf32> to vector<64x128xf32>
    %swap3A_63 = vector.shape_cast %squeeze3A_57 : vector<64x128xf32> to vector<1x64x128xf32>
    tpu.vector_store %arg6[%swap3A_58, %swap3A_59, %swap3A_60], %swap3A_63 {strides = array<i32>} : memref<5x64x128xf32, #tpu.memory_space<vmem>>, vector<1x64x128xf32>,
    %slice3A_64 = vector.extract_strided_slice %get3A_2 {offsets = [0, 4, 0], sizes = [64, 1, 128], strides = [1, 1, 1]} : vector<64x48x128xf32> to vector<64x1x128xf32>
    %squeeze3A_65 = vector.shape_cast %slice3A_64 : vector<64x1x128xf32> to vector<64x128xf32>
    %swap3A_66 = arith.constant 4 : index
    %swap3A_67 = arith.constant 0 : index
    %swap3A_68 = arith.constant 0 : index
    %swap3A_69 = vector.load %arg3[%swap3A_66, %swap3A_67, %swap3A_68] : memref<5x64x128xf32, #tpu.memory_space<vmem>>, vector<1x64x128xf32>
    %swap3A_70 = vector.shape_cast %swap3A_69 : vector<1x64x128xf32> to vector<64x128xf32>
    %swap3A_71 = vector.shape_cast %squeeze3A_65 : vector<64x128xf32> to vector<1x64x128xf32>
    tpu.vector_store %arg3[%swap3A_66, %swap3A_67, %swap3A_68], %swap3A_71 {strides = array<i32>} : memref<5x64x128xf32, #tpu.memory_space<vmem>>, vector<1x64x128xf32>,
    %slice3A_72 = vector.extract_strided_slice %get3A_2 {offsets = [0, 20, 0], sizes = [64, 1, 128], strides = [1, 1, 1]} : vector<64x48x128xf32> to vector<64x1x128xf32>
    %squeeze3A_73 = vector.shape_cast %slice3A_72 : vector<64x1x128xf32> to vector<64x128xf32>
    %swap3A_74 = arith.constant 4 : index
    %swap3A_75 = arith.constant 0 : index
    %swap3A_76 = arith.constant 0 : index
    %swap3A_77 = vector.load %arg6[%swap3A_74, %swap3A_75, %swap3A_76] : memref<5x64x128xf32, #tpu.memory_space<vmem>>, vector<1x64x128xf32>
    %swap3A_78 = vector.shape_cast %swap3A_77 : vector<1x64x128xf32> to vector<64x128xf32>
    %swap3A_79 = vector.shape_cast %squeeze3A_73 : vector<64x128xf32> to vector<1x64x128xf32>
    tpu.vector_store %arg6[%swap3A_74, %swap3A_75, %swap3A_76], %swap3A_79 {strides = array<i32>} : memref<5x64x128xf32, #tpu.memory_space<vmem>>, vector<1x64x128xf32>,
    %slice3A_80 = vector.extract_strided_slice %get3A_2 {offsets = [0, 32, 0], sizes = [64, 1, 128], strides = [1, 1, 1]} : vector<64x48x128xf32> to vector<64x1x128xf32>
    %squeeze3A_81 = vector.shape_cast %slice3A_80 : vector<64x1x128xf32> to vector<64x128xf32>
    %swap3A_82 = arith.constant 0 : index
    %swap3A_83 = arith.constant 0 : index
    %swap3A_84 = arith.constant 0 : index
    %swap3A_85 = vector.load %arg9[%swap3A_82, %swap3A_83, %swap3A_84] : memref<10x64x128xf32, #tpu.memory_space<vmem>>, vector<1x64x128xf32>
    %swap3A_86 = vector.shape_cast %swap3A_85 : vector<1x64x128xf32> to vector<64x128xf32>
    %swap3A_87 = vector.shape_cast %squeeze3A_81 : vector<64x128xf32> to vector<1x64x128xf32>
    tpu.vector_store %arg9[%swap3A_82, %swap3A_83, %swap3A_84], %swap3A_87 {strides = array<i32>} : memref<10x64x128xf32, #tpu.memory_space<vmem>>, vector<1x64x128xf32>,
    %slice3A_88 = vector.extract_strided_slice %get3A_2 {offsets = [0, 33, 0], sizes = [64, 1, 128], strides = [1, 1, 1]} : vector<64x48x128xf32> to vector<64x1x128xf32>
    %squeeze3A_89 = vector.shape_cast %slice3A_88 : vector<64x1x128xf32> to vector<64x128xf32>
    %swap3A_90 = arith.constant 1 : index
    %swap3A_91 = arith.constant 0 : index
    %swap3A_92 = arith.constant 0 : index
    %swap3A_93 = vector.load %arg9[%swap3A_90, %swap3A_91, %swap3A_92] : memref<10x64x128xf32, #tpu.memory_space<vmem>>, vector<1x64x128xf32>
    %swap3A_94 = vector.shape_cast %swap3A_93 : vector<1x64x128xf32> to vector<64x128xf32>
    %swap3A_95 = vector.shape_cast %squeeze3A_89 : vector<64x128xf32> to vector<1x64x128xf32>
    tpu.vector_store %arg9[%swap3A_90, %swap3A_91, %swap3A_92], %swap3A_95 {strides = array<i32>} : memref<10x64x128xf32, #tpu.memory_space<vmem>>, vector<1x64x128xf32>,
    %slice3A_96 = vector.extract_strided_slice %get3A_2 {offsets = [0, 34, 0], sizes = [64, 1, 128], strides = [1, 1, 1]} : vector<64x48x128xf32> to vector<64x1x128xf32>
    %squeeze3A_97 = vector.shape_cast %slice3A_96 : vector<64x1x128xf32> to vector<64x128xf32>
    %swap3A_98 = arith.constant 2 : index
    %swap3A_99 = arith.constant 0 : index
    %swap3A_100 = arith.constant 0 : index
    %swap3A_101 = vector.load %arg9[%swap3A_98, %swap3A_99, %swap3A_100] : memref<10x64x128xf32, #tpu.memory_space<vmem>>, vector<1x64x128xf32>
    %swap3A_102 = vector.shape_cast %swap3A_101 : vector<1x64x128xf32> to vector<64x128xf32>
    %swap3A_103 = vector.shape_cast %squeeze3A_97 : vector<64x128xf32> to vector<1x64x128xf32>
    tpu.vector_store %arg9[%swap3A_98, %swap3A_99, %swap3A_100], %swap3A_103 {strides = array<i32>} : memref<10x64x128xf32, #tpu.memory_space<vmem>>, vector<1x64x128xf32>,
    %slice3A_104 = vector.extract_strided_slice %get3A_2 {offsets = [0, 35, 0], sizes = [64, 1, 128], strides = [1, 1, 1]} : vector<64x48x128xf32> to vector<64x1x128xf32>
    %squeeze3A_105 = vector.shape_cast %slice3A_104 : vector<64x1x128xf32> to vector<64x128xf32>
    %swap3A_106 = arith.constant 3 : index
    %swap3A_107 = arith.constant 0 : index
    %swap3A_108 = arith.constant 0 : index
    %swap3A_109 = vector.load %arg9[%swap3A_106, %swap3A_107, %swap3A_108] : memref<10x64x128xf32, #tpu.memory_space<vmem>>, vector<1x64x128xf32>
    %swap3A_110 = vector.shape_cast %swap3A_109 : vector<1x64x128xf32> to vector<64x128xf32>
    %swap3A_111 = vector.shape_cast %squeeze3A_105 : vector<64x128xf32> to vector<1x64x128xf32>
    tpu.vector_store %arg9[%swap3A_106, %swap3A_107, %swap3A_108], %swap3A_111 {strides = array<i32>} : memref<10x64x128xf32, #tpu.memory_space<vmem>>, vector<1x64x128xf32>,
    %slice3A_112 = vector.extract_strided_slice %get3A_2 {offsets = [0, 36, 0], sizes = [64, 1, 128], strides = [1, 1, 1]} : vector<64x48x128xf32> to vector<64x1x128xf32>
    %squeeze3A_113 = vector.shape_cast %slice3A_112 : vector<64x1x128xf32> to vector<64x128xf32>
    %swap3A_114 = arith.constant 4 : index
    %swap3A_115 = arith.constant 0 : index
    %swap3A_116 = arith.constant 0 : index
    %swap3A_117 = vector.load %arg9[%swap3A_114, %swap3A_115, %swap3A_116] : memref<10x64x128xf32, #tpu.memory_space<vmem>>, vector<1x64x128xf32>
    %swap3A_118 = vector.shape_cast %swap3A_117 : vector<1x64x128xf32> to vector<64x128xf32>
    %swap3A_119 = vector.shape_cast %squeeze3A_113 : vector<64x128xf32> to vector<1x64x128xf32>
    tpu.vector_store %arg9[%swap3A_114, %swap3A_115, %swap3A_116], %swap3A_119 {strides = array<i32>} : memref<10x64x128xf32, #tpu.memory_space<vmem>>, vector<1x64x128xf32>,
    %slice3A_120 = vector.extract_strided_slice %get3A_2 {offsets = [0, 37, 0], sizes = [64, 1, 128], strides = [1, 1, 1]} : vector<64x48x128xf32> to vector<64x1x128xf32>
    %squeeze3A_121 = vector.shape_cast %slice3A_120 : vector<64x1x128xf32> to vector<64x128xf32>
    %swap3A_122 = arith.constant 5 : index
    %swap3A_123 = arith.constant 0 : index
    %swap3A_124 = arith.constant 0 : index
    %swap3A_125 = vector.load %arg9[%swap3A_122, %swap3A_123, %swap3A_124] : memref<10x64x128xf32, #tpu.memory_space<vmem>>, vector<1x64x128xf32>
    %swap3A_126 = vector.shape_cast %swap3A_125 : vector<1x64x128xf32> to vector<64x128xf32>
    %swap3A_127 = vector.shape_cast %squeeze3A_121 : vector<64x128xf32> to vector<1x64x128xf32>
    tpu.vector_store %arg9[%swap3A_122, %swap3A_123, %swap3A_124], %swap3A_127 {strides = array<i32>} : memref<10x64x128xf32, #tpu.memory_space<vmem>>, vector<1x64x128xf32>,
    %slice3A_128 = vector.extract_strided_slice %get3A_2 {offsets = [0, 38, 0], sizes = [64, 1, 128], strides = [1, 1, 1]} : vector<64x48x128xf32> to vector<64x1x128xf32>
    %squeeze3A_129 = vector.shape_cast %slice3A_128 : vector<64x1x128xf32> to vector<64x128xf32>
    %swap3A_130 = arith.constant 6 : index
    %swap3A_131 = arith.constant 0 : index
    %swap3A_132 = arith.constant 0 : index
    %swap3A_133 = vector.load %arg9[%swap3A_130, %swap3A_131, %swap3A_132] : memref<10x64x128xf32, #tpu.memory_space<vmem>>, vector<1x64x128xf32>
    %swap3A_134 = vector.shape_cast %swap3A_133 : vector<1x64x128xf32> to vector<64x128xf32>
    %swap3A_135 = vector.shape_cast %squeeze3A_129 : vector<64x128xf32> to vector<1x64x128xf32>
    tpu.vector_store %arg9[%swap3A_130, %swap3A_131, %swap3A_132], %swap3A_135 {strides = array<i32>} : memref<10x64x128xf32, #tpu.memory_space<vmem>>, vector<1x64x128xf32>,
    %slice3A_136 = vector.extract_strided_slice %get3A_2 {offsets = [0, 39, 0], sizes = [64, 1, 128], strides = [1, 1, 1]} : vector<64x48x128xf32> to vector<64x1x128xf32>
    %squeeze3A_137 = vector.shape_cast %slice3A_136 : vector<64x1x128xf32> to vector<64x128xf32>
    %swap3A_138 = arith.constant 7 : index
    %swap3A_139 = arith.constant 0 : index
    %swap3A_140 = arith.constant 0 : index
    %swap3A_141 = vector.load %arg9[%swap3A_138, %swap3A_139, %swap3A_140] : memref<10x64x128xf32, #tpu.memory_space<vmem>>, vector<1x64x128xf32>
    %swap3A_142 = vector.shape_cast %swap3A_141 : vector<1x64x128xf32> to vector<64x128xf32>
    %swap3A_143 = vector.shape_cast %squeeze3A_137 : vector<64x128xf32> to vector<1x64x128xf32>
    tpu.vector_store %arg9[%swap3A_138, %swap3A_139, %swap3A_140], %swap3A_143 {strides = array<i32>} : memref<10x64x128xf32, #tpu.memory_space<vmem>>, vector<1x64x128xf32>,
    %slice3A_144 = vector.extract_strided_slice %get3A_2 {offsets = [0, 40, 0], sizes = [64, 1, 128], strides = [1, 1, 1]} : vector<64x48x128xf32> to vector<64x1x128xf32>
    %squeeze3A_145 = vector.shape_cast %slice3A_144 : vector<64x1x128xf32> to vector<64x128xf32>
    %swap3A_146 = arith.constant 8 : index
    %swap3A_147 = arith.constant 0 : index
    %swap3A_148 = arith.constant 0 : index
    %swap3A_149 = vector.load %arg9[%swap3A_146, %swap3A_147, %swap3A_148] : memref<10x64x128xf32, #tpu.memory_space<vmem>>, vector<1x64x128xf32>
    %swap3A_150 = vector.shape_cast %swap3A_149 : vector<1x64x128xf32> to vector<64x128xf32>
    %swap3A_151 = vector.shape_cast %squeeze3A_145 : vector<64x128xf32> to vector<1x64x128xf32>
    tpu.vector_store %arg9[%swap3A_146, %swap3A_147, %swap3A_148], %swap3A_151 {strides = array<i32>} : memref<10x64x128xf32, #tpu.memory_space<vmem>>, vector<1x64x128xf32>,
    %slice3A_152 = vector.extract_strided_slice %get3A_2 {offsets = [0, 41, 0], sizes = [64, 1, 128], strides = [1, 1, 1]} : vector<64x48x128xf32> to vector<64x1x128xf32>
    %squeeze3A_153 = vector.shape_cast %slice3A_152 : vector<64x1x128xf32> to vector<64x128xf32>
    %swap3A_154 = arith.constant 9 : index
    %swap3A_155 = arith.constant 0 : index
    %swap3A_156 = arith.constant 0 : index
    %swap3A_157 = vector.load %arg9[%swap3A_154, %swap3A_155, %swap3A_156] : memref<10x64x128xf32, #tpu.memory_space<vmem>>, vector<1x64x128xf32>
    %swap3A_158 = vector.shape_cast %swap3A_157 : vector<1x64x128xf32> to vector<64x128xf32>
    %swap3A_159 = vector.shape_cast %squeeze3A_153 : vector<64x128xf32> to vector<1x64x128xf32>
    tpu.vector_store %arg9[%swap3A_154, %swap3A_155, %swap3A_156], %swap3A_159 {strides = array<i32>} : memref<10x64x128xf32, #tpu.memory_space<vmem>>, vector<1x64x128xf32>,
    %get3A_160 = arith.constant 0 : index
    %get3A_161 = arith.constant 0 : index
    %get3A_162 = vector.load %arg1[%get3A_160, %get3A_161] : memref<64x128xf32, #tpu.memory_space<vmem>>, vector<64x128xf32>
    %transpose3A = tpu.transpose %get3A_162, [1, 0] : vector<64x128xf32> -> vector<128x64xf32>
    %slice3A_163 = vector.extract_strided_slice %transpose3A {offsets = [0, 0], sizes = [5, 64], strides = [1, 1]} : vector<128x64xf32> to vector<5x64xf32>
    %swap3A_164 = arith.constant 0 : index
    %swap3A_165 = arith.constant 0 : index
    %swap3A_166 = vector.load %arg4[%swap3A_164, %swap3A_165] : memref<5x64xf32, #tpu.memory_space<vmem>>, vector<5x64xf32>
    tpu.vector_store %arg4[%swap3A_164, %swap3A_165], %slice3A_163 {strides = array<i32>} : memref<5x64xf32, #tpu.memory_space<vmem>>, vector<5x64xf32>,
    %slice3A_167 = vector.extract_strided_slice %transpose3A {offsets = [16, 0], sizes = [5, 64], strides = [1, 1]} : vector<128x64xf32> to vector<5x64xf32>
    %swap3A_168 = arith.constant 0 : index
    %swap3A_169 = arith.constant 0 : index
    %swap3A_170 = vector.load %arg7[%swap3A_168, %swap3A_169] : memref<5x64xf32, #tpu.memory_space<vmem>>, vector<5x64xf32>
    tpu.vector_store %arg7[%swap3A_168, %swap3A_169], %slice3A_167 {strides = array<i32>} : memref<5x64xf32, #tpu.memory_space<vmem>>, vector<5x64xf32>,
    %slice3A_171 = vector.extract_strided_slice %transpose3A {offsets = [32, 0], sizes = [10, 64], strides = [1, 1]} : vector<128x64xf32> to vector<10x64xf32>
    %swap3A_172 = arith.constant 0 : index
    %swap3A_173 = arith.constant 0 : index
    %swap3A_174 = vector.load %arg10[%swap3A_172, %swap3A_173] : memref<10x64xf32, #tpu.memory_space<vmem>>, vector<10x64xf32>
    tpu.vector_store %arg10[%swap3A_172, %swap3A_173], %slice3A_171 {strides = array<i32>} : memref<10x64xf32, #tpu.memory_space<vmem>>, vector<10x64xf32>,
    %get3A_175 = arith.constant 0 : index
    %get3A_176 = arith.constant 0 : index
    %get3A_177 = vector.load %arg2[%get3A_175, %get3A_176] : memref<64x128xi32, #tpu.memory_space<vmem>>, vector<64x128xi32>
    %transpose3A_178 = tpu.transpose %get3A_177, [1, 0] : vector<64x128xi32> -> vector<128x64xi32>
    %slice3A_179 = vector.extract_strided_slice %transpose3A_178 {offsets = [0, 0], sizes = [5, 64], strides = [1, 1]} : vector<128x64xi32> to vector<5x64xi32>
    %swap3A_180 = arith.constant 0 : index
    %swap3A_181 = arith.constant 0 : index
    %swap3A_182 = vector.load %arg5[%swap3A_180, %swap3A_181] : memref<5x64xi32, #tpu.memory_space<vmem>>, vector<5x64xi32>
    tpu.vector_store %arg5[%swap3A_180, %swap3A_181], %slice3A_179 {strides = array<i32>} : memref<5x64xi32, #tpu.memory_space<vmem>>, vector<5x64xi32>,
    %slice3A_183 = vector.extract_strided_slice %transpose3A_178 {offsets = [16, 0], sizes = [5, 64], strides = [1, 1]} : vector<128x64xi32> to vector<5x64xi32>
    %swap3A_184 = arith.constant 0 : index
    %swap3A_185 = arith.constant 0 : index
    %swap3A_186 = vector.load %arg8[%swap3A_184, %swap3A_185] : memref<5x64xi32, #tpu.memory_space<vmem>>, vector<5x64xi32>
    tpu.vector_store %arg8[%swap3A_184, %swap3A_185], %slice3A_183 {strides = array<i32>} : memref<5x64xi32, #tpu.memory_space<vmem>>, vector<5x64xi32>,
    %slice3A_187 = vector.extract_strided_slice %transpose3A_178 {offsets = [32, 0], sizes = [10, 64], strides = [1, 1]} : vector<128x64xi32> to vector<10x64xi32>
    %swap3A_188 = arith.constant 0 : index
    %swap3A_189 = arith.constant 0 : index
    %swap3A_190 = vector.load %arg11[%swap3A_188, %swap3A_189] : memref<10x64xi32, #tpu.memory_space<vmem>>, vector<10x64xi32>
    tpu.vector_store %arg11[%swap3A_188, %swap3A_189], %slice3A_187 {strides = array<i32>} : memref<10x64xi32, #tpu.memory_space<vmem>>, vector<10x64xi32>,
    return
  }
}

</mosaic_0001>

<sc_bundles>
// kernel: kernel.4.cloned.1.call-start
scs
__scs_entry_jumppad:
0x0: {  	(pc) =	sbr.rel $0x88, $3  }
0x1: {  	(tag) =	ssettag $0x0;
	lr =	simm.s32 $0x1  }
0x2: {  	[smem:$0x3F9F] =	sst lr;
	_ =	strace $0xD0000000  }
0x3: {  	_ = 	snop  }
0x4: {  	_ = 	snop  }
0x5: {  	_ = 	snop  }
0x6: {  	_ = 	snop  }
0x7: {  	_ = 	snop  }
__scs_overlays_trampoline_lowered:
0x8: {  	[smem:$0x3FAE] =	sst s0  }
0x9: {  	[smem:$0x3FAF] =	sst s1  }
0xa: {  	[smem:$0x3FB0] =	sst s2  }
0xb: {  	[smem:$0x3FB1] =	sst s3  }
0xc: {  	[smem:$0x3FB2] =	sst s4  }
0xd: {  	[smem:$0x3FB3] =	sst s5  }
0xe: {  	[smem:$0x3FB4] =	sst s6  }
0xf: {  	[smem:$0x3FB5] =	sst s7  }
0x10: {  	[smem:$0x3FB6] =	sst s8  }
0x11: {  	[smem:$0x3FB7] =	sst s9;
	s0 =	simm.s32 @!p0 $0x0  }
0x12: {  	s1 =	sld [smem:$0x3F9D];
	s0 =	simm.s32 @p0 $0x1  }
0x13: {  	[smem:$0x3FB8] =	sst s0;
	s0 =	simm.s32 @!p1 $0x0  }
0x14: {  	s2 =	sld [smem:$0x3F9C];
	s0 =	simm.s32 @p1 $0x1  }
0x15: {  	[smem:$0x3FB9] =	sst s0;
	s0 =	simm.s32 @!p2 $0x0  }
0x16: {  	s3 =	sld [smem:$0x3FDB];
	s0 =	simm.s32 @p2 $0x1  }
0x17: {  	s4 =	simm.s32 $0x1BF5;
	[smem:$0x3FBB] =	sst s0  }
0x18: {  	s0 =	sld [smem:$0x3F9E];
	_ =	swait.ge [sflag:s4], $0x0  }
0x19: {  	s7 =	sld [smem:$0x3F9F]  }
0x1a: {  	s8 =	sadd.s32 $0xFFFFE003, lr  }
0x1b: {  	s9 =	sadd.s32 $0xFFFFFEF7, lr;
	s5 =	simm.s32 $0xFFFFFFFF;
	p2 =	slt.u32 s8, $0xFFFFF086  }
0x1c: {  	p1 =	slt.u32 s9, $0xF7A;
	s5 =	simm.s32 @!p2 $0x0  }
0x1d: {  	s5 =	simm.s32 @p1 $0x1;
	p0 =	seq.s32 s7, s2  }
0x1e: {  	s7 =	smul.u32 @!p0 $0xF7A, s2;
	p2 =	seq.s32 @!p0 s5, $0x0  }
0x1f: {  	s9 =	smul.u32 $0xF7A, s1;
	s8 =	simm.s32 @!p0 $0x1BF5;
	p2 =	por !p2, p0  }
0x20: {  	[sflag:s8] =	ssyncset.s32 @!p0 $0xFFFFF086;
	s6 =	sadd.s32 @!p0 s3, s7;
	s7 =	simm.s32 @!p0 $0x108  }
0x21: {  	s3 =	sadd.s32 s3, s9;
	s6 =	sadd.s32 @!p0 $0x88, s6;
	s7 =	simm.s32 @p2 $0x1082  }
0x22: {  	[simem:s7], [sflag:s8] =	dma.local @!p0 [hbm:s6], $0xF7A  }
0x23: {  	s9 =	sor.u32 $0xD0000000, s2;
	s6 =	simm.s32 $0x108;
	_ =	swait.ge @!p0 [sflag:s8], $0x0  }
0x24: {  	s3 =	sadd.s32 $0x88, s3;
	s6 =	simm.s32 @!p1 $0x1082;
	[sflag:s4] =	ssyncset.s32 $0xFFFFF086  }
0x25: {  	[simem:s6], [sflag:s4] =	dma.local [hbm:s3], $0xF7A  }
0x26: {  	[smem:$0x3F9F] =	sst s1;
	(tag) =	ssettag s2;
	_ =	strace s9  }
0x27: {  	s1 =	sld [smem:$0x3FAF]  }
0x28: {  	s2 =	sld [smem:$0x3FB0]  }
0x29: {  	s4 =	sld [smem:$0x3FB2]  }
0x2a: {  	p0 =	seq.s32 s5, $0x0;
	s5 =	sld [smem:$0x3FB3]  }
0x2b: {  	s6 =	sld [smem:$0x3FB4]  }
0x2c: {  	s7 =	sld [smem:$0x3FB5]  }
0x2d: {  	s3 =	simm.s32 $0x108;
	s8 =	sld [smem:$0x3FB6]  }
0x2e: {  	s3 =	simm.s32 @!p0 $0x1082;
	s9 =	sld [smem:$0x3FB7]  }
0x2f: {  	lr =	sadd.s32 s0, s3;
	s0 =	sld [smem:$0x3FAE]  }
0x30: {  	s3 =	sld [smem:$0x3FB1]  }
0x31: {  	[smem:$0x3FBA] =	sst s10  }
0x32: {  	s10 =	sld [smem:$0x3FB8];
	_ =	sdelay $0x3  }
0x33: {  	p0 =	seq.s32 s10, $0x1;
	s10 =	sld [smem:$0x3FBA];
	_ =	sdelay $0x3  }
0x34: {  	[smem:$0x3FBA] =	sst s10  }
0x35: {  	s10 =	sld [smem:$0x3FB9];
	_ =	sdelay $0x3  }
0x36: {  	p1 =	seq.s32 s10, $0x1;
	s10 =	sld [smem:$0x3FBA];
	_ =	sdelay $0x3  }
0x37: {  	[smem:$0x3FBA] =	sst s10  }
0x38: {  	s10 =	sld [smem:$0x3FBB]  }
0x39: {  	_ = 	snop;
	(pc) =	sbr.ind lr, $3  }
0x3a: {  	_ = 	snop  }
0x3b: {  	_ = 	snop  }
0x3c: {  	p2 =	seq.s32 s10, $0x1;
	s10 =	sld [smem:$0x3FBA]  }
0x3d: {  	_ =	shalt  }
0x3e: {  	_ =	shalt  }
0x3f: {  	_ =	shalt  }
0x40: {  	_ =	shalt  }
0x41: {  	_ =	shalt  }
0x42: {  	_ =	shalt  }
0x43: {  	_ =	shalt  }
0x44: {  	_ =	shalt  }
0x45: {  	_ =	shalt  }
0x46: {  	_ =	shalt  }
0x47: {  	_ =	shalt  }
0x48: {  	_ =	shalt  }
0x49: {  	_ =	shalt  }
0x4a: {  	_ =	shalt  }
0x4b: {  	_ =	shalt  }
0x4c: {  	_ =	shalt  }
0x4d: {  	_ =	shalt  }
0x4e: {  	_ =	shalt  }
0x4f: {  	_ =	shalt  }
0x50: {  	_ =	shalt  }
0x51: {  	_ =	shalt  }
0x52: {  	_ =	shalt  }
0x53: {  	_ =	shalt  }
0x54: {  	_ =	shalt  }
0x55: {  	_ =	shalt  }
0x56: {  	_ =	shalt  }
0x57: {  	_ =	shalt  }
0x58: {  	_ =	shalt  }
0x59: {  	_ =	shalt  }
0x5a: {  	_ =	shalt  }
0x5b: {  	_ =	shalt  }
0x5c: {  	_ =	shalt  }
0x5d: {  	_ =	shalt  }
0x5e: {  	_ =	shalt  }
0x5f: {  	_ =	shalt  }
0x60: {  	_ =	shalt  }
0x61: {  	_ =	shalt  }
0x62: {  	_ =	shalt  }
0x63: {  	_ =	shalt  }
0x64: {  	_ =	shalt  }
0x65: {  	_ =	shalt  }
0x66: {  	_ =	shalt  }
0x67: {  	_ =	shalt  }
0x68: {  	_ =	shalt  }
0x69: {  	_ =	shalt  }
0x6a: {  	_ =	shalt  }
0x6b: {  	_ =	shalt  }
0x6c: {  	_ =	shalt  }
0x6d: {  	_ =	shalt  }
0x6e: {  	_ =	shalt  }
0x6f: {  	_ =	shalt  }
0x70: {  	_ =	shalt  }
0x71: {  	_ =	shalt  }
0x72: {  	_ =	shalt  }
0x73: {  	_ =	shalt  }
0x74: {  	_ =	shalt  }
0x75: {  	_ =	shalt  }
0x76: {  	_ =	shalt  }
0x77: {  	_ =	shalt  }
0x78: {  	_ =	shalt  }
0x79: {  	_ =	shalt  }
0x7a: {  	_ =	shalt  }
0x7b: {  	_ =	shalt  }
0x7c: {  	_ =	shalt  }
0x7d: {  	_ =	shalt  }
0x7e: {  	_ =	shalt  }
0x7f: {  	_ =	shalt  }
0x80: {  	_ =	shalt  }
0x81: {  	_ =	shalt  }
0x82: {  	_ =	shalt  }
0x83: {  	_ =	shalt  }
0x84: {  	_ =	shalt  }
0x85: {  	_ =	shalt  }
0x86: {  	_ =	shalt  }
0x87: {  	_ =	shalt  }
.Lfunc_end0:
.L_simem_size_0:
called_computation_lowered:
.L_overlay_start_0:
0x88: {  	s2 =	sld [smem:$0x3FD9]  }
0x89: {  	s3 =	sld [smem:$0x3FFE];
	_ =	sdelay $0x1  }
0x8a: {  	s1 =	srdreg.scid  }
0x8b: {  	s0 =	sand.u32 $0x1, s1  }
0x8c: {  	s14 =	sshll.u32 s0, $0xA;
	s2 =	sadd.s32 s3, s2  }
0x8d: {  	s2 =	sadd.s32 s2, s14  }
0x8e: {  	[smem:$0x3FC6] =	sst s2  }
0x8f: {  	_ = 	snop  }
0x90: {  	s2 =	sld [smem:$0x3FD0];
	_ =	sdelay $0x1  }
0x91: {  	s15 =	sld [smem:$0x3FC9]  }
0x92: {  	s5 =	simm.s32 $0xA;
	s6 =	simm.s32 $0x10;
	s4 =	sld [smem:$0x3FC8]  }
0x93: {  	[smem:s6], [sflag:s5] =	dma.local [hbm:s2], $0x1  }
0x94: {  	_ =	swait.eq [sflag:s5], $0x1  }
0x95: {  	[sflag:s5] =	ssyncset.done $0x0  }
0x96: {  	s16 =	sld [smem:$0x10];
	[sflag:s5] =	ssyncadd.s32 $0xFFFFFFFF  }
0x97: {  	s17 =	sld [smem:$0x13];
	(tm) =	ssettm $0x1  }
0x98: {  	s18 =	sld [smem:$0x3FFB];
	_ =	sdelay $0x3  }
0x99: {  	_ =	strace s18  }
0x9a: {  	s6 =	sld [smem:$0x3FFC];
	_ =	sdelay $0x3  }
0x9b: {  	_ =	strace s6  }
0x9c: {  	s6 =	sld [smem:$0x3FFD];
	_ =	sdelay $0x3  }
0x9d: {  	_ =	strace s6  }
0x9e: {  	_ =	strace $0x8FFFFFFF  }
0x9f: {  	s19 =	sld [smem:$0x3FDB];
	_ =	sdelay $0x1  }
0xa0: {  	s7 =	simm.s32 $_scs_section_size  }
0xa1: {  	s8 =	simm.s32 $_size__tile_overlayer_lowered;
	s9 =	simm.s32 $_tile_overlayer_lowered  }
0xa2: {  	s22 =	simm.s32 $0x1BFF;
	s21 =	sshll.u32 s9, $0x1;
	s6 =	sadd.s32 s7, s19  }
0xa3: {  	s10 =	simm.s32 $0x0;
	s20 =	sshll.u32 s8, $0x1;
	s8 =	sadd.s32 s21, s6  }
0xa4: {  	[timem:s10], [sflag:s22] =	dma.local [hbm:s8], s20  }
0xa5: {  	_ =	swait.ge [sflag:s22], s20  }
0xa6: {  	s7 =	ssub.s32 $0x0, s20;
	[sflag:s22] =	ssyncset.done $0x0  }
0xa7: {  	[sflag:s22] =	ssyncadd.s32 s7;
	_ =	sdelay $0x1  }
0xa8: {  	s23 =	simm.s32 $0x1B8B  }
0xa9: {  	_ =	swait.ge [sflag:s23], $0x1  }
0xaa: {  	[sflag:s23] =	ssyncset.done $0x0  }
0xab: {  	s25 =	simm.s32 $0x1B8E;
	s24 =	sld [smem:$0x3FFE];
	[sflag:s23] =	ssyncadd.s32 $0xFFFFFFFF  }
0xac: {  	s26 =	simm.s32 $execute0_lowered;
	[smem:$0x3FD2] =	sst s25  }
0xad: {  	s8 =	sshll.u32 s26, $0x1;
	_ =	strace $0x80000046;
	[dreg:$0x1] =	wrdreg $0xFFFFFFFF  }
0xae: {  	s28 =	simm.s32 $_size_execute0_lowered;
	s6 =	sadd.s32 s6, s8;
	[dreg:$0x0] =	wrdreg $0x0  }
0xaf: {  	s8 =	sshll.u32 s28, $0x1;
	[dreg:$0x2] =	wrdreg s6  }
0xb0: {  	[dreg:$0x3] =	wrdreg s8  }
0xb1: {  	[dreg:$0x4] =	wrdreg $0xC0  }
0xb2: {  	_ =	task [dreg:s10], $0x5FFFF  }
0xb3: {  	[dreg:$0x1] =	wrdreg $0xFFFFFFFF  }
0xb4: {  	[dreg:$0x0] =	wrdreg $0x60  }
0xb5: {  	[dreg:$0x2] =	wrdreg s15  }
0xb6: {  	[dreg:$0x3] =	wrdreg s4  }
0xb7: {  	[dreg:$0x4] =	wrdreg s24  }
0xb8: {  	[dreg:$0x5] =	wrdreg s17  }
0xb9: {  	[dreg:$0x6] =	wrdreg s16  }
0xba: {  	[dreg:$0x7] =	wrdreg $0x9  }
0xbb: {  	_ =	task.clear_ibuf [dreg:s10], $0x8FFFF;
	_ =	strace $0x90000046  }
0xbc: {  	s29 =	simm.s32 $0x9;
	_ =	strace $0x8000004D  }
0xbd: {  	_ =	swait.ge [sflag:s29], $0x1  }
0xbe: {  	[sflag:s29] =	ssyncadd.s32 $0xFFFFFFFF  }
0xbf: {  	_ =	strace $0x9000004D  }
0xc0: {  	_ =	sfence  }
0xc1: {  	s30 =	sld [smem:$0x0];
	_ =	sdelay $0x2  }
0xc2: {  	s31 =	sshll.u32 s1, $0xD;
	s1 =	sshrl.u32 s1, $0x2  }
0xc3: {  	s3 =	sand.u32 $0x4000, s31;
	s1 =	sadd.s32 s1, s30  }
0xc4: {  	s0 =	sor.u32 s3, s0;
	s1 =	sshll.u32 s1, $0x11  }
0xc5: {  	s0 =	sor.u32 s1, s0  }
0xc6: {  	s0 =	sadd.s32 $0x8F2B, s0  }
0xc7: {  	[sflag:s0] =	ssyncadd.remote.s32 $0x1  }
0xc8: {  	_ =	sfence.sel $0xFFFF  }
0xc9: {  	[dreg:$0x0] =	wrdreg $0xFFFFFFFF;
	(pc) =	sbr.abs _section_cstart, $3  }
0xca: {  	[dreg:$0x1] =	wrdreg $0xFFFFFFFF  }
0xcb: {  	_ =	task.clear_ibuf [dreg:s10], $0x2FFFF;
	_ =	strace $0x9FFFFFFF  }
0xcc: {  	(tm) =	ssettm $0x7FFFFFFF  }
0xcd: {  	_ =	shalt  }
tec
execute0_lowered:
.L_overlay_start_1:
0x0: {  	(tag) =	ssettag $0x1  }
0x1: {  	s1 =	rddreg [dreg:$0x0]  }
0x2: {  	s0 =	rddreg [dreg:$0x1]  }
0x3: {  	s4 =	rddreg [dreg:$0x2]  }
0x4: {  	s2 =	rddreg [dreg:$0x3]  }
0x5: {  	s3 =	rddreg [dreg:$0x4];
	s5 =	simm.s32 $0x0;
	s6 =	srdreg.scid  }
0x6: {  	s13 =	stileid.u32;
	v0 =	vimm.s32 $0x8040201;
	v1 =	vimm.s32 $0x80402010;
	s15 =	simm.s32 $0x1;
	s16 =	simm.s32 $0xB300  }
0x7: {  	s17 =	simm.s32 $0x10;
	s18 =	simm.s32 $0xC300;
	s19 =	simm.s32 $0xA300;
	v2 =	vunpack.c.0.s8.s32 v0;
	v1 =	vunpack.c.0.s8.s32 v1  }
0x8: {  	vm0 =	vcmask $0xF00;
	vm8 =	vcmask $0x1F10;
	s20 =	simm.s32 $0x2;
	s23 =	simm.s32 $0x3;
	s24 =	simm.s32 $0x0  }
0x9: {  	vm9 =	vcmask $0x2320;
	[smem:$0x7FF] =	sst s5;
	s6 =	sand.u32 $0x1, s6;
	s7 =	sshll.u32 s13, $0x2;
	v2 =	vnsel vm0, $0x8000, v2;
	v3 =	vand.u32 $0xFF, v1  }
0xa: {  	vm10 =	vcmask $0x2724;
	vm11 =	vcmask $0x2B28;
	s26 =	sshll.u32 s13, $0xC;
	s4 =	sadd.s32 $0x1000, s4;
	s29 =	sshll.u32 s13, $0x6;
	v3 =	vsel vm8, v3, v2  }
0xb: {  	vm12 =	vcmask $0x2F2C;
	vm13 =	vcmask $0x3330;
	_ =	strace $0x80000047;
	s8 =	sshll.u32 s6, $0x1;
	s9 =	ssub.s32 $0x2, s6;
	v4 =	vsel vm9, $0x100, v3  }
0xc: {  	vm14 =	vcmask $0x3734;
	vm15 =	vcmask $0x3B38;
	s6 =	sor.u32 s8, s7;
	s28 =	sshrl.u32 s9, $0x1;
	s7 =	sand.u32 $0xE000, s26;
	v5 =	vsel vm10, $0x200, v4  }
0xd: {  	v9 =	vlaneseq.u32;
	v0 =	vimm.f32 $0.0e+00;
	s10 =	sshll.u32 s6, $0x4;
	s0 =	sadd.s32 s0, s7;
	s11 =	smul.u32 $0x1800, s6;
	v6 =	vsel vm11, $0x400, v5  }
0xe: {  	v1 =	vimm.s32 $0x0;
	s12 =	ssub.s32 s9, s28;
	s30 =	smul.u32 $0x300, s6;
	v2 =	vimm.s32 $0x2;
	s9 =	sand.u32 $0x380, s29;
	v7 =	vsel vm12, $0x800, v6  }
0xf: {  	s10 =	sand.u32 $0x60, s10;
	v3 =	vimm.s32 $0x4;
	s12 =	smax.u32 s12, $0x1;
	s11 =	sshrl.u32 s11, $0x3;
	v4 =	vimm.s32 $0x6;
	v8 =	vsel vm13, $0x1000, v7  }
0x10: {  	s7 =	sadd.s32 s10, s0;
	s31 =	sadd.s32 s4, s11;
	s4 =	sadd.s32 s4, s30;
	v5 =	vimm.s32 $0x8;
	v6 =	vimm.s32 $0xA;
	v10 =	vsel vm14, $0x2000, v8  }
0x11: {  	s8 =	sadd.s32 $0x10, s7;
	[dreg:$0x6] =	wrdreg s4;
	s11 =	sadd.s32 $0x300, s31;
	v7 =	vimm.s32 $0xC;
	v8 =	vimm.s32 $0xE;
	v10 =	vsel vm15, $0x4000, v10  }
.LBB2_1:
0x12: {  	[tilespmem:$0xD480] =	vst v0  }
0x13: {  	[tilespmem:$0xD300] =	vst v1  }
0x14: {  	[tilespmem:$0xD490] =	vst v0  }
0x15: {  	[tilespmem:$0xD310] =	vst v1  }
0x16: {  	[tilespmem:$0xD4A0] =	vst v0  }
0x17: {  	[tilespmem:$0xD320] =	vst v1  }
0x18: {  	[tilespmem:$0xD4B0] =	vst v0  }
0x19: {  	[tilespmem:$0xD330] =	vst v1  }
0x1a: {  	[tilespmem:$0xD4C0] =	vst v0  }
0x1b: {  	[tilespmem:$0xD340] =	vst v1  }
0x1c: {  	[tilespmem:$0xD4D0] =	vst v0  }
0x1d: {  	[tilespmem:$0xD350] =	vst v1  }
0x1e: {  	[tilespmem:$0xD4E0] =	vst v0  }
0x1f: {  	[tilespmem:$0xD360] =	vst v1  }
0x20: {  	[tilespmem:$0xD4F0] =	vst v0  }
0x21: {  	[tilespmem:$0xD370] =	vst v1  }
0x22: {  	[tilespmem:$0xD500] =	vst v0  }
0x23: {  	[tilespmem:$0xD380] =	vst v1  }
0x24: {  	[tilespmem:$0xD510] =	vst v0  }
0x25: {  	[tilespmem:$0xD390] =	vst v1  }
0x26: {  	[tilespmem:$0xD520] =	vst v0  }
0x27: {  	[tilespmem:$0xD3A0] =	vst v1  }
0x28: {  	[tilespmem:$0xD530] =	vst v0  }
0x29: {  	[tilespmem:$0xD3B0] =	vst v1  }
0x2a: {  	[tilespmem:$0xD540] =	vst v0  }
0x2b: {  	[tilespmem:$0xD3C0] =	vst v1  }
0x2c: {  	[tilespmem:$0xD550] =	vst v0  }
0x2d: {  	[tilespmem:$0xD3D0] =	vst v1  }
0x2e: {  	[tilespmem:$0xD560] =	vst v0  }
0x2f: {  	[tilespmem:$0xD3E0] =	vst v1  }
0x30: {  	[tilespmem:$0xD570] =	vst v0  }
0x31: {  	[tilespmem:$0xD3F0] =	vst v1;
	s0 =	simm.s32 $0x200;
	s4 =	simm.s32 $0x0  }
.LBB2_2:
0x32: {  	p0 =	sne.s32 s0, $0x3E00;
	[tilespmem:s4+$0xC300] =	vst v1;
	s13 =	smov.u32 s0;
	s0 =	sadd.s32 $0x200, s0  }
.Ltmp0:
0x33: {  	[tilespmem:s4+$0xA300] =	vst v1;
	(pc) =	sbr.rel @p0 .LBB2_2-.Ltmp0, $2  }
0x34: {  	[tilespmem:s4+$0xB300] =	vst v1;
	_ =	sdelay $0x2  }
0x35: {  	s4 =	sshra.s32 s13, $0x2  }
0x36: {  	[tilespmem:s4+$0xC300] =	vst v1  }
0x37: {  	[tilespmem:s4+$0xA300] =	vst v1;
	s28 =	simm.s32 $0x0  }
0x38: {  	[tilespmem:s4+$0xB300] =	vst v1;
	s0 =	simm.s32 $0x80;
	s31 =	simm.s32 $0x400;
	p1 =	por $0x1, $0x1  }
0x39: {  	[tilespmem:s28], [sflag:$0x1] =	stream.strided.gather [hbm4b:s7+s0], $0x2000, s31, s0, $0x38;
	[tilespmem:$0x10580] =	vst v63  }
.LBB2_4:
0x3a: {  	_ =	strace $0x80000048;
	p0 =	por p1, p1;
	s29 =	sor.u32 s6, s28  }
0x3b: {  	s0 =	simm.s32 @p1 $0x80;
	s4 =	simm.s32 @p1 $0x400;
	_ =	swait.ge [sflag:s15], $0x2000  }
0x3c: {  	s13 =	simm.s32 @p1 $0x2000;
	s26 =	sshll.u32 s28, $0xD;
	[sflag:s15] =	ssyncset.done $0x0  }
0x3d: {  	p2 =	por $0x1, $0x1;
	s30 =	simm.s32 $0x0;
	[sflag:s15] =	ssyncadd.s32 $0xFFFFE000  }
0x3e: {  	[tilespmem:s13], [sflag:$0x1] =	stream.strided.gather @p1 [hbm4b:s8+s0], $0x2000, s4, s0, $0x200038;
	[tilespmem:$0x10580] =	vst v63  }
0x3f: {  	s25 =	sshll.u32 s29, $0x4;
	s31 =	sand.u32 $0x3FFFE000, s26;
	_ =	strace $0x90000048  }
0x40: {  	s25 =	sand.u32 $0x70, s25;
	s0 =	sor.u32 $0x80, s31;
	_ =	strace $0x80000049  }
.LBB2_5:
0x41: {  	s4 =	sshll.u32 s30, $0xB  }
0x42: {  	s4 =	sand.u32 $0x3FFFF800, s4  }
0x43: {  	s10 =	sshll.u32 s30, $0xC;
	p1 =	por p2, p2;
	s13 =	sadd.s32 $0x4000, s4  }
0x44: {  	v11 =	vimm.f32 $0.0e+00;
	v17 =	vimm.f32 $0.0e+00;
	v18 =	vimm.f32 $0.0e+00;
	s14 =	sadd.s32 $0x5000, s4;
	s31 =	sadd.s32 $0x6000, s4;
	s21 =	sadd.s32 $0x7000, s4  }
0x45: {  	s22 =	sadd.s32 $0x8000, s4;
	v12 =	vmov s13;
	v13 =	vmov s14;
	s13 =	sadd.s32 $0x9000, s4;
	s14 =	sand.u32 $0x3FFFF000, s10;
	v14 =	vmov s31  }
0x46: {  	v15 =	vmov s21;
	v16 =	vmov s22;
	s4 =	simm.s32 $0x0;
	s31 =	sadd.s32 s14, s0;
	v19 =	vmov s13;
	s13 =	simm.s32 $0x0  }
.LBB2_6:
0x47: {  	v20 =	vld [tilespmem:s31+$0xFFFFFF80]  }
0x48: {  	v22 =	vld [tilespmem:s31+$0xFFFFFF90]  }
0x49: {  	v23 =	vld [tilespmem:s31+$0xFFFFFFA0]  }
0x4a: {  	v26 =	vld [tilespmem:s31+$0xFFFFFFB0]  }
0x4b: {  	v27 =	vld [tilespmem:s31+$0xFFFFFFC0]  }
0x4c: {  	v31 =	vld [tilespmem:s31+$0xFFFFFFD0]  }
0x4d: {  	v21 =	vld [tilespmem:s31+$0xFFFFFFE0]  }
0x4e: {  	v24 =	vld [tilespmem:s31+$0xFFFFFFF0]  }
0x4f: {  	v25 =	vld [tilespmem:s31+$0x0]  }
0x50: {  	v28 =	vld [tilespmem:s31+$0x10]  }
0x51: {  	v29 =	vld [tilespmem:s31+$0x20]  }
0x52: {  	v32 =	vld [tilespmem:s31+$0x30]  }
0x53: {  	v30 =	vld [tilespmem:s31+$0x40]  }
0x54: {  	v33 =	vld [tilespmem:s31+$0x50];
	v34 =	vadd.f32 $-5.000000000e-01, v20;
	v35 =	vadd.f32 $-5.000000000e-01, v22  }
0x55: {  	v38 =	vld [tilespmem:s31+$0x60];
	v36 =	vadd.f32 $-5.000000000e-01, v23;
	v37 =	vadd.f32 $-5.000000000e-01, v26  }
0x56: {  	v41 =	vld [tilespmem:s31+$0x70];
	v39 =	vadd.f32 $-5.000000000e-01, v27;
	v40 =	vadd.f32 $-5.000000000e-01, v31  }
0x57: {  	v42 =	vadd.f32 $-5.000000000e-01, v21;
	v43 =	vadd.f32 $-5.000000000e-01, v24  }
0x58: {  	v44 =	vadd.f32 $-5.000000000e-01, v25;
	v45 =	vadd.f32 $-5.000000000e-01, v28  }
0x59: {  	v46 =	vadd.f32 $-5.000000000e-01, v29;
	v47 =	vadd.f32 $-5.000000000e-01, v32  }
0x5a: {  	v48 =	vadd.f32 $-5.000000000e-01, v30;
	v49 =	vadd.f32 $-5.000000000e-01, v33  }
0x5b: {  	v50 =	vadd.f32 $-5.000000000e-01, v38;
	v51 =	vadd.f32 $-5.000000000e-01, v41  }
0x5c: {  	vm3 =	vgt.f32 v22, v20;
	v34 =	vand.u32 $0x7FFFFFFF, v34;
	v35 =	vand.u32 $0x7FFFFFFF, v35  }
0x5d: {  	v36 =	vand.u32 $0x7FFFFFFF, v36;
	v37 =	vand.u32 $0x7FFFFFFF, v37;
	v39 =	vand.u32 $0x7FFFFFFF, v39  }
0x5e: {  	v40 =	vand.u32 $0x7FFFFFFF, v40;
	v42 =	vand.u32 $0x7FFFFFFF, v42;
	v43 =	vand.u32 $0x7FFFFFFF, v43  }
0x5f: {  	v44 =	vand.u32 $0x7FFFFFFF, v44;
	v45 =	vand.u32 $0x7FFFFFFF, v45;
	v46 =	vand.u32 $0x7FFFFFFF, v46  }
0x60: {  	v47 =	vand.u32 $0x7FFFFFFF, v47;
	v48 =	vand.u32 $0x7FFFFFFF, v48;
	v49 =	vand.u32 $0x7FFFFFFF, v49  }
0x61: {  	v50 =	vand.u32 $0x7FFFFFFF, v50;
	v51 =	vand.u32 $0x7FFFFFFF, v51;
	vm0 =	vlt.f32 v35, v34  }
0x62: {  	vm5 =	vlt.f32 v37, v36;
	vm6 =	vlt.f32 v40, v39;
	vm7 =	vlt.f32 v43, v42  }
0x63: {  	vm8 =	vlt.f32 v45, v44;
	vm9 =	vlt.f32 v47, v46;
	vm10 =	vlt.f32 v49, v48  }
0x64: {  	vm11 =	vlt.f32 v51, v50;
	v34 =	vsel vm0, v35, v34;
	v54 =	vsel vm0, $0x1, v1  }
0x65: {  	v36 =	vsel vm5, v37, v36;
	v55 =	vsel vm5, $0x3, v2;
	v39 =	vsel vm6, v40, v39  }
0x66: {  	v56 =	vsel vm6, $0x5, v3;
	v42 =	vsel vm7, v43, v42;
	v57 =	vsel vm7, $0x7, v4  }
0x67: {  	v44 =	vsel vm8, v45, v44;
	v58 =	vsel vm8, $0x9, v5;
	v46 =	vsel vm9, v47, v46  }
0x68: {  	v59 =	vsel vm9, $0xB, v6;
	v48 =	vsel vm10, v49, v48;
	v60 =	vsel vm10, $0xD, v7  }
0x69: {  	v50 =	vsel vm11, v51, v50;
	v61 =	vsel vm11, $0xF, v8;
	vm5 =	vlt.f32 v22, v20  }
0x6a: {  	vm6 =	vlt.f32 v26, v23;
	vm7 =	vlt.f32 v31, v27;
	vm8 =	vlt.f32 v24, v21  }
0x6b: {  	vm9 =	vlt.f32 v28, v25;
	vm10 =	vlt.f32 v32, v29;
	vm11 =	vlt.f32 v33, v30  }
0x6c: {  	v47 =	vsel vm3, $0x1, v1;
	vm12 =	vlt.f32 v36, v34;
	vm13 =	vlt.f32 v42, v39  }
0x6d: {  	vm1 =	vlt.f32 v46, v44;
	vm2 =	vlt.f32 v50, v48;
	v40 =	vsel vm6, v26, v23  }
0x6e: {  	v43 =	vsel vm7, v31, v27;
	v34 =	vsel vm12, v36, v34;
	v35 =	vsel vm12, v55, v54  }
0x6f: {  	v62 =	vsel vm13, v42, v39;
	v63 =	vsel vm13, v57, v56;
	v46 =	vsel vm1, v46, v44  }
0x70: {  	v50 =	vsel vm2, v50, v48;
	v52 =	vsel vm1, v59, v58;
	v53 =	vsel vm2, v61, v60  }
0x71: {  	v55 =	vimm.s32 $0x0;
	v36 =	vsel vm5, v22, v20;
	v42 =	vsel vm6, $0x3, v2  }
0x72: {  	v56 =	vsel vm7, $0x5, v3;
	v57 =	vsel vm8, v24, v21;
	v58 =	vsel vm8, $0x7, v4  }
0x73: {  	v59 =	vsel vm9, v28, v25;
	v60 =	vsel vm9, $0x9, v5;
	v61 =	vsel vm10, v32, v29  }
0x74: {  	vm13 =	vlt.f32 v41, v38;
	vm6 =	vgt.f32 v26, v23;
	vm7 =	vgt.f32 v31, v27  }
0x75: {  	v20 =	vsel vm3, v22, v20;
	vm14 =	vlt.f32 v62, v34;
	vm15 =	vlt.f32 v50, v46  }
0x76: {  	vm12 =	vlt.f32 v40, v36;
	v34 =	vsel vm14, v62, v34;
	v54 =	vsel vm15, v50, v46  }
0x77: {  	v35 =	vsel vm14, v63, v35;
	v37 =	vsel vm15, v53, v52;
	v62 =	vsel vm10, $0xB, v6  }
0x78: {  	v63 =	vsel vm11, v33, v30;
	v52 =	vsel vm11, $0xD, v7;
	v36 =	vsel vm12, v40, v36  }
0x79: {  	vm14 =	vlt.f32 v57, v43;
	vm15 =	vlt.f32 v61, v59;
	vm10 =	vgt.f32 v41, v38  }
0x7a: {  	vm4 =	vlt.f32 v54, v34;
	v43 =	vsel vm14, v57, v43;
	v44 =	vsel vm14, v58, v56  }
0x7b: {  	v56 =	vsel vm15, v61, v59;
	v57 =	vsel vm15, v62, v60;
	v58 =	vimm.s32 $0x0  }
0x7c: {  	v59 =	vimm.s32 $0x0;
	v60 =	vsel vm6, v26, v23;
	v61 =	vsel vm7, v31, v27  }
0x7d: {  	v39 =	vsel vm4, $0xFFFFFFFF, v55;
	v34 =	vsel vm4, v54, v34;
	v54 =	vsel vm13, v41, v38  }
0x7e: {  	v55 =	vsel vm13, $0xF, v8;
	vm4 =	vlt.f32 v43, v36;
	vm11 =	vgt.f32 v60, v20  }
0x7f: {  	[tilespmem:$0x1FFD0] =	vst v39;
	v39 =	vsel vm5, $0x1, v1;
	vm8 =	vlt.f32 v54, v63;
	v36 =	vsel vm4, v43, v36  }
0x80: {  	v43 =	vsel vm6, $0xFFFFFFFF, v58;
	vm5 =	vgt.f32 v24, v21;
	vm6 =	vgt.f32 v28, v25  }
0x81: {  	v20 =	vsel vm11, v60, v20;
	v39 =	vsel vm12, v42, v39;
	v40 =	vsel vm8, v54, v63  }
0x82: {  	[tilespmem:$0x1FFE0] =	vst v43;
	v43 =	vsel vm7, $0xFFFFFFFF, v59;
	vm7 =	vgt.f32 v32, v29;
	v21 =	vsel vm5, v24, v21  }
0x83: {  	v62 =	vsel vm6, v28, v25;
	vm12 =	vgt.f32 v33, v30;
	vm9 =	vlt.f32 v40, v56  }
0x84: {  	v63 =	vsel vm7, v32, v29;
	v31 =	vsel vm12, v33, v30;
	v32 =	vsel vm10, v41, v38  }
0x85: {  	vm15 =	vgt.f32 v21, v61;
	vm13 =	vgt.f32 v63, v62;
	vm14 =	vgt.f32 v32, v31  }
0x86: {  	v21 =	vsel vm15, v21, v61;
	v33 =	vsel vm13, v63, v62;
	v38 =	vsel vm14, v32, v31  }
0x87: {  	v46 =	vld [tilespmem:$0x1FFD0];
	v40 =	vsel vm9, v40, v56;
	vm2 =	vgt.f32 v21, v20;
	vm1 =	vgt.f32 v38, v33  }
0x88: {  	[tilespmem:$0x1FFF0] =	vst v43;
	v48 =	vld [tilespmem:$0x1FFE0];
	vm0 =	vlt.f32 v40, v36;
	v20 =	vsel vm2, v21, v20;
	v41 =	vsel vm1, v38, v33  }
0x89: {  	(xrf0) =	vmin.scan.msk.f32 $0xffff, v34;
	v42 =	vsel vm8, v55, v52;
	v49 =	vld [tilespmem:$0x1FFF0];
	v43 =	vsel vm0, v40, v36;
	vm8 =	vgt.f32 v41, v20  }
0x8a: {  	v50 =	vsel vm5, $0x7, v4;
	v51 =	vsel vm6, $0x9, v5;
	(xrf0) =	vmin.scan.msk.f32 $0xffff, v43;
	v20 =	vsel vm8, v41, v20  }
0x8b: {  	s10 =	sshra.s32 s4, $0x2;
	v54 =	vsel vm10, $0xF, v8;
	v45 =	vsel vm4, v44, v39;
	v52 =	vsel vm7, $0xB, v6;
	(xrf0) =	vmax.scan.msk.f32 $0xffff, v20  }
0x8c: {  	[tilespmem:v12+s10+$0x0 ss:$0x1] =	vst.idx.msk $0xffff, v34;
	v53 =	vsel vm12, $0xD, v7;
	v22 =	vsel vm9, v42, v57;
	vm9 =	vnez.u8 v46  }
0x8d: {  	v57 =	vsel vm13, v52, v51;
	v58 =	vsel vm14, v54, v53;
	v21 =	vsel vm9, v37, v35  }
0x8e: {  	v22 =	vsel vm0, v22, v45;
	vm4 =	vnez.u8 v48;
	vm9 =	vnez.u8 v49;
	[tilespmem:v13+s10+$0x0 ss:$0x1] =	vst.idx.msk $0xffff, v21  }
0x8f: {  	p2 =	sne.s32 s4, $0x1E00;
	v56, _, _ =	vpop (xrf0);
	v60 =	vsel vm1, v58, v57;
	v25 =	vsel vm4, $0x3, v2;
	v26 =	vsel vm9, $0x5, v3;
	[tilespmem:v14+s10+$0x0 ss:$0x1] =	vst.idx.msk $0xffff, v43  }
.Ltmp1:
0x90: {  	v24 =	vsel vm11, v25, v47;
	v55 =	vsel vm15, v50, v26;
	[tilespmem:v15+s10+$0x0 ss:$0x1] =	vst.idx.msk $0xffff, v22;
	v59, _, _ =	vpop (xrf0);
	(pc) =	sbr.rel @p2 .LBB2_6-.Ltmp1, $4  }
0x91: {  	v62 =	vbroadcast v56, $0xF;
	v24 =	vsel vm2, v55, v24;
	[tilespmem:v16+s10+$0x0 ss:$0x1] =	vst.idx.msk $0xffff, v20;
	v20 =	vmov s13;
	v63, _, _ =	vpop (xrf0)  }
0x92: {  	v61 =	vsel vm8, v60, v24;
	v21 =	vbroadcast v59, $0xF;
	v24 =	vbroadcast v63, $0xF  }
0x93: {  	vm15 =	veq.s32 v20, v9;
	[tilespmem:v19+s10+$0x0 ss:$0x1] =	vst.idx.msk $0xffff, v61  }
0x94: {  	s31 =	sadd.s32 $0x100, s31;
	s4 =	sadd.s32 $0x200, s4;
	s13 =	sadd.s32 $0x1, s13;
	v18 =	vsel vm15, v62, v18;
	v17 =	vsel vm15, v21, v17;
	v11 =	vsel vm15, v24, v11  }
.Ltmp2:
0x95: {  	(pc) =	sbr.rel @p1 .LBB2_5-.Ltmp2, $4  }
0x96: {  	s4 =	sshll.u32 s30, $0x7  }
0x97: {  	[tilespmem:s4+$0xA000] =	vst v18  }
0x98: {  	[tilespmem:s4+$0xA100] =	vst v17  }
0x99: {  	s30 =	simm.s32 $0x1;
	p2 =	por $0x0, $0x0;
	[tilespmem:s4+$0xA200] =	vst v11  }
0x9a: {  	_ =	strace $0x90000049  }
0x9b: {  	_ =	strace $0x8000004A  }
0x9c: {  	v11 =	vld [tilespmem:$0xA100]  }
0x9d: {  	v12 =	vld [tilespmem:$0xA180];
	_ =	sdelay $0x4  }
0x9e: {  	vm0 =	vlt.f32 v12, v11  }
0x9f: {  	v13 =	vsel vm0, v12, v11  }
0xa0: {  	(xrf0) =	vmin.scan.msk.f32 $0xffff, v13;
	_ =	sdelay $0x5  }
0xa1: {  	v11, _, _ =	vpop (xrf0)  }
0xa2: {  	v14 =	vbroadcast v11, $0xF  }
0xa3: {  	v12 =	vor.u32 $0x80000010, v9;
	v11 =	vor.u32 $0x80000000, v9  }
0xa4: {  	vm1 =	veq.f32 v13, v14;
	v13 =	vsel vm0, v12, v11  }
0xa5: {  	v13 =	vnsel vm1, $0xC0000000, v13  }
0xa6: {  	(xrf0) =	vmin.scan.msk.u32 $0xffff, v13;
	_ =	sdelay $0x5  }
0xa7: {  	v13, _, _ =	vpop (xrf0)  }
0xa8: {  	(v2sf) =	vpush v13, $0xF;
	_ =	sdelay $0xe  }
0xa9: {  	s0 =	spop (v2sf)  }
0xaa: {  	s4 =	sshll.u32 s0, $0x7  }
0xab: {  	v15 =	vld [tilespmem:s4+$0x7000];
	_ =	sdelay $0x1  }
0xac: {  	v16 =	vld [tilespmem:s4+$0x6000];
	_ =	sdelay $0x2  }
0xad: {  	s10 =	sshll.u32 s0, $0x8;
	v13 =	vshll.u32 v15, $0x4  }
0xae: {  	v13 =	vadd.s32 s10, v13  }
0xaf: {  	vm11 =	veq.f32 v16, v14;
	v13 =	vxor.u32 v11, v13  }
0xb0: {  	v13 =	vnsel vm11, $0xC0000000, v13  }
0xb1: {  	(xrf0) =	vmin.scan.msk.u32 $0xffff, v13;
	_ =	sdelay $0x5  }
0xb2: {  	v13, _, _ =	vpop (xrf0)  }
0xb3: {  	(v2sf) =	vpush v13, $0xF;
	_ =	sdelay $0xc  }
0xb4: {  	v17 =	vld [tilespmem:s4+$0xB300];
	_ =	sdelay $0x1  }
0xb5: {  	s13 =	spop (v2sf)  }
0xb6: {  	s14 =	sand.u32 $0xF, s13  }
0xb7: {  	v13 =	vmov s14  }
0xb8: {  	vm12 =	veq.s32 v13, v9;
	v13 =	vxor.u32 $0x80000000, v17  }
0xb9: {  	v13 =	vnsel vm12, $0x80000000, v13  }
0xba: {  	(xrf0) =	vmax.scan.msk.u32 $0xffff, v13;
	_ =	sdelay $0x5  }
0xbb: {  	v13, _, _ =	vpop (xrf0)  }
0xbc: {  	(v2sf) =	vpush v13, $0xF;
	_ =	sdelay $0x8  }
0xbd: {  	v13 =	vmul.u32 $0x10, v9;
	_ =	sdelay $0x1  }
0xbe: {  	v13 =	vor.u32 s26, v13  }
0xbf: {  	v18 =	vand.u32 $0x7, v9;
	v14 =	vadd.s32 s10, v13  }
0xc0: {  	s30 =	sshrl.u32 s13, $0x4;
	v19 =	vand.u32 $0xFFFFFF80, v14;
	v14 =	vmul.u32 $0x10, v18  }
0xc1: {  	s10 =	sand.u32 $0xF, s30;
	v18 =	vor.u32 s14, v19  }
0xc2: {  	s10 =	sshll.u32 s15, s10;
	v18 =	vor.u32 v14, v18;
	s31 =	spop (v2sf)  }
0xc3: {  	s10 =	sor.u32 s10, s31  }
0xc4: {  	s10 =	sxor.u32 $0x80000000, s10  }
0xc5: {  	v17 =	vsel vm12, s10, v17  }
0xc6: {  	[tilespmem:s4+$0xB300] =	vst v17  }
0xc7: {  	v17 =	vld.idx.msk [tilespmem:v18+s5+$0x0], $0xffff;
	_ =	sdelay $0x2  }
0xc8: {  	v18 =	vand.u32 s10, v10  }
0xc9: {  	vm13 =	veq.s32 v18, $0x0  }
0xca: {  	v17 =	vnsel vm13, $0x7F800000, v17  }
0xcb: {  	(xrf0) =	vmin.scan.msk.f32 $0xffff, v17;
	_ =	sdelay $0x5  }
0xcc: {  	v18, _, _ =	vpop (xrf0)  }
0xcd: {  	v18 =	vbroadcast v18, $0xF;
	_ =	sdelay $0x1  }
0xce: {  	vm1 =	veq.f32 v17, v18;
	v16 =	vsel vm12, v18, v16  }
0xcf: {  	v17 =	vnsel vm1, $0x80000010, v11;
	(xrf0) =	vmin.scan.msk.f32 $0xffff, v16  }
0xd0: {  	(xrf0) =	vmin.scan.msk.u32 $0xffff, v17;
	_ =	sdelay $0x4  }
0xd1: {  	v17, _, _ =	vpop (xrf0)  }
0xd2: {  	v18, _, _ =	vpop (xrf0)  }
0xd3: {  	(v2sf) =	vpush v18, $0xF;
	_ =	sdelay $0xe  }
0xd4: {  	s21 =	spop (v2sf)  }
0xd5: {  	s10 =	sxor.u32 $0x80000000, s21  }
0xd6: {  	s22 =	sshll.u32 s0, $0x3;
	[tilespmem:s4+$0x6000] =	vst v16;
	v15 =	vsel vm12, s10, v15  }
0xd7: {  	[tilespmem:s4+$0x7000] =	vst v15;
	s4 =	sand.u32 $0xFFFFFF80, s22  }
0xd8: {  	v18 =	vld [tilespmem:s4+$0xA100];
	_ =	sdelay $0x1  }
0xd9: {  	s0 =	sand.u32 $0xF, s0;
	s30 =	simm.s32 $0x0  }
0xda: {  	v16 =	vmov s30;
	v17 =	vbroadcast v17, $0xF;
	v15 =	vmov s0  }
0xdb: {  	v19 =	vimm.s32 $0x0;
	s31 =	sxor.u32 $0x80000000, s13;
	vm14 =	veq.s32 v16, v9;
	vm15 =	veq.s32 v15, v9  }
0xdc: {  	v16 =	vsel vm14, s31, v19;
	s0 =	simm.s32 $0x1;
	v15 =	vmov s26;
	v17 =	vsel vm15, v17, v18  }
.LBB2_9:
0xdd: {  	p1 =	sne.s32 s0, $0x4;
	[tilespmem:s4+$0xA100] =	vst v17;
	s26 =	smov.u32 s0;
	s0 =	sadd.s32 $0x1, s0  }
0xde: {  	v17 =	vld [tilespmem:$0xA100]  }
0xdf: {  	v18 =	vld [tilespmem:$0xA180];
	_ =	sdelay $0x4  }
0xe0: {  	vm0 =	vlt.f32 v18, v17  }
0xe1: {  	v17 =	vsel vm0, v18, v17  }
0xe2: {  	(xrf0) =	vmin.scan.msk.f32 $0xffff, v17;
	_ =	sdelay $0x5  }
0xe3: {  	v18, _, _ =	vpop (xrf0)  }
0xe4: {  	v19 =	vbroadcast v18, $0xF;
	_ =	sdelay $0x1  }
0xe5: {  	vm1 =	veq.f32 v17, v19;
	v17 =	vsel vm0, v12, v11  }
0xe6: {  	v17 =	vnsel vm1, $0xC0000000, v17  }
0xe7: {  	(xrf0) =	vmin.scan.msk.u32 $0xffff, v17;
	_ =	sdelay $0x5  }
0xe8: {  	v17, _, _ =	vpop (xrf0)  }
0xe9: {  	(v2sf) =	vpush v17, $0xF;
	_ =	sdelay $0xe  }
0xea: {  	s10 =	spop (v2sf)  }
0xeb: {  	s4 =	sshll.u32 s10, $0x7;
	s14 =	sand.u32 $0xF, s10;
	s13 =	sshll.u32 s10, $0x3  }
0xec: {  	v18 =	vld [tilespmem:s4+$0x7000];
	v17 =	vmov s14;
	_ =	sdelay $0x1  }
0xed: {  	v20 =	vld [tilespmem:s4+$0x6000];
	_ =	sdelay $0x2  }
0xee: {  	s10 =	sshll.u32 s10, $0x8;
	v21 =	vshll.u32 v18, $0x4  }
0xef: {  	v22 =	vadd.s32 s10, v13;
	v21 =	vadd.s32 s10, v21  }
0xf0: {  	vm0 =	veq.f32 v20, v19;
	v19 =	vxor.u32 v11, v21  }
0xf1: {  	v19 =	vnsel vm0, $0xC0000000, v19  }
0xf2: {  	(xrf0) =	vmin.scan.msk.u32 $0xffff, v19;
	_ =	sdelay $0x5  }
0xf3: {  	v19, _, _ =	vpop (xrf0)  }
0xf4: {  	(v2sf) =	vpush v19, $0xF;
	_ =	sdelay $0xc  }
0xf5: {  	v19 =	vld [tilespmem:s4+$0xB300];
	_ =	sdelay $0x1  }
0xf6: {  	v21 =	vmov s26;
	s10 =	spop (v2sf)  }
0xf7: {  	vm0 =	veq.s32 v21, v9;
	v21 =	vand.u32 $0xFFFFFF80, v22;
	s14 =	sxor.u32 $0x80000000, s10;
	s21 =	sand.u32 $0xF, s10;
	s10 =	sshrl.u32 s10, $0x4  }
0xf8: {  	v16 =	vsel vm0, s14, v16;
	s10 =	sand.u32 $0xF, s10;
	v22 =	vmov s21;
	v21 =	vor.u32 s21, v21  }
0xf9: {  	vm0 =	veq.s32 v22, v9;
	v22 =	vxor.u32 $0x80000000, v19  }
0xfa: {  	v22 =	vnsel vm0, $0x80000000, v22  }
0xfb: {  	(xrf0) =	vmax.scan.msk.u32 $0xffff, v22;
	_ =	sdelay $0x5  }
0xfc: {  	v22, _, _ =	vpop (xrf0)  }
0xfd: {  	(v2sf) =	vpush v22, $0xF;
	_ =	sdelay $0xe  }
0xfe: {  	s10 =	sshll.u32 s15, s10;
	v21 =	vor.u32 v14, v21;
	s14 =	spop (v2sf)  }
0xff: {  	s10 =	sor.u32 s10, s14  }
0x100: {  	s10 =	sxor.u32 $0x80000000, s10  }
0x101: {  	v19 =	vsel vm0, s10, v19;
	v22 =	vand.u32 s10, v10  }
0x102: {  	[tilespmem:s4+$0xB300] =	vst v19  }
0x103: {  	v19 =	vld.idx.msk [tilespmem:v21+s5+$0x0], $0xffff;
	_ =	sdelay $0x4  }
0x104: {  	vm1 =	veq.s32 v22, $0x0  }
0x105: {  	v19 =	vnsel vm1, $0x7F800000, v19  }
0x106: {  	(xrf0) =	vmin.scan.msk.f32 $0xffff, v19;
	_ =	sdelay $0x5  }
0x107: {  	v21, _, _ =	vpop (xrf0)  }
0x108: {  	v21 =	vbroadcast v21, $0xF;
	_ =	sdelay $0x1  }
0x109: {  	vm1 =	veq.f32 v19, v21;
	v19 =	vsel vm0, v21, v20  }
0x10a: {  	v20 =	vnsel vm1, $0x80000010, v11;
	[tilespmem:s4+$0x6000] =	vst v19;
	(xrf0) =	vmin.scan.msk.f32 $0xffff, v19  }
0x10b: {  	(xrf0) =	vmin.scan.msk.u32 $0xffff, v20;
	_ =	sdelay $0x4  }
0x10c: {  	v19, _, _ =	vpop (xrf0)  }
0x10d: {  	v20, _, _ =	vpop (xrf0)  }
0x10e: {  	(v2sf) =	vpush v20, $0xF;
	_ =	sdelay $0xe  }
0x10f: {  	s10 =	spop (v2sf)  }
0x110: {  	s10 =	sxor.u32 $0x80000000, s10  }
0x111: {  	v18 =	vsel vm0, s10, v18  }
0x112: {  	[tilespmem:s4+$0x7000] =	vst v18;
	s4 =	sand.u32 $0xFFFFFF80, s13  }
0x113: {  	v18 =	vld [tilespmem:s4+$0xA100]  }
.Ltmp3:
0x114: {  	(pc) =	sbr.rel @p1 .LBB2_9-.Ltmp3, $4  }
0x115: {  	_ = 	snop  }
0x116: {  	v19 =	vbroadcast v19, $0xF  }
0x117: {  	vm0 =	veq.s32 v17, v9  }
0x118: {  	v17 =	vsel vm0, v19, v18  }
0x119: {  	v18 =	vshrl.u32 v16, $0x1  }
0x11a: {  	v19 =	vand.u32 $0xF, v16;
	v18 =	vand.u32 $0x7FFFFF80, v18  }
0x11b: {  	v18 =	vor.u32 v19, v18;
	_ =	sdelay $0x1  }
0x11c: {  	v19 =	vadd.s32 v15, v16;
	_ =	sdelay $0x1  }
0x11d: {  	[tilespmem:s4+$0xA100] =	vst v17;
	v17 =	vimm.s32 $0x0  }
0x11e: {  	s26 =	sshll.u32 s28, $0x7;
	[tilespmem:v18+s16+$0x0] =	vst.idx.msk $0xffff, v17  }
0x11f: {  	s4 =	simm.s32 $0x0;
	[tilespmem:s26+$0xD300] =	vst v16  }
0x120: {  	v18 =	vld.idx.msk [tilespmem:v19+s4+$0x0], $0xffff;
	_ =	sdelay $0x2  }
0x121: {  	s10 =	smul.u32 $0x6000, s28  }
0x122: {  	s28 =	smul.u32 $0x30, s28;
	s0 =	sshll.u32 s29, $0xD  }
0x123: {  	s10 =	sshra.s32 s10, $0x2;
	v16 =	vadd.s32 s0, v16;
	[tilespmem:s26+$0xD480] =	vst v18  }
0x124: {  	s13 =	sadd.s32 $0xD400, s28;
	s10 =	sadd.s32 $0xD580, s10;
	[tilespmem:s28+$0xD400] =	vst v16  }
0x125: {  	[tilespmem:s10], [sflag:$0x2] =	stream.indirect.gather [hbm4b:s1+s17], $0x80, s13, s17, $0x2000b8;
	[tilespmem:$0x10580] =	vst v63  }
0x126: {  	v16 =	vld [tilespmem:$0xA200]  }
0x127: {  	v18 =	vld [tilespmem:$0xA280];
	_ =	sdelay $0x4  }
0x128: {  	vm0 =	vgt.f32 v18, v16  }
0x129: {  	v16 =	vsel vm0, v18, v16  }
0x12a: {  	(xrf0) =	vmax.scan.msk.f32 $0xffff, v16;
	_ =	sdelay $0x5  }
0x12b: {  	v18, _, _ =	vpop (xrf0)  }
0x12c: {  	v18 =	vbroadcast v18, $0xF;
	_ =	sdelay $0x1  }
0x12d: {  	vm1 =	veq.f32 v16, v18;
	v16 =	vsel vm0, v12, v11  }
0x12e: {  	v16 =	vnsel vm1, $0xC0000000, v16  }
0x12f: {  	(xrf0) =	vmin.scan.msk.u32 $0xffff, v16;
	_ =	sdelay $0x5  }
0x130: {  	v16, _, _ =	vpop (xrf0)  }
0x131: {  	(v2sf) =	vpush v16, $0xF;
	_ =	sdelay $0xe  }
0x132: {  	s10 =	spop (v2sf)  }
0x133: {  	s13 =	sshll.u32 s10, $0x7  }
0x134: {  	v16 =	vld [tilespmem:s13+$0x9000];
	_ =	sdelay $0x1  }
0x135: {  	v19 =	vld [tilespmem:s13+$0x8000];
	_ =	sdelay $0x2  }
0x136: {  	s14 =	sshll.u32 s10, $0x8;
	v20 =	vshll.u32 v16, $0x4  }
0x137: {  	v20 =	vadd.s32 s14, v20  }
0x138: {  	vm11 =	veq.f32 v19, v18;
	v18 =	vxor.u32 v11, v20  }
0x139: {  	v18 =	vnsel vm11, $0xC0000000, v18  }
0x13a: {  	(xrf0) =	vmin.scan.msk.u32 $0xffff, v18;
	_ =	sdelay $0x5  }
0x13b: {  	v18, _, _ =	vpop (xrf0)  }
0x13c: {  	(v2sf) =	vpush v18, $0xF;
	_ =	sdelay $0xc  }
0x13d: {  	v18 =	vld [tilespmem:s13+$0xC300];
	_ =	sdelay $0x1  }
0x13e: {  	s21 =	spop (v2sf)  }
0x13f: {  	s22 =	sand.u32 $0xF, s21  }
0x140: {  	v20 =	vmov s22  }
0x141: {  	vm12 =	veq.s32 v20, v9;
	v20 =	vxor.u32 $0x80000000, v18  }
0x142: {  	v20 =	vnsel vm12, $0x80000000, v20  }
0x143: {  	(xrf0) =	vmax.scan.msk.u32 $0xffff, v20;
	_ =	sdelay $0x5  }
0x144: {  	v20, _, _ =	vpop (xrf0)  }
0x145: {  	(v2sf) =	vpush v20, $0xF;
	_ =	sdelay $0xb  }
0x146: {  	v20 =	vadd.s32 s14, v13  }
0x147: {  	s31 =	sshrl.u32 s21, $0x4;
	v20 =	vand.u32 $0xFFFFFF80, v20  }
0x148: {  	s14 =	sand.u32 $0xF, s31;
	v20 =	vor.u32 s22, v20  }
0x149: {  	s14 =	sshll.u32 s15, s14;
	v20 =	vor.u32 v14, v20;
	s31 =	spop (v2sf)  }
0x14a: {  	s14 =	sor.u32 s14, s31  }
0x14b: {  	s14 =	sxor.u32 $0x80000000, s14  }
0x14c: {  	v18 =	vsel vm12, s14, v18  }
0x14d: {  	[tilespmem:s13+$0xC300] =	vst v18  }
0x14e: {  	v18 =	vld.idx.msk [tilespmem:v20+s5+$0x0], $0xffff;
	_ =	sdelay $0x2  }
0x14f: {  	v20 =	vand.u32 s14, v10  }
0x150: {  	vm13 =	veq.s32 v20, $0x0  }
0x151: {  	v18 =	vnsel vm13, $0xFF800000, v18  }
0x152: {  	(xrf0) =	vmax.scan.msk.f32 $0xffff, v18;
	_ =	sdelay $0x5  }
0x153: {  	v20, _, _ =	vpop (xrf0)  }
0x154: {  	v20 =	vbroadcast v20, $0xF;
	_ =	sdelay $0x1  }
0x155: {  	vm1 =	veq.f32 v18, v20;
	v18 =	vsel vm12, v20, v19  }
0x156: {  	v19 =	vnsel vm1, $0x80000010, v11;
	(xrf0) =	vmax.scan.msk.f32 $0xffff, v18  }
0x157: {  	(xrf0) =	vmin.scan.msk.u32 $0xffff, v19;
	_ =	sdelay $0x4  }
0x158: {  	v19, _, _ =	vpop (xrf0)  }
0x159: {  	v20, _, _ =	vpop (xrf0)  }
0x15a: {  	(v2sf) =	vpush v20, $0xF;
	_ =	sdelay $0xe  }
0x15b: {  	s22 =	spop (v2sf)  }
0x15c: {  	s14 =	sxor.u32 $0x80000000, s22  }
0x15d: {  	s31 =	sshll.u32 s10, $0x3;
	[tilespmem:s13+$0x8000] =	vst v18;
	v16 =	vsel vm12, s14, v16  }
0x15e: {  	[tilespmem:s13+$0x9000] =	vst v16;
	s13 =	sand.u32 $0xFFFFFF80, s31  }
0x15f: {  	v18 =	vld [tilespmem:s13+$0xA200];
	_ =	sdelay $0x1  }
0x160: {  	s10 =	sand.u32 $0xF, s10  }
0x161: {  	v19 =	vbroadcast v19, $0xF;
	v20 =	vmov s4;
	v16 =	vmov s10  }
0x162: {  	vm14 =	veq.s32 v20, v9;
	s31 =	sxor.u32 $0x80000000, s21;
	vm15 =	veq.s32 v16, v9  }
0x163: {  	s29 =	sadd.s32 $0xD300, s26;
	s30 =	sadd.s32 $0xD480, s26;
	v16 =	vmov s0;
	s0 =	simm.s32 $0x1;
	v17 =	vsel vm14, s31, v17;
	v18 =	vsel vm15, v19, v18  }
.LBB2_11:
0x164: {  	p1 =	sne.s32 s0, $0x4;
	[tilespmem:s13+$0xA200] =	vst v18;
	s31 =	smov.u32 s0;
	s0 =	sadd.s32 $0x1, s0  }
0x165: {  	v18 =	vld [tilespmem:$0xA200]  }
0x166: {  	v19 =	vld [tilespmem:$0xA280];
	_ =	sdelay $0x4  }
0x167: {  	vm0 =	vgt.f32 v19, v18  }
0x168: {  	v18 =	vsel vm0, v19, v18  }
0x169: {  	(xrf0) =	vmax.scan.msk.f32 $0xffff, v18;
	_ =	sdelay $0x5  }
0x16a: {  	v19, _, _ =	vpop (xrf0)  }
0x16b: {  	v20 =	vbroadcast v19, $0xF;
	_ =	sdelay $0x1  }
0x16c: {  	vm1 =	veq.f32 v18, v20;
	v18 =	vsel vm0, v12, v11  }
0x16d: {  	v18 =	vnsel vm1, $0xC0000000, v18  }
0x16e: {  	(xrf0) =	vmin.scan.msk.u32 $0xffff, v18;
	_ =	sdelay $0x5  }
0x16f: {  	v18, _, _ =	vpop (xrf0)  }
0x170: {  	(v2sf) =	vpush v18, $0xF;
	_ =	sdelay $0xe  }
0x171: {  	s10 =	spop (v2sf)  }
0x172: {  	s4 =	sshll.u32 s10, $0x7;
	s14 =	sand.u32 $0xF, s10;
	s13 =	sshll.u32 s10, $0x3  }
0x173: {  	v19 =	vld [tilespmem:s4+$0x9000];
	v18 =	vmov s14;
	_ =	sdelay $0x1  }
0x174: {  	v21 =	vld [tilespmem:s4+$0x8000];
	_ =	sdelay $0x2  }
0x175: {  	s10 =	sshll.u32 s10, $0x8;
	v22 =	vshll.u32 v19, $0x4  }
0x176: {  	v23 =	vadd.s32 s10, v13;
	v22 =	vadd.s32 s10, v22  }
0x177: {  	vm0 =	veq.f32 v21, v20;
	v20 =	vxor.u32 v11, v22  }
0x178: {  	v20 =	vnsel vm0, $0xC0000000, v20  }
0x179: {  	(xrf0) =	vmin.scan.msk.u32 $0xffff, v20;
	_ =	sdelay $0x5  }
0x17a: {  	v20, _, _ =	vpop (xrf0)  }
0x17b: {  	(v2sf) =	vpush v20, $0xF;
	_ =	sdelay $0xc  }
0x17c: {  	v20 =	vld [tilespmem:s4+$0xC300];
	_ =	sdelay $0x1  }
0x17d: {  	v22 =	vmov s31;
	s10 =	spop (v2sf)  }
0x17e: {  	vm0 =	veq.s32 v22, v9;
	v22 =	vand.u32 $0xFFFFFF80, v23;
	s14 =	sxor.u32 $0x80000000, s10;
	s21 =	sand.u32 $0xF, s10;
	s10 =	sshrl.u32 s10, $0x4  }
0x17f: {  	v17 =	vsel vm0, s14, v17;
	s10 =	sand.u32 $0xF, s10;
	v23 =	vmov s21;
	v22 =	vor.u32 s21, v22  }
0x180: {  	vm0 =	veq.s32 v23, v9;
	v23 =	vxor.u32 $0x80000000, v20  }
0x181: {  	v23 =	vnsel vm0, $0x80000000, v23  }
0x182: {  	(xrf0) =	vmax.scan.msk.u32 $0xffff, v23;
	_ =	sdelay $0x5  }
0x183: {  	v23, _, _ =	vpop (xrf0)  }
0x184: {  	(v2sf) =	vpush v23, $0xF;
	_ =	sdelay $0xe  }
0x185: {  	s10 =	sshll.u32 s15, s10;
	v22 =	vor.u32 v14, v22;
	s14 =	spop (v2sf)  }
0x186: {  	s10 =	sor.u32 s10, s14  }
0x187: {  	s10 =	sxor.u32 $0x80000000, s10  }
0x188: {  	v20 =	vsel vm0, s10, v20;
	v23 =	vand.u32 s10, v10  }
0x189: {  	[tilespmem:s4+$0xC300] =	vst v20  }
0x18a: {  	v20 =	vld.idx.msk [tilespmem:v22+s5+$0x0], $0xffff;
	_ =	sdelay $0x4  }
0x18b: {  	vm1 =	veq.s32 v23, $0x0  }
0x18c: {  	v20 =	vnsel vm1, $0xFF800000, v20  }
0x18d: {  	(xrf0) =	vmax.scan.msk.f32 $0xffff, v20;
	_ =	sdelay $0x5  }
0x18e: {  	v22, _, _ =	vpop (xrf0)  }
0x18f: {  	v22 =	vbroadcast v22, $0xF;
	_ =	sdelay $0x1  }
0x190: {  	vm1 =	veq.f32 v20, v22;
	v20 =	vsel vm0, v22, v21  }
0x191: {  	v21 =	vnsel vm1, $0x80000010, v11;
	[tilespmem:s4+$0x8000] =	vst v20;
	(xrf0) =	vmax.scan.msk.f32 $0xffff, v20  }
0x192: {  	(xrf0) =	vmin.scan.msk.u32 $0xffff, v21;
	_ =	sdelay $0x4  }
0x193: {  	v20, _, _ =	vpop (xrf0)  }
0x194: {  	v21, _, _ =	vpop (xrf0)  }
0x195: {  	(v2sf) =	vpush v21, $0xF;
	_ =	sdelay $0xe  }
0x196: {  	s10 =	spop (v2sf)  }
0x197: {  	s10 =	sxor.u32 $0x80000000, s10  }
0x198: {  	v19 =	vsel vm0, s10, v19  }
0x199: {  	s13 =	sand.u32 $0xFFFFFF80, s13;
	[tilespmem:s4+$0x9000] =	vst v19  }
0x19a: {  	v19 =	vld [tilespmem:s13+$0xA200]  }
.Ltmp4:
0x19b: {  	(pc) =	sbr.rel @p1 .LBB2_11-.Ltmp4, $4  }
0x19c: {  	_ = 	snop  }
0x19d: {  	v20 =	vbroadcast v20, $0xF  }
0x19e: {  	vm0 =	veq.s32 v18, v9  }
0x19f: {  	v18 =	vsel vm0, v20, v19  }
0x1a0: {  	v19 =	vshrl.u32 v17, $0x1  }
0x1a1: {  	v20 =	vand.u32 $0xF, v17;
	v19 =	vand.u32 $0x7FFFFF80, v19  }
0x1a2: {  	v19 =	vor.u32 v20, v19;
	_ =	sdelay $0x1  }
0x1a3: {  	v20 =	vadd.s32 v15, v17;
	_ =	sdelay $0x1  }
0x1a4: {  	[tilespmem:s13+$0xA200] =	vst v18;
	v18 =	vimm.s32 $0x0  }
0x1a5: {  	[tilespmem:v19+s18+$0x0] =	vst.idx.msk $0xffff, v18  }
0x1a6: {  	s0 =	simm.s32 $0x0;
	[tilespmem:s26+$0xD310] =	vst v17  }
0x1a7: {  	v19 =	vld.idx.msk [tilespmem:v20+s0+$0x0], $0xffff;
	_ =	sdelay $0x2  }
0x1a8: {  	s31 =	sshll.u32 s28, $0x7  }
0x1a9: {  	s4 =	sadd.s32 $0x800, s31  }
0x1aa: {  	s4 =	sand.u32 $0x3FFFFF80, s4;
	v17 =	vadd.s32 v16, v17;
	[tilespmem:s26+$0xD490] =	vst v19  }
0x1ab: {  	s10 =	sadd.s32 $0xD410, s28;
	s4 =	sadd.s32 $0xD580, s4;
	[tilespmem:s28+$0xD410] =	vst v17  }
0x1ac: {  	[tilespmem:s4], [sflag:$0x2] =	stream.indirect.gather [hbm4b:s1+s17], $0x80, s10, s17, $0x2000b8;
	[tilespmem:$0x10580] =	vst v63  }
0x1ad: {  	v17 =	vld [tilespmem:$0xA000]  }
0x1ae: {  	v19 =	vld [tilespmem:$0xA080];
	_ =	sdelay $0x4  }
0x1af: {  	vm0 =	vlt.f32 v19, v17  }
0x1b0: {  	v17 =	vsel vm0, v19, v17  }
0x1b1: {  	(xrf0) =	vmin.scan.msk.f32 $0xffff, v17;
	_ =	sdelay $0x5  }
0x1b2: {  	v19, _, _ =	vpop (xrf0)  }
0x1b3: {  	v19 =	vbroadcast v19, $0xF;
	_ =	sdelay $0x1  }
0x1b4: {  	vm1 =	veq.f32 v17, v19;
	v17 =	vsel vm0, v12, v11  }
0x1b5: {  	v17 =	vnsel vm1, $0xC0000000, v17  }
0x1b6: {  	(xrf0) =	vmin.scan.msk.u32 $0xffff, v17;
	_ =	sdelay $0x5  }
0x1b7: {  	v17, _, _ =	vpop (xrf0)  }
0x1b8: {  	(v2sf) =	vpush v17, $0xF;
	_ =	sdelay $0xe  }
0x1b9: {  	s10 =	spop (v2sf)  }
0x1ba: {  	s4 =	sshll.u32 s10, $0x7  }
0x1bb: {  	v17 =	vld [tilespmem:s4+$0x5000];
	_ =	sdelay $0x1  }
0x1bc: {  	v20 =	vld [tilespmem:s4+$0x4000];
	_ =	sdelay $0x2  }
0x1bd: {  	s22 =	sshll.u32 s10, $0x8;
	v21 =	vshll.u32 v17, $0x4  }
0x1be: {  	v21 =	vadd.s32 s22, v21  }
0x1bf: {  	vm11 =	veq.f32 v20, v19;
	v19 =	vxor.u32 v11, v21  }
0x1c0: {  	v19 =	vnsel vm11, $0xC0000000, v19  }
0x1c1: {  	(xrf0) =	vmin.scan.msk.u32 $0xffff, v19;
	_ =	sdelay $0x5  }
0x1c2: {  	v19, _, _ =	vpop (xrf0)  }
0x1c3: {  	(v2sf) =	vpush v19, $0xF;
	_ =	sdelay $0xc  }
0x1c4: {  	v19 =	vld [tilespmem:s4+$0xA300];
	_ =	sdelay $0x1  }
0x1c5: {  	s14 =	spop (v2sf)  }
0x1c6: {  	s21 =	sand.u32 $0xF, s14  }
0x1c7: {  	v57 =	vmov s21  }
0x1c8: {  	v58 =	vxor.u32 $0x80000000, v19;
	vm12 =	veq.s32 v57, v9  }
0x1c9: {  	v21 =	vnsel vm12, $0x80000000, v58  }
0x1ca: {  	(xrf0) =	vmax.scan.msk.u32 $0xffff, v21;
	_ =	sdelay $0x5  }
0x1cb: {  	v21, _, _ =	vpop (xrf0)  }
0x1cc: {  	(v2sf) =	vpush v21, $0xF;
	_ =	sdelay $0xb  }
0x1cd: {  	v59 =	vadd.s32 s22, v13  }
0x1ce: {  	s22 =	sshrl.u32 s14, $0x4;
	v21 =	vand.u32 $0xFFFFFF80, v59  }
0x1cf: {  	s13 =	sand.u32 $0xF, s22;
	v21 =	vor.u32 s21, v21  }
0x1d0: {  	s13 =	sshll.u32 s15, s13;
	v21 =	vor.u32 v14, v21;
	s22 =	spop (v2sf)  }
0x1d1: {  	s13 =	sor.u32 s13, s22  }
0x1d2: {  	s13 =	sxor.u32 $0x80000000, s13  }
0x1d3: {  	v19 =	vsel vm12, s13, v19  }
0x1d4: {  	[tilespmem:s4+$0xA300] =	vst v19  }
0x1d5: {  	v19 =	vld.idx.msk [tilespmem:v21+s5+$0x0], $0xffff;
	_ =	sdelay $0x4  }
0x1d6: {  	v19 =	vadd.f32 $-5.000000000e-01, v19  }
0x1d7: {  	v60 =	vand.u32 s13, v10  }
0x1d8: {  	vm13 =	veq.s32 v60, $0x0;
	v19 =	vand.u32 $0x7FFFFFFF, v19  }
0x1d9: {  	v19 =	vnsel vm13, $0x7F800000, v19  }
0x1da: {  	(xrf0) =	vmin.scan.msk.f32 $0xffff, v19;
	_ =	sdelay $0x5  }
0x1db: {  	v61, _, _ =	vpop (xrf0)  }
0x1dc: {  	v21 =	vbroadcast v61, $0xF;
	_ =	sdelay $0x1  }
0x1dd: {  	vm1 =	veq.f32 v19, v21;
	v19 =	vsel vm12, v21, v20  }
0x1de: {  	v20 =	vnsel vm1, $0x80000010, v11;
	(xrf0) =	vmin.scan.msk.f32 $0xffff, v19  }
0x1df: {  	(xrf0) =	vmin.scan.msk.u32 $0xffff, v20;
	_ =	sdelay $0x4  }
0x1e0: {  	v20, _, _ =	vpop (xrf0)  }
0x1e1: {  	v62, _, _ =	vpop (xrf0)  }
0x1e2: {  	(v2sf) =	vpush v62, $0xF;
	_ =	sdelay $0xe  }
0x1e3: {  	s21 =	spop (v2sf)  }
0x1e4: {  	s13 =	sxor.u32 $0x80000000, s21  }
0x1e5: {  	s22 =	sshll.u32 s10, $0x3;
	[tilespmem:s4+$0x4000] =	vst v19;
	v17 =	vsel vm12, s13, v17  }
0x1e6: {  	[tilespmem:s4+$0x5000] =	vst v17;
	s4 =	sand.u32 $0xFFFFFF80, s22  }
0x1e7: {  	v19 =	vld [tilespmem:s4+$0xA000];
	_ =	sdelay $0x1  }
0x1e8: {  	s10 =	sand.u32 $0xF, s10  }
0x1e9: {  	v63 =	vmov s0;
	v20 =	vbroadcast v20, $0xF;
	v17 =	vmov s10  }
0x1ea: {  	vm14 =	veq.s32 v63, v9;
	s22 =	sxor.u32 $0x80000000, s14;
	vm15 =	veq.s32 v17, v9  }
0x1eb: {  	s0 =	simm.s32 $0x1;
	v17 =	vsel vm14, s22, v18;
	v18 =	vsel vm15, v20, v19  }
.LBB2_13:
0x1ec: {  	p1 =	sne.s32 s0, $0x9;
	[tilespmem:s4+$0xA000] =	vst v18;
	s14 =	smov.u32 s0;
	s0 =	sadd.s32 $0x1, s0  }
0x1ed: {  	v18 =	vld [tilespmem:$0xA000]  }
0x1ee: {  	v19 =	vld [tilespmem:$0xA080];
	_ =	sdelay $0x4  }
0x1ef: {  	vm0 =	vlt.f32 v19, v18  }
0x1f0: {  	v18 =	vsel vm0, v19, v18  }
0x1f1: {  	(xrf0) =	vmin.scan.msk.f32 $0xffff, v18;
	_ =	sdelay $0x5  }
0x1f2: {  	v19, _, _ =	vpop (xrf0)  }
0x1f3: {  	v20 =	vbroadcast v19, $0xF;
	_ =	sdelay $0x1  }
0x1f4: {  	vm1 =	veq.f32 v18, v20;
	v18 =	vsel vm0, v12, v11  }
0x1f5: {  	v18 =	vnsel vm1, $0xC0000000, v18  }
0x1f6: {  	(xrf0) =	vmin.scan.msk.u32 $0xffff, v18;
	_ =	sdelay $0x5  }
0x1f7: {  	v18, _, _ =	vpop (xrf0)  }
0x1f8: {  	(v2sf) =	vpush v18, $0xF;
	_ =	sdelay $0xe  }
0x1f9: {  	s10 =	spop (v2sf)  }
0x1fa: {  	s4 =	sshll.u32 s10, $0x7;
	s21 =	sand.u32 $0xF, s10;
	s13 =	sshll.u32 s10, $0x3  }
0x1fb: {  	v19 =	vld [tilespmem:s4+$0x5000];
	v18 =	vmov s21;
	_ =	sdelay $0x1  }
0x1fc: {  	v21 =	vld [tilespmem:s4+$0x4000];
	_ =	sdelay $0x2  }
0x1fd: {  	s10 =	sshll.u32 s10, $0x8;
	v22 =	vshll.u32 v19, $0x4  }
0x1fe: {  	v23 =	vadd.s32 s10, v13;
	v22 =	vadd.s32 s10, v22  }
0x1ff: {  	vm0 =	veq.f32 v21, v20;
	v20 =	vxor.u32 v11, v22  }
0x200: {  	v20 =	vnsel vm0, $0xC0000000, v20  }
0x201: {  	(xrf0) =	vmin.scan.msk.u32 $0xffff, v20;
	_ =	sdelay $0x5  }
0x202: {  	v20, _, _ =	vpop (xrf0)  }
0x203: {  	(v2sf) =	vpush v20, $0xF;
	_ =	sdelay $0xc  }
0x204: {  	v20 =	vld [tilespmem:s4+$0xA300];
	_ =	sdelay $0x1  }
0x205: {  	v22 =	vmov s14;
	s10 =	spop (v2sf)  }
0x206: {  	vm0 =	veq.s32 v22, v9;
	v22 =	vand.u32 $0xFFFFFF80, v23;
	s14 =	sxor.u32 $0x80000000, s10;
	s21 =	sand.u32 $0xF, s10;
	s10 =	sshrl.u32 s10, $0x4  }
0x207: {  	v17 =	vsel vm0, s14, v17;
	s10 =	sand.u32 $0xF, s10;
	v23 =	vmov s21;
	v22 =	vor.u32 s21, v22  }
0x208: {  	vm0 =	veq.s32 v23, v9;
	v23 =	vxor.u32 $0x80000000, v20  }
0x209: {  	v23 =	vnsel vm0, $0x80000000, v23  }
0x20a: {  	(xrf0) =	vmax.scan.msk.u32 $0xffff, v23;
	_ =	sdelay $0x5  }
0x20b: {  	v23, _, _ =	vpop (xrf0)  }
0x20c: {  	(v2sf) =	vpush v23, $0xF;
	_ =	sdelay $0xe  }
0x20d: {  	s10 =	sshll.u32 s15, s10;
	v22 =	vor.u32 v14, v22;
	s14 =	spop (v2sf)  }
0x20e: {  	s10 =	sor.u32 s10, s14  }
0x20f: {  	s10 =	sxor.u32 $0x80000000, s10  }
0x210: {  	v20 =	vsel vm0, s10, v20;
	v23 =	vand.u32 s10, v10  }
0x211: {  	[tilespmem:s4+$0xA300] =	vst v20  }
0x212: {  	v20 =	vld.idx.msk [tilespmem:v22+s5+$0x0], $0xffff;
	_ =	sdelay $0x5  }
0x213: {  	v20 =	vadd.f32 $-5.000000000e-01, v20;
	_ =	sdelay $0x1  }
0x214: {  	vm1 =	veq.s32 v23, $0x0;
	v20 =	vand.u32 $0x7FFFFFFF, v20  }
0x215: {  	v20 =	vnsel vm1, $0x7F800000, v20  }
0x216: {  	(xrf0) =	vmin.scan.msk.f32 $0xffff, v20;
	_ =	sdelay $0x5  }
0x217: {  	v22, _, _ =	vpop (xrf0)  }
0x218: {  	v22 =	vbroadcast v22, $0xF;
	_ =	sdelay $0x1  }
0x219: {  	vm1 =	veq.f32 v20, v22;
	v20 =	vsel vm0, v22, v21  }
0x21a: {  	v21 =	vnsel vm1, $0x80000010, v11;
	[tilespmem:s4+$0x4000] =	vst v20;
	(xrf0) =	vmin.scan.msk.f32 $0xffff, v20  }
0x21b: {  	(xrf0) =	vmin.scan.msk.u32 $0xffff, v21;
	_ =	sdelay $0x4  }
0x21c: {  	v20, _, _ =	vpop (xrf0)  }
0x21d: {  	v21, _, _ =	vpop (xrf0)  }
0x21e: {  	(v2sf) =	vpush v21, $0xF;
	_ =	sdelay $0xe  }
0x21f: {  	s10 =	spop (v2sf)  }
0x220: {  	s10 =	sxor.u32 $0x80000000, s10  }
0x221: {  	v19 =	vsel vm0, s10, v19  }
0x222: {  	[tilespmem:s4+$0x5000] =	vst v19;
	s4 =	sand.u32 $0xFFFFFF80, s13  }
0x223: {  	v19 =	vld [tilespmem:s4+$0xA000]  }
.Ltmp5:
0x224: {  	(pc) =	sbr.rel @p1 .LBB2_13-.Ltmp5, $4  }
0x225: {  	_ = 	snop  }
0x226: {  	v20 =	vbroadcast v20, $0xF  }
0x227: {  	vm0 =	veq.s32 v18, v9  }
0x228: {  	v18 =	vsel vm0, v20, v19  }
0x229: {  	v11 =	vshrl.u32 v17, $0x1  }
0x22a: {  	v12 =	vand.u32 $0xF, v17;
	v11 =	vand.u32 $0x7FFFFF80, v11  }
0x22b: {  	v11 =	vor.u32 v12, v11;
	_ =	sdelay $0x1  }
0x22c: {  	v63 =	vadd.s32 v15, v17;
	_ =	sdelay $0x1  }
0x22d: {  	[tilespmem:s4+$0xA000] =	vst v18  }
0x22e: {  	[tilespmem:v11+s19+$0x0] =	vst.idx.msk $0xffff, v1  }
0x22f: {  	[tilespmem:s26+$0xD320] =	vst v17  }
0x230: {  	v11 =	vld.idx.msk [tilespmem:v63+s5+$0x0], $0xffff;
	_ =	sdelay $0x3  }
0x231: {  	s0 =	sadd.s32 $0x1000, s31  }
0x232: {  	s0 =	sand.u32 $0x3FFFFF80, s0;
	[tilespmem:s26+$0xD4A0] =	vst v11;
	v11 =	vadd.s32 v16, v17  }
0x233: {  	s22 =	sadd.s32 $0xD420, s28;
	s0 =	sadd.s32 $0xD580, s0;
	[tilespmem:s28+$0xD420] =	vst v11  }
0x234: {  	[tilespmem:s0], [sflag:$0x2] =	stream.indirect.gather [hbm4b:s1+s17], $0x80, s22, s17, $0x2000b8;
	[tilespmem:$0x10580] =	vst v63  }
0x235: {  	s26 =	sor.u32 s9, s25;
	_ =	strace $0x9000004A  }
.Ltmp6:
0x236: {  	s31 =	sadd.s32 s2, s26;
	_ =	strace $0x8000004B;
	(pc) =	sbr.rel @p0 .LBB2_4-.Ltmp6, $4  }
0x237: {  	[hbm4b:s31+s5] =	stream.linear.scatter [tilespmem:s30], [sflag:$0x3], $0x80, $0x200038;
	[tilespmem:$0x10580] =	vst v63  }
0x238: {  	s0 =	sadd.s32 s3, s26  }
0x239: {  	[hbm4b:s0+s5] =	stream.linear.scatter [tilespmem:s29], [sflag:$0x3], $0x80, $0x200038;
	[tilespmem:$0x10580] =	vst v63  }
0x23a: {  	p1 =	por $0x0, $0x0;
	s28 =	simm.s32 $0x1;
	_ =	strace $0x9000004B  }
0x23b: {  	_ =	strace $0x8000004C  }
0x23c: {  	_ =	swait.ge [sflag:s20], $0x800  }
0x23d: {  	[sflag:s20] =	ssyncset.done $0x0  }
0x23e: {  	[sflag:s20] =	ssyncadd.s32 $0xFFFFF800  }
0x23f: {  	_ =	swait.ge [sflag:s20], $0x800  }
0x240: {  	[sflag:s20] =	ssyncset.done $0x0  }
0x241: {  	[sflag:s20] =	ssyncadd.s32 $0xFFFFF800  }
0x242: {  	_ =	swait.ge [sflag:s20], $0x800  }
0x243: {  	[sflag:s20] =	ssyncset.done $0x0  }
0x244: {  	[sflag:s20] =	ssyncadd.s32 $0xFFFFF800  }
0x245: {  	_ =	swait.ge [sflag:s20], $0x800  }
0x246: {  	[sflag:s20] =	ssyncset.done $0x0  }
0x247: {  	[sflag:s20] =	ssyncadd.s32 $0xFFFFF800  }
0x248: {  	_ =	swait.ge [sflag:s20], $0x800  }
0x249: {  	[sflag:s20] =	ssyncset.done $0x0  }
0x24a: {  	[sflag:s20] =	ssyncadd.s32 $0xFFFFF800  }
0x24b: {  	_ =	swait.ge [sflag:s20], $0x800  }
0x24c: {  	[sflag:s20] =	ssyncset.done $0x0  }
0x24d: {  	s4 =	simm.s32 $0xD580;
	s0 =	rddreg [dreg:$0x6];
	[sflag:s20] =	ssyncadd.s32 $0xFFFFF800  }
0x24e: {  	[hbm4b:s0+s5] =	stream.linear.scatter [tilespmem:s4], [sflag:$0x3], $0x1800, $0x200038;
	[tilespmem:$0x10580] =	vst v63  }
0x24f: {  	s31 =	simm.s32 $0xED80  }
0x250: {  	[hbm4b:s11+s5] =	stream.linear.scatter [tilespmem:s31], [sflag:$0x3], $0x1800, $0x200038;
	[tilespmem:$0x10580] =	vst v63  }
0x251: {  	_ =	swait.ge [sflag:s23], $0x80  }
0x252: {  	[sflag:s23] =	ssyncset.done $0x0  }
0x253: {  	[sflag:s23] =	ssyncadd.s32 $0xFFFFFF80  }
0x254: {  	_ =	swait.ge [sflag:s23], $0x80  }
0x255: {  	[sflag:s23] =	ssyncset.done $0x0  }
0x256: {  	[sflag:s23] =	ssyncadd.s32 $0xFFFFFF80  }
0x257: {  	_ =	swait.ge [sflag:s23], $0x1800  }
0x258: {  	[sflag:s23] =	ssyncset.done $0x0  }
0x259: {  	[sflag:s23] =	ssyncadd.s32 $0xFFFFE800  }
0x25a: {  	_ =	swait.ge [sflag:s23], $0x80  }
0x25b: {  	[sflag:s23] =	ssyncset.done $0x0  }
0x25c: {  	[sflag:s23] =	ssyncadd.s32 $0xFFFFFF80  }
0x25d: {  	s24 =	sadd.s32 $0x1, s24;
	_ =	swait.ge [sflag:s23], $0x80  }
0x25e: {  	p0 =	sne.s32 s24, s12;
	[sflag:s23] =	ssyncset.done $0x0  }
.Ltmp7:
0x25f: {  	[sflag:s23] =	ssyncadd.s32 $0xFFFFFF80;
	(pc) =	sbr.rel @p0 .LBB2_1-.Ltmp7, $4  }
0x260: {  	_ =	swait.ge [sflag:s23], $0x1800  }
0x261: {  	[sflag:s23] =	ssyncset.done $0x0  }
0x262: {  	[sflag:s23] =	ssyncadd.s32 $0xFFFFE800  }
0x263: {  	_ =	strace $0x9000004C  }
0x264: {  	_ =	sfence.sel $0x180000  }
0x265: {  	[bflag:$0x0] =	sbarrier.arrive $0xFFFF  }
0x266: {  	_ =	strace $0x90000047  }
0x267: {  	s0 =	stileid.u32;
	[bflag:$0x2] =	sbarrier.arrive $0xFFFF  }
0x268: {  	p0 =	sne.s32 s0, $0x0;
	s0 =	rddreg [dreg:$0x5]  }
0x269: {  	s0 =	sadd.s32 @!p0 $0x100000, s0  }
0x26a: {  	[sflag:s0] =	ssyncadd.tile.s32 @!p0 $0x1;
	_ =	shalt  }
.Lfunc_end2:
_tile_overlayer_lowered:
.L_overlay_start_2:
0x26b: {  	(tag) =	ssettag $0x2  }
0x26c: {  	s0 =	rddreg [dreg:$0x0];
	s2 =	stileid.u32  }
0x26d: {  	s1 =	rddreg [dreg:$0x1];
	p0 =	sne.s32 s2, $0x0  }
0x26e: {  	s3 =	rddreg [dreg:$0x2];
	[bflag:$0x3] =	sbarrier.arrive $0xFFFF;
	s2 =	simm.s32 @!p0 $0x1C04  }
0x26f: {  	[timem:s3], [sflag:s2] =	dma.local @!p0 [hbm:s0], s1  }
0x270: {  	s0 =	simm.s32 @!p0 $0x4  }
0x271: {  	_ =	swait.ge @!p0 [sflag:s0], s1  }
0x272: {  	s1 =	ssub.s32 @!p0 $0x0, s1;
	[sflag:s0] =	ssyncset.done @!p0 $0x0  }
0x273: {  	[sflag:s0] =	ssyncadd.s32 @!p0 s1  }
0x274: {  	[bflag:$0x3] =	sbarrier.arrive $0xFFFF  }
0x275: {  	_ =	shalt  }

</sc_bundles>
